<compile_context>
chip_gen: v7x
topology: tpu7x:2x2x1
jax: 0.10.2.dev20260603
libtpu: 0.0.44.dev20260713+nightly
codegen_flags: <defaults>
</compile_context>

<pallas_src>
import functools

import jax
import jax.numpy as jnp
from jax import lax
from jax.experimental import pallas as pl
from jax.experimental.pallas import tpu as pltpu
from jax.experimental.pallas import tpu_sc as plsc

_N = 10000
_NP = 10240
_E = 320000
_NW = 32
_ETILE = 10240
_NCHUNK = 80
_EP = _NW * _ETILE
_ROWS_PER_TILE = _NP // 16

@functools.cache
def _get_mesh():
    return plsc.VectorSubcoreMesh(core_axis_name="c", subcore_axis_name="s")


def _deg_body(col_hbm, out_hbm, idx_v, ones_v, dv, sh_deg):
    cid = lax.axis_index("c")
    sid = lax.axis_index("s")
    gid = cid * 16 + sid
    zero16 = jnp.zeros((16,), jnp.float32)
    one16 = jnp.ones((16,), jnp.float32)

    def _z(i, _):
        dv[pl.ds(i * 16, 16)] = zero16
        return 0

    lax.fori_loop(0, _ROWS_PER_TILE // 16, _z, 0)

    def _o(i, _):
        ones_v[pl.ds(i * 16, 16)] = one16
        return 0

    lax.fori_loop(0, 8, _o, 0)

    pltpu.sync_copy(dv, sh_deg.at[pl.ds(sid * _ROWS_PER_TILE, _ROWS_PER_TILE)])
    pltpu.sync_copy(col_hbm.at[gid], idx_v)
    plsc.subcore_barrier()

    def _acc(j, _):
        pltpu.sync_copy(ones_v, sh_deg.at[idx_v.at[j]], add=True)
        return 0

    lax.fori_loop(0, _NCHUNK, _acc, 0)
    plsc.subcore_barrier()
    pltpu.sync_copy(sh_deg.at[pl.ds(sid * _ROWS_PER_TILE, _ROWS_PER_TILE)], dv)
    pltpu.sync_copy(dv, out_hbm.at[cid, pl.ds(sid * _ROWS_PER_TILE, _ROWS_PER_TILE)])


@functools.cache
def _deg_kernel():
    return pl.kernel(
        _deg_body,
        out_type=jax.ShapeDtypeStruct((2, _NP), jnp.float32),
        mesh=_get_mesh(),
        scratch_types=[
            pltpu.VMEM((_NCHUNK, 128), jnp.int32),
            pltpu.VMEM((128,), jnp.float32),
            pltpu.VMEM((_ROWS_PER_TILE,), jnp.float32),
            pltpu.VMEM_SHARED((_NP,), jnp.float32),
        ],
    )


_NBUF = 5
_NCHUNK2 = 2 * _NCHUNK


@functools.cache
def _make_scatter(D):
    Dh = D // 2

    def _scatter(s_hbm, row_hbm, col_hbm, out_hbm, ir_v, ic_v, rows, gsems, ssems, acc):
        cid = lax.axis_index("c")
        sid = lax.axis_index("s")
        zero16 = jnp.zeros((16,), jnp.float32)
        off16 = jnp.full((16,), cid * _NP, jnp.int32)

        def _z(i, _):
            for t in range(Dh // 16):
                rows[0][i, pl.ds(t * 16, 16)] = zero16
            return 0

        lax.fori_loop(0, 128, _z, 0)

        def _zc(i, _):
            pltpu.sync_copy(
                rows[0], acc.at[pl.ds(sid * _ROWS_PER_TILE + i * 128, 128)]
            )
            return 0

        lax.fori_loop(0, _ROWS_PER_TILE // 128, _zc, 0)

        pltpu.sync_copy(row_hbm.at[sid], ir_v)
        pltpu.sync_copy(col_hbm.at[sid], ic_v)

        def _ofs(i, _):
            for t in range(8):
                ir_v[i, pl.ds(t * 16, 16)] = ir_v[i, pl.ds(t * 16, 16)] + off16
            return 0

        lax.fori_loop(0, _NCHUNK2, _ofs, 0)
        plsc.subcore_barrier()

        for b in range(_NBUF):
            pltpu.async_copy(s_hbm.at[ir_v.at[b]], rows[b], gsems[b])

        nblk = _NCHUNK2 // _NBUF

        def _acc_body(i, _):
            for b in range(_NBUF):
                j = _NBUF * i + b
                pltpu.make_async_copy(s_hbm.at[ir_v.at[j]], rows[b], gsems[b]).wait()
                pltpu.async_copy(rows[b], acc.at[ic_v.at[j]], ssems[b], add=True)

            for b in range(_NBUF):
                j = _NBUF * i + b

                @pl.when(i < nblk - 1)
                def _():
                    pltpu.make_async_copy(rows[b], acc.at[ic_v.at[j]], ssems[b]).wait()
                    pltpu.async_copy(s_hbm.at[ir_v.at[j + _NBUF]], rows[b], gsems[b])

            return 0

        lax.fori_loop(0, nblk, _acc_body, 0)
        for b in range(_NBUF):
            j = _NCHUNK2 - _NBUF + b
            pltpu.make_async_copy(rows[b], acc.at[ic_v.at[j]], ssems[b]).wait()
        plsc.subcore_barrier()
        pltpu.sync_copy(
            acc.at[pl.ds(sid * _ROWS_PER_TILE, _ROWS_PER_TILE)],
            out_hbm.at[cid, pl.ds(sid * _ROWS_PER_TILE, _ROWS_PER_TILE)],
        )

    return pl.kernel(
        _scatter,
        out_type=jax.ShapeDtypeStruct((2, _NP, Dh), jnp.float32),
        mesh=_get_mesh(),
        compiler_params=pltpu.CompilerParams(use_tc_tiling_on_sc=False),
        scratch_types=[
            pltpu.VMEM((_NCHUNK2, 128), jnp.int32),
            pltpu.VMEM((_NCHUNK2, 128), jnp.int32),
            [pltpu.VMEM((128, Dh), jnp.float32) for _ in range(_NBUF)],
            [pltpu.SemaphoreType.DMA for _ in range(_NBUF)],
            [pltpu.SemaphoreType.DMA for _ in range(_NBUF)],
            pltpu.VMEM_SHARED((_NP, Dh), jnp.float32),
        ],
    )


_BLK = 1024


def _row_mask(shape):
    rid = pl.program_id(0) * _BLK + lax.broadcasted_iota(jnp.int32, shape, 0)
    return rid < _N


def _s1_body(x_ref, d0_ref, d1_ref, w_ref, s_ref, u_ref):
    deg = d0_ref[...] + d1_ref[...] + 1.0
    u = lax.rsqrt(deg)
    h = jnp.dot(x_ref[...], w_ref[...], preferred_element_type=jnp.float32)
    s_ref[...] = jnp.where(_row_mask((_BLK, 1)), u * h, 0.0)
    u_ref[...] = u


def _s3_body(p0_ref, p1_ref, s1_ref, u_ref, w_ref, b_ref, s2_ref):
    u = u_ref[...]
    p = jnp.concatenate([p0_ref[...], p1_ref[...]], axis=1)
    t = u * (p + s1_ref[...]) + b_ref[...]
    r = jnp.maximum(t, 0.0)
    h2 = jnp.dot(r, w_ref[...], preferred_element_type=jnp.float32)
    s2_ref[...] = jnp.where(_row_mask((_BLK, 1)), u * h2, 0.0)


def _s5_body(q0_ref, q1_ref, s2_ref, u_ref, b_ref, o_ref):
    q = jnp.concatenate([q0_ref[...], q1_ref[...]], axis=1)
    o = u_ref[...] * (q + s2_ref[...]) + b_ref[...]
    m = jnp.max(o, axis=1, keepdims=True)
    lg = o - m
    o_ref[...] = lg - jnp.log(jnp.sum(jnp.exp(lg), axis=1, keepdims=True))


def _node_spec(d):
    return pl.BlockSpec((_BLK, d), lambda i: (i, 0))


def _full_spec(r, c):
    return pl.BlockSpec((r, c), lambda i: (0, 0))


_s1_call = pl.pallas_call(
    _s1_body,
    grid=(10,),
    in_specs=[_node_spec(128), _node_spec(1), _node_spec(1), _full_spec(128, 128)],
    out_specs=[_node_spec(128), _node_spec(1)],
    out_shape=[
        jax.ShapeDtypeStruct((_NP, 128), jnp.float32),
        jax.ShapeDtypeStruct((_NP, 1), jnp.float32),
    ],
)

_s3_call = pl.pallas_call(
    _s3_body,
    grid=(10,),
    in_specs=[
        _node_spec(64),
        _node_spec(64),
        _node_spec(128),
        _node_spec(1),
        _full_spec(128, 32),
        _full_spec(1, 128),
    ],
    out_specs=_node_spec(32),
    out_shape=jax.ShapeDtypeStruct((_NP, 32), jnp.float32),
)

_s5_call = pl.pallas_call(
    _s5_body,
    grid=(10,),
    in_specs=[
        _node_spec(16),
        _node_spec(16),
        _node_spec(32),
        _node_spec(1),
        _full_spec(1, 32),
    ],
    out_specs=_node_spec(32),
    out_shape=jax.ShapeDtypeStruct((_NP, 32), jnp.float32),
)


def kernel(x, edge_index, W1, b1, W2, b2):
    x_p = jnp.zeros((_NP, 128), jnp.float32).at[:_N].set(x)
    pad = jnp.full((_EP - _E,), _N, jnp.int32)
    row_p = jnp.concatenate([edge_index[0], pad])
    col_p = jnp.concatenate([edge_index[1], pad])
    col_deg = col_p.reshape(_NW, _NCHUNK, 128)
    row_r = row_p.reshape(16, _NCHUNK2, 128)
    col_r = col_p.reshape(16, _NCHUNK2, 128)

    degp = _deg_kernel()(col_deg)
    d0 = degp[0].reshape(_NP, 1)
    d1 = degp[1].reshape(_NP, 1)

    s1, u = _s1_call(x_p, d0, d1, W1.T)
    s1h = jnp.concatenate([s1[:, :64], s1[:, 64:]], axis=0)
    p = _make_scatter(128)(s1h, row_r, col_r)
    s2 = _s3_call(p[0], p[1], s1, u, W2.T, b1.reshape(1, 128))
    s2h = jnp.concatenate([s2[:, :16], s2[:, 16:]], axis=0)
    q = _make_scatter(32)(s2h, row_r, col_r)
    o = _s5_call(q[0], q[1], s2, u, b2.reshape(1, 32))
    return o[:_N]

# --- scband reference (transcript-rebuilt; emitter-appended) ---
"""Pipeline reference for scband-cell-type-gnn-34093450395748 (READ-ONLY COPY).

The authoritative reference and input builder live on the scoring server;
editing this copy changes nothing except your own understanding.
"""

import jax, jax.numpy as jnp
import numpy as np

N = 10000
E = 320000
D = 128
H = 128
C = 32


def setup_inputs(seed: int = 0) -> dict:
    key = jax.random.key(seed)
    k1, k2, k3, k4, k5 = jax.random.split(key, 5)
    x = jax.random.normal(k1, (N, D), dtype=jnp.float32)
    edge_index = jax.random.randint(k2, (2, E), 0, N).astype(jnp.int32)
    # Linear weights (torch nn.Linear default init: U(-1/sqrt(fan_in), 1/sqrt(fan_in)))
    W1 = jax.random.uniform(k3, (H, D), dtype=jnp.float32, minval=-1.0 / np.sqrt(D), maxval=1.0 / np.sqrt(D))
    b1 = jnp.zeros((H,), dtype=jnp.float32)
    W2 = jax.random.uniform(k4, (C, H), dtype=jnp.float32, minval=-1.0 / np.sqrt(H), maxval=1.0 / np.sqrt(H))
    b2 = jnp.zeros((C,), dtype=jnp.float32)
    return {"x": x, "edge_index": edge_index, "W1": W1, "b1": b1, "W2": W2, "b2": b2}


def _gcn_conv(x, edge_index, W, b):
    n = x.shape[0]
    # add_self_loops
    loops = jnp.arange(n, dtype=edge_index.dtype)
    ei = jnp.concatenate([edge_index, jnp.stack([loops, loops], axis=0)], axis=1)
    # linear (no bias inside lin)
    h = x @ W.T
    row, col = ei[0], ei[1]
    # degree over col (target nodes)
    deg = jnp.zeros((n,), dtype=x.dtype).at[col].add(jnp.ones_like(col, dtype=x.dtype))
    deg_inv_sqrt = jnp.where(deg > 0, deg ** -0.5, 0.0)
    norm = deg_inv_sqrt[row] * deg_inv_sqrt[col]
    # message: norm * x_j (x_j = h[row]); aggregate 'add' at target col
    msg = norm[:, None] * h[row]
    out = jnp.zeros((n, h.shape[1]), dtype=h.dtype).at[col].add(msg)
    if b is not None:
        out = out + b
    return out


def reference(x, edge_index, W1, b1, W2, b2):
    # eval mode: dropout is identity
    h = _gcn_conv(x, edge_index, W1, b1)
    h = jax.nn.relu(h)
    out = _gcn_conv(h, edge_index, W2, b2)
    return jax.nn.log_softmax(out, axis=1)

if __name__ == "__main__":
    import jax
    _d = setup_inputs()
    print(jax.jit(kernel)(*tuple(_d.values())))

</pallas_src>

<mosaic_0001>
#map = affine_map<(d0, d1) -> (0, 0)>
#map1 = affine_map<(d0, d1) -> (0, 0, 0)>
module attributes {stable_mosaic.version = 14 : i64} {
  func.func @_scatter(%arg0: i32, %arg1: i32, %arg2: memref<20480x64xf32, #tpu.memory_space<hbm>>, %arg3: memref<16x160x128xi32, #tpu.memory_space<hbm>>, %arg4: memref<16x160x128xi32, #tpu.memory_space<hbm>>, %arg5: memref<2x10240x64xf32, #tpu.memory_space<hbm>>, %arg6: memref<160x128xi32, #tpu.memory_space<vmem>>, %arg7: memref<160x128xi32, #tpu.memory_space<vmem>>, %arg8: memref<128x64xf32, #tpu.memory_space<vmem>>, %arg9: memref<128x64xf32, #tpu.memory_space<vmem>>, %arg10: memref<128x64xf32, #tpu.memory_space<vmem>>, %arg11: memref<128x64xf32, #tpu.memory_space<vmem>>, %arg12: memref<128x64xf32, #tpu.memory_space<vmem>>, %arg13: memref<!tpu.dma_semaphore, #tpu.memory_space<semaphore_mem>>, %arg14: memref<!tpu.dma_semaphore, #tpu.memory_space<semaphore_mem>>, %arg15: memref<!tpu.dma_semaphore, #tpu.memory_space<semaphore_mem>>, %arg16: memref<!tpu.dma_semaphore, #tpu.memory_space<semaphore_mem>>, %arg17: memref<!tpu.dma_semaphore, #tpu.memory_space<semaphore_mem>>, %arg18: memref<!tpu.dma_semaphore, #tpu.memory_space<semaphore_mem>>, %arg19: memref<!tpu.dma_semaphore, #tpu.memory_space<semaphore_mem>>, %arg20: memref<!tpu.dma_semaphore, #tpu.memory_space<semaphore_mem>>, %arg21: memref<!tpu.dma_semaphore, #tpu.memory_space<semaphore_mem>>, %arg22: memref<!tpu.dma_semaphore, #tpu.memory_space<semaphore_mem>>, %arg23: memref<10240x64xf32, #tpu.memory_space<vmem_shared>>) attributes {dimension_semantics = [#tpu.dimension_semantics<core_parallel>, #tpu.dimension_semantics<subcore_parallel>], iteration_bounds = array<i64: 2, 16>, scalar_prefetch = 0 : i64, scratch_operands = 18 : i64, tpu.core_type = #tpu.core_type<sc_vector_subcore>, window_params = [{transform_indices = #map}, {transform_indices = #map1}, {transform_indices = #map1}, {transform_indices = #map1}]} {
    %broadcast_in_dim3A = arith.constant 0.000000e+00 : f32
    %broadcast_in_dim3A_0 = vector.broadcast %broadcast_in_dim3A : f32 to vector<16xf32>
    %mul3A = arith.constant 10240 : i32
    %mul3A_1 = arith.muli %arg0, %mul3A : i32
    %broadcast_in_dim3A_2 = vector.broadcast %mul3A_1 : i32 to vector<16xi32>
    %scan3A = arith.constant 0 : i32
    %scan3A_3 = arith.constant 0 : i32
    %scan3A_4 = arith.constant 128 : i32
    %scan3A_5 = arith.addi %scan3A_3, %scan3A_4 : i32
    %scan3A_6 = arith.constant 1 : i32
    %scan3A_7 = scf.for %scan3A_103 = %scan3A_3 to %scan3A_5 step %scan3A_6 iter_args(%scan3A_104 = %scan3A) -> (i32)  : i32 {
      %swap3A = arith.index_cast %scan3A_103 : i32 to index
      %swap3A_105 = arith.constant 0 : index
      %swap3A_106 = tpu.vector_load %arg8[%swap3A, %swap3A_105] {strides = array<i32>} : memref<128x64xf32, #tpu.memory_space<vmem>>, vector<1x16xf32>,
      %swap3A_107 = vector.shape_cast %swap3A_106 : vector<1x16xf32> to vector<16xf32>
      %swap3A_108 = vector.shape_cast %broadcast_in_dim3A_0 : vector<16xf32> to vector<1x16xf32>
      tpu.vector_store %arg8[%swap3A, %swap3A_105], %swap3A_108 {strides = array<i32>} : memref<128x64xf32, #tpu.memory_space<vmem>>, vector<1x16xf32>,
      %swap3A_109 = arith.index_cast %scan3A_103 : i32 to index
      %swap3A_110 = arith.constant 16 : index
      %swap3A_111 = tpu.vector_load %arg8[%swap3A_109, %swap3A_110] {strides = array<i32>} : memref<128x64xf32, #tpu.memory_space<vmem>>, vector<1x16xf32>,
      %swap3A_112 = vector.shape_cast %swap3A_111 : vector<1x16xf32> to vector<16xf32>
      %swap3A_113 = vector.shape_cast %broadcast_in_dim3A_0 : vector<16xf32> to vector<1x16xf32>
      tpu.vector_store %arg8[%swap3A_109, %swap3A_110], %swap3A_113 {strides = array<i32>} : memref<128x64xf32, #tpu.memory_space<vmem>>, vector<1x16xf32>,
      %swap3A_114 = arith.index_cast %scan3A_103 : i32 to index
      %swap3A_115 = arith.constant 32 : index
      %swap3A_116 = tpu.vector_load %arg8[%swap3A_114, %swap3A_115] {strides = array<i32>} : memref<128x64xf32, #tpu.memory_space<vmem>>, vector<1x16xf32>,
      %swap3A_117 = vector.shape_cast %swap3A_116 : vector<1x16xf32> to vector<16xf32>
      %swap3A_118 = vector.shape_cast %broadcast_in_dim3A_0 : vector<16xf32> to vector<1x16xf32>
      tpu.vector_store %arg8[%swap3A_114, %swap3A_115], %swap3A_118 {strides = array<i32>} : memref<128x64xf32, #tpu.memory_space<vmem>>, vector<1x16xf32>,
      %swap3A_119 = arith.index_cast %scan3A_103 : i32 to index
      %swap3A_120 = arith.constant 48 : index
      %swap3A_121 = tpu.vector_load %arg8[%swap3A_119, %swap3A_120] {strides = array<i32>} : memref<128x64xf32, #tpu.memory_space<vmem>>, vector<1x16xf32>,
      %swap3A_122 = vector.shape_cast %swap3A_121 : vector<1x16xf32> to vector<16xf32>
      %swap3A_123 = vector.shape_cast %broadcast_in_dim3A_0 : vector<16xf32> to vector<1x16xf32>
      tpu.vector_store %arg8[%swap3A_119, %swap3A_120], %swap3A_123 {strides = array<i32>} : memref<128x64xf32, #tpu.memory_space<vmem>>, vector<1x16xf32>,
      %scan3A_124 = arith.constant 0 : i32
      scf.yield %scan3A_124 : i32
    }
    %scan3A_8 = arith.constant 128 : i32
    %scan3A_9 = arith.constant 0 : i32
    %scan3A_10 = arith.constant 0 : i32
    %scan3A_11 = arith.constant 5 : i32
    %scan3A_12 = arith.addi %scan3A_10, %scan3A_11 : i32
    %scan3A_13 = arith.constant 1 : i32
    %scan3A_14 = scf.for %scan3A_103 = %scan3A_10 to %scan3A_12 step %scan3A_13 iter_args(%scan3A_104 = %scan3A_9) -> (i32)  : i32 {
      %mul3A_105 = arith.constant 640 : i32
      %mul3A_106 = arith.muli %arg1, %mul3A_105 : i32
      %mul3A_107 = arith.constant 128 : i32
      %mul3A_108 = arith.muli %scan3A_103, %mul3A_107 : i32
      %add3A = arith.addi %mul3A_106, %mul3A_108 : i32
      "tpu.region"() ({
        %run_scoped3A = tpu.sem_alloc : memref<!tpu.dma_semaphore, #tpu.memory_space<semaphore_mem>>
        %dma_start3A_110 = arith.constant 0 : i32
        %dma_start3A_111 = tpu.memref_slice %arg23[%add3A, %dma_start3A_110] : memref<10240x64xf32, #tpu.memory_space<vmem_shared>> -> memref<128x64xf32, #tpu.memory_space<vmem_shared>>
        %dma_start3A_112 = arith.constant 0 : i32
        %dma_start3A_113 = tpu.memref_slice %arg23[%add3A, %dma_start3A_112] : memref<10240x64xf32, #tpu.memory_space<vmem_shared>> -> memref<128x64xf32, #tpu.memory_space<vmem_shared>>
        tpu.enqueue_dma source(%arg8 : memref<128x64xf32, #tpu.memory_space<vmem>>) target(%dma_start3A_113 : memref<128x64xf32, #tpu.memory_space<vmem_shared>>) target_semaphore(%run_scoped3A : memref<!tpu.dma_semaphore, #tpu.memory_space<semaphore_mem>>)
        %dma_wait3A_114 = arith.constant 0 : i32
        %dma_wait3A_115 = tpu.memref_slice %arg23[%add3A, %dma_wait3A_114] : memref<10240x64xf32, #tpu.memory_space<vmem_shared>> -> memref<128x64xf32, #tpu.memory_space<vmem_shared>>
        %dma_wait3A_116 = arith.constant 0 : i32
        %dma_wait3A_117 = tpu.memref_slice %arg23[%add3A, %dma_wait3A_116] : memref<10240x64xf32, #tpu.memory_space<vmem_shared>> -> memref<128x64xf32, #tpu.memory_space<vmem_shared>>
        tpu.wait_dma2 semaphore(%run_scoped3A : memref<!tpu.dma_semaphore, #tpu.memory_space<semaphore_mem>>) src(%arg8 : memref<128x64xf32, #tpu.memory_space<vmem>>) dst(%dma_wait3A_117 : memref<128x64xf32, #tpu.memory_space<vmem_shared>>)
        tpu.yield
      }) : () -> ()
      %scan3A_109 = arith.constant 0 : i32
      scf.yield %scan3A_109 : i32
    }
    %scan3A_15 = arith.constant 5 : i32
    "tpu.region"() ({
      %run_scoped3A = tpu.sem_alloc : memref<!tpu.dma_semaphore, #tpu.memory_space<semaphore_mem>>
      %dma_start3A_103 = arith.constant 0 : i32
      %dma_start3A_104 = arith.constant 0 : i32
      %dma_start3A_105 = tpu.memref_slice %arg3[%arg1, %dma_start3A_103, %dma_start3A_104] : memref<16x160x128xi32, #tpu.memory_space<hbm>> -> memref<1x160x128xi32, #tpu.memory_space<hbm>>
      %dma_start3A_106 = tpu.memref_squeeze %dma_start3A_105 : memref<1x160x128xi32, #tpu.memory_space<hbm>> -> memref<160x128xi32, #tpu.memory_space<hbm>>
      %dma_start3A_107 = arith.constant 0 : i32
      %dma_start3A_108 = arith.constant 0 : i32
      %dma_start3A_109 = tpu.memref_slice %arg3[%arg1, %dma_start3A_107, %dma_start3A_108] : memref<16x160x128xi32, #tpu.memory_space<hbm>> -> memref<1x160x128xi32, #tpu.memory_space<hbm>>
      %dma_start3A_110 = tpu.memref_squeeze %dma_start3A_109 : memref<1x160x128xi32, #tpu.memory_space<hbm>> -> memref<160x128xi32, #tpu.memory_space<hbm>>
      tpu.enqueue_dma source(%dma_start3A_110 : memref<160x128xi32, #tpu.memory_space<hbm>>) target(%arg6 : memref<160x128xi32, #tpu.memory_space<vmem>>) target_semaphore(%run_scoped3A : memref<!tpu.dma_semaphore, #tpu.memory_space<semaphore_mem>>)
      %dma_wait3A_111 = arith.constant 0 : i32
      %dma_wait3A_112 = arith.constant 0 : i32
      %dma_wait3A_113 = tpu.memref_slice %arg3[%arg1, %dma_wait3A_111, %dma_wait3A_112] : memref<16x160x128xi32, #tpu.memory_space<hbm>> -> memref<1x160x128xi32, #tpu.memory_space<hbm>>
      %dma_wait3A_114 = tpu.memref_squeeze %dma_wait3A_113 : memref<1x160x128xi32, #tpu.memory_space<hbm>> -> memref<160x128xi32, #tpu.memory_space<hbm>>
      %dma_wait3A_115 = arith.constant 0 : i32
      %dma_wait3A_116 = arith.constant 0 : i32
      %dma_wait3A_117 = tpu.memref_slice %arg3[%arg1, %dma_wait3A_115, %dma_wait3A_116] : memref<16x160x128xi32, #tpu.memory_space<hbm>> -> memref<1x160x128xi32, #tpu.memory_space<hbm>>
      %dma_wait3A_118 = tpu.memref_squeeze %dma_wait3A_117 : memref<1x160x128xi32, #tpu.memory_space<hbm>> -> memref<160x128xi32, #tpu.memory_space<hbm>>
      tpu.wait_dma2 semaphore(%run_scoped3A : memref<!tpu.dma_semaphore, #tpu.memory_space<semaphore_mem>>) src(%dma_wait3A_118 : memref<160x128xi32, #tpu.memory_space<hbm>>) dst(%arg6 : memref<160x128xi32, #tpu.memory_space<vmem>>)
      tpu.yield
    }) : () -> ()
    "tpu.region"() ({
      %run_scoped3A = tpu.sem_alloc : memref<!tpu.dma_semaphore, #tpu.memory_space<semaphore_mem>>
      %dma_start3A_103 = arith.constant 0 : i32
      %dma_start3A_104 = arith.constant 0 : i32
      %dma_start3A_105 = tpu.memref_slice %arg4[%arg1, %dma_start3A_103, %dma_start3A_104] : memref<16x160x128xi32, #tpu.memory_space<hbm>> -> memref<1x160x128xi32, #tpu.memory_space<hbm>>
      %dma_start3A_106 = tpu.memref_squeeze %dma_start3A_105 : memref<1x160x128xi32, #tpu.memory_space<hbm>> -> memref<160x128xi32, #tpu.memory_space<hbm>>
      %dma_start3A_107 = arith.constant 0 : i32
      %dma_start3A_108 = arith.constant 0 : i32
      %dma_start3A_109 = tpu.memref_slice %arg4[%arg1, %dma_start3A_107, %dma_start3A_108] : memref<16x160x128xi32, #tpu.memory_space<hbm>> -> memref<1x160x128xi32, #tpu.memory_space<hbm>>
      %dma_start3A_110 = tpu.memref_squeeze %dma_start3A_109 : memref<1x160x128xi32, #tpu.memory_space<hbm>> -> memref<160x128xi32, #tpu.memory_space<hbm>>
      tpu.enqueue_dma source(%dma_start3A_110 : memref<160x128xi32, #tpu.memory_space<hbm>>) target(%arg7 : memref<160x128xi32, #tpu.memory_space<vmem>>) target_semaphore(%run_scoped3A : memref<!tpu.dma_semaphore, #tpu.memory_space<semaphore_mem>>)
      %dma_wait3A_111 = arith.constant 0 : i32
      %dma_wait3A_112 = arith.constant 0 : i32
      %dma_wait3A_113 = tpu.memref_slice %arg4[%arg1, %dma_wait3A_111, %dma_wait3A_112] : memref<16x160x128xi32, #tpu.memory_space<hbm>> -> memref<1x160x128xi32, #tpu.memory_space<hbm>>
      %dma_wait3A_114 = tpu.memref_squeeze %dma_wait3A_113 : memref<1x160x128xi32, #tpu.memory_space<hbm>> -> memref<160x128xi32, #tpu.memory_space<hbm>>
      %dma_wait3A_115 = arith.constant 0 : i32
      %dma_wait3A_116 = arith.constant 0 : i32
      %dma_wait3A_117 = tpu.memref_slice %arg4[%arg1, %dma_wait3A_115, %dma_wait3A_116] : memref<16x160x128xi32, #tpu.memory_space<hbm>> -> memref<1x160x128xi32, #tpu.memory_space<hbm>>
      %dma_wait3A_118 = tpu.memref_squeeze %dma_wait3A_117 : memref<1x160x128xi32, #tpu.memory_space<hbm>> -> memref<160x128xi32, #tpu.memory_space<hbm>>
      tpu.wait_dma2 semaphore(%run_scoped3A : memref<!tpu.dma_semaphore, #tpu.memory_space<semaphore_mem>>) src(%dma_wait3A_118 : memref<160x128xi32, #tpu.memory_space<hbm>>) dst(%arg7 : memref<160x128xi32, #tpu.memory_space<vmem>>)
      tpu.yield
    }) : () -> ()
    %scan3A_16 = arith.constant 0 : i32
    %scan3A_17 = arith.constant 0 : i32
    %scan3A_18 = arith.constant 160 : i32
    %scan3A_19 = arith.addi %scan3A_17, %scan3A_18 : i32
    %scan3A_20 = arith.constant 1 : i32
    %scan3A_21 = scf.for %scan3A_103 = %scan3A_17 to %scan3A_19 step %scan3A_20 iter_args(%scan3A_104 = %scan3A_16) -> (i32)  : i32 {
      %get3A = arith.index_cast %scan3A_103 : i32 to index
      %get3A_105 = arith.constant 0 : index
      %get3A_106 = tpu.vector_load %arg6[%get3A, %get3A_105] {strides = array<i32>} : memref<160x128xi32, #tpu.memory_space<vmem>>, vector<1x16xi32>,
      %get3A_107 = vector.shape_cast %get3A_106 : vector<1x16xi32> to vector<16xi32>
      %add3A = arith.addi %get3A_107, %broadcast_in_dim3A_2 : vector<16xi32>
      %swap3A = arith.index_cast %scan3A_103 : i32 to index
      %swap3A_108 = arith.constant 0 : index
      %swap3A_109 = tpu.vector_load %arg6[%swap3A, %swap3A_108] {strides = array<i32>} : memref<160x128xi32, #tpu.memory_space<vmem>>, vector<1x16xi32>,
      %swap3A_110 = vector.shape_cast %swap3A_109 : vector<1x16xi32> to vector<16xi32>
      %swap3A_111 = vector.shape_cast %add3A : vector<16xi32> to vector<1x16xi32>
      tpu.vector_store %arg6[%swap3A, %swap3A_108], %swap3A_111 {strides = array<i32>} : memref<160x128xi32, #tpu.memory_space<vmem>>, vector<1x16xi32>,
      %get3A_112 = arith.index_cast %scan3A_103 : i32 to index
      %get3A_113 = arith.constant 16 : index
      %get3A_114 = tpu.vector_load %arg6[%get3A_112, %get3A_113] {strides = array<i32>} : memref<160x128xi32, #tpu.memory_space<vmem>>, vector<1x16xi32>,
      %get3A_115 = vector.shape_cast %get3A_114 : vector<1x16xi32> to vector<16xi32>
      %add3A_116 = arith.addi %get3A_115, %broadcast_in_dim3A_2 : vector<16xi32>
      %swap3A_117 = arith.index_cast %scan3A_103 : i32 to index
      %swap3A_118 = arith.constant 16 : index
      %swap3A_119 = tpu.vector_load %arg6[%swap3A_117, %swap3A_118] {strides = array<i32>} : memref<160x128xi32, #tpu.memory_space<vmem>>, vector<1x16xi32>,
      %swap3A_120 = vector.shape_cast %swap3A_119 : vector<1x16xi32> to vector<16xi32>
      %swap3A_121 = vector.shape_cast %add3A_116 : vector<16xi32> to vector<1x16xi32>
      tpu.vector_store %arg6[%swap3A_117, %swap3A_118], %swap3A_121 {strides = array<i32>} : memref<160x128xi32, #tpu.memory_space<vmem>>, vector<1x16xi32>,
      %get3A_122 = arith.index_cast %scan3A_103 : i32 to index
      %get3A_123 = arith.constant 32 : index
      %get3A_124 = tpu.vector_load %arg6[%get3A_122, %get3A_123] {strides = array<i32>} : memref<160x128xi32, #tpu.memory_space<vmem>>, vector<1x16xi32>,
      %get3A_125 = vector.shape_cast %get3A_124 : vector<1x16xi32> to vector<16xi32>
      %add3A_126 = arith.addi %get3A_125, %broadcast_in_dim3A_2 : vector<16xi32>
      %swap3A_127 = arith.index_cast %scan3A_103 : i32 to index
      %swap3A_128 = arith.constant 32 : index
      %swap3A_129 = tpu.vector_load %arg6[%swap3A_127, %swap3A_128] {strides = array<i32>} : memref<160x128xi32, #tpu.memory_space<vmem>>, vector<1x16xi32>,
      %swap3A_130 = vector.shape_cast %swap3A_129 : vector<1x16xi32> to vector<16xi32>
      %swap3A_131 = vector.shape_cast %add3A_126 : vector<16xi32> to vector<1x16xi32>
      tpu.vector_store %arg6[%swap3A_127, %swap3A_128], %swap3A_131 {strides = array<i32>} : memref<160x128xi32, #tpu.memory_space<vmem>>, vector<1x16xi32>,
      %get3A_132 = arith.index_cast %scan3A_103 : i32 to index
      %get3A_133 = arith.constant 48 : index
      %get3A_134 = tpu.vector_load %arg6[%get3A_132, %get3A_133] {strides = array<i32>} : memref<160x128xi32, #tpu.memory_space<vmem>>, vector<1x16xi32>,
      %get3A_135 = vector.shape_cast %get3A_134 : vector<1x16xi32> to vector<16xi32>
      %add3A_136 = arith.addi %get3A_135, %broadcast_in_dim3A_2 : vector<16xi32>
      %swap3A_137 = arith.index_cast %scan3A_103 : i32 to index
      %swap3A_138 = arith.constant 48 : index
      %swap3A_139 = tpu.vector_load %arg6[%swap3A_137, %swap3A_138] {strides = array<i32>} : memref<160x128xi32, #tpu.memory_space<vmem>>, vector<1x16xi32>,
      %swap3A_140 = vector.shape_cast %swap3A_139 : vector<1x16xi32> to vector<16xi32>
      %swap3A_141 = vector.shape_cast %add3A_136 : vector<16xi32> to vector<1x16xi32>
      tpu.vector_store %arg6[%swap3A_137, %swap3A_138], %swap3A_141 {strides = array<i32>} : memref<160x128xi32, #tpu.memory_space<vmem>>, vector<1x16xi32>,
      %get3A_142 = arith.index_cast %scan3A_103 : i32 to index
      %get3A_143 = arith.constant 64 : index
      %get3A_144 = tpu.vector_load %arg6[%get3A_142, %get3A_143] {strides = array<i32>} : memref<160x128xi32, #tpu.memory_space<vmem>>, vector<1x16xi32>,
      %get3A_145 = vector.shape_cast %get3A_144 : vector<1x16xi32> to vector<16xi32>
      %add3A_146 = arith.addi %get3A_145, %broadcast_in_dim3A_2 : vector<16xi32>
      %swap3A_147 = arith.index_cast %scan3A_103 : i32 to index
      %swap3A_148 = arith.constant 64 : index
      %swap3A_149 = tpu.vector_load %arg6[%swap3A_147, %swap3A_148] {strides = array<i32>} : memref<160x128xi32, #tpu.memory_space<vmem>>, vector<1x16xi32>,
      %swap3A_150 = vector.shape_cast %swap3A_149 : vector<1x16xi32> to vector<16xi32>
      %swap3A_151 = vector.shape_cast %add3A_146 : vector<16xi32> to vector<1x16xi32>
      tpu.vector_store %arg6[%swap3A_147, %swap3A_148], %swap3A_151 {strides = array<i32>} : memref<160x128xi32, #tpu.memory_space<vmem>>, vector<1x16xi32>,
      %get3A_152 = arith.index_cast %scan3A_103 : i32 to index
      %get3A_153 = arith.constant 80 : index
      %get3A_154 = tpu.vector_load %arg6[%get3A_152, %get3A_153] {strides = array<i32>} : memref<160x128xi32, #tpu.memory_space<vmem>>, vector<1x16xi32>,
      %get3A_155 = vector.shape_cast %get3A_154 : vector<1x16xi32> to vector<16xi32>
      %add3A_156 = arith.addi %get3A_155, %broadcast_in_dim3A_2 : vector<16xi32>
      %swap3A_157 = arith.index_cast %scan3A_103 : i32 to index
      %swap3A_158 = arith.constant 80 : index
      %swap3A_159 = tpu.vector_load %arg6[%swap3A_157, %swap3A_158] {strides = array<i32>} : memref<160x128xi32, #tpu.memory_space<vmem>>, vector<1x16xi32>,
      %swap3A_160 = vector.shape_cast %swap3A_159 : vector<1x16xi32> to vector<16xi32>
      %swap3A_161 = vector.shape_cast %add3A_156 : vector<16xi32> to vector<1x16xi32>
      tpu.vector_store %arg6[%swap3A_157, %swap3A_158], %swap3A_161 {strides = array<i32>} : memref<160x128xi32, #tpu.memory_space<vmem>>, vector<1x16xi32>,
      %get3A_162 = arith.index_cast %scan3A_103 : i32 to index
      %get3A_163 = arith.constant 96 : index
      %get3A_164 = tpu.vector_load %arg6[%get3A_162, %get3A_163] {strides = array<i32>} : memref<160x128xi32, #tpu.memory_space<vmem>>, vector<1x16xi32>,
      %get3A_165 = vector.shape_cast %get3A_164 : vector<1x16xi32> to vector<16xi32>
      %add3A_166 = arith.addi %get3A_165, %broadcast_in_dim3A_2 : vector<16xi32>
      %swap3A_167 = arith.index_cast %scan3A_103 : i32 to index
      %swap3A_168 = arith.constant 96 : index
      %swap3A_169 = tpu.vector_load %arg6[%swap3A_167, %swap3A_168] {strides = array<i32>} : memref<160x128xi32, #tpu.memory_space<vmem>>, vector<1x16xi32>,
      %swap3A_170 = vector.shape_cast %swap3A_169 : vector<1x16xi32> to vector<16xi32>
      %swap3A_171 = vector.shape_cast %add3A_166 : vector<16xi32> to vector<1x16xi32>
      tpu.vector_store %arg6[%swap3A_167, %swap3A_168], %swap3A_171 {strides = array<i32>} : memref<160x128xi32, #tpu.memory_space<vmem>>, vector<1x16xi32>,
      %get3A_172 = arith.index_cast %scan3A_103 : i32 to index
      %get3A_173 = arith.constant 112 : index
      %get3A_174 = tpu.vector_load %arg6[%get3A_172, %get3A_173] {strides = array<i32>} : memref<160x128xi32, #tpu.memory_space<vmem>>, vector<1x16xi32>,
      %get3A_175 = vector.shape_cast %get3A_174 : vector<1x16xi32> to vector<16xi32>
      %add3A_176 = arith.addi %get3A_175, %broadcast_in_dim3A_2 : vector<16xi32>
      %swap3A_177 = arith.index_cast %scan3A_103 : i32 to index
      %swap3A_178 = arith.constant 112 : index
      %swap3A_179 = tpu.vector_load %arg6[%swap3A_177, %swap3A_178] {strides = array<i32>} : memref<160x128xi32, #tpu.memory_space<vmem>>, vector<1x16xi32>,
      %swap3A_180 = vector.shape_cast %swap3A_179 : vector<1x16xi32> to vector<16xi32>
      %swap3A_181 = vector.shape_cast %add3A_176 : vector<16xi32> to vector<1x16xi32>
      tpu.vector_store %arg6[%swap3A_177, %swap3A_178], %swap3A_181 {strides = array<i32>} : memref<160x128xi32, #tpu.memory_space<vmem>>, vector<1x16xi32>,
      %scan3A_182 = arith.constant 0 : i32
      scf.yield %scan3A_182 : i32
    }
    %scan3A_22 = arith.constant 160 : i32
    %barrier3A = arith.constant 0 : index
    tpu.barrier barrier_id(%barrier3A)
    %dma_start3A = arith.constant 0 : i32
    %dma_start3A_23 = arith.constant 0 : i32
    %dma_start3A_24 = tpu.memref_slice %arg6[%dma_start3A, %dma_start3A_23] : memref<160x128xi32, #tpu.memory_space<vmem>> -> memref<1x128xi32, #tpu.memory_space<vmem>>
    %dma_start3A_25 = tpu.memref_squeeze %dma_start3A_24 : memref<1x128xi32, #tpu.memory_space<vmem>> -> memref<128xi32, #tpu.memory_space<vmem>>
    %dma_start3A_26 = arith.constant 0 : i32
    %dma_start3A_27 = arith.constant 0 : i32
    %dma_start3A_28 = tpu.memref_slice %arg2[%dma_start3A_26, %dma_start3A_27] : memref<20480x64xf32, #tpu.memory_space<hbm>> -> memref<20480x64xf32, #tpu.memory_space<hbm>>
    tpu.enqueue_indirect_dma source(%dma_start3A_28 : memref<20480x64xf32, #tpu.memory_space<hbm>>) target(%arg8 : memref<128x64xf32, #tpu.memory_space<vmem>>) offsets(%dma_start3A_25 : memref<128xi32, #tpu.memory_space<vmem>>) semaphore(%arg13 : memref<!tpu.dma_semaphore, #tpu.memory_space<semaphore_mem>>)
    %dma_start3A_29 = arith.constant 1 : i32
    %dma_start3A_30 = arith.constant 0 : i32
    %dma_start3A_31 = tpu.memref_slice %arg6[%dma_start3A_29, %dma_start3A_30] : memref<160x128xi32, #tpu.memory_space<vmem>> -> memref<1x128xi32, #tpu.memory_space<vmem>>
    %dma_start3A_32 = tpu.memref_squeeze %dma_start3A_31 : memref<1x128xi32, #tpu.memory_space<vmem>> -> memref<128xi32, #tpu.memory_space<vmem>>
    %dma_start3A_33 = arith.constant 0 : i32
    %dma_start3A_34 = arith.constant 0 : i32
    %dma_start3A_35 = tpu.memref_slice %arg2[%dma_start3A_33, %dma_start3A_34] : memref<20480x64xf32, #tpu.memory_space<hbm>> -> memref<20480x64xf32, #tpu.memory_space<hbm>>
    tpu.enqueue_indirect_dma source(%dma_start3A_35 : memref<20480x64xf32, #tpu.memory_space<hbm>>) target(%arg9 : memref<128x64xf32, #tpu.memory_space<vmem>>) offsets(%dma_start3A_32 : memref<128xi32, #tpu.memory_space<vmem>>) semaphore(%arg14 : memref<!tpu.dma_semaphore, #tpu.memory_space<semaphore_mem>>)
    %dma_start3A_36 = arith.constant 2 : i32
    %dma_start3A_37 = arith.constant 0 : i32
    %dma_start3A_38 = tpu.memref_slice %arg6[%dma_start3A_36, %dma_start3A_37] : memref<160x128xi32, #tpu.memory_space<vmem>> -> memref<1x128xi32, #tpu.memory_space<vmem>>
    %dma_start3A_39 = tpu.memref_squeeze %dma_start3A_38 : memref<1x128xi32, #tpu.memory_space<vmem>> -> memref<128xi32, #tpu.memory_space<vmem>>
    %dma_start3A_40 = arith.constant 0 : i32
    %dma_start3A_41 = arith.constant 0 : i32
    %dma_start3A_42 = tpu.memref_slice %arg2[%dma_start3A_40, %dma_start3A_41] : memref<20480x64xf32, #tpu.memory_space<hbm>> -> memref<20480x64xf32, #tpu.memory_space<hbm>>
    tpu.enqueue_indirect_dma source(%dma_start3A_42 : memref<20480x64xf32, #tpu.memory_space<hbm>>) target(%arg10 : memref<128x64xf32, #tpu.memory_space<vmem>>) offsets(%dma_start3A_39 : memref<128xi32, #tpu.memory_space<vmem>>) semaphore(%arg15 : memref<!tpu.dma_semaphore, #tpu.memory_space<semaphore_mem>>)
    %dma_start3A_43 = arith.constant 3 : i32
    %dma_start3A_44 = arith.constant 0 : i32
    %dma_start3A_45 = tpu.memref_slice %arg6[%dma_start3A_43, %dma_start3A_44] : memref<160x128xi32, #tpu.memory_space<vmem>> -> memref<1x128xi32, #tpu.memory_space<vmem>>
    %dma_start3A_46 = tpu.memref_squeeze %dma_start3A_45 : memref<1x128xi32, #tpu.memory_space<vmem>> -> memref<128xi32, #tpu.memory_space<vmem>>
    %dma_start3A_47 = arith.constant 0 : i32
    %dma_start3A_48 = arith.constant 0 : i32
    %dma_start3A_49 = tpu.memref_slice %arg2[%dma_start3A_47, %dma_start3A_48] : memref<20480x64xf32, #tpu.memory_space<hbm>> -> memref<20480x64xf32, #tpu.memory_space<hbm>>
    tpu.enqueue_indirect_dma source(%dma_start3A_49 : memref<20480x64xf32, #tpu.memory_space<hbm>>) target(%arg11 : memref<128x64xf32, #tpu.memory_space<vmem>>) offsets(%dma_start3A_46 : memref<128xi32, #tpu.memory_space<vmem>>) semaphore(%arg16 : memref<!tpu.dma_semaphore, #tpu.memory_space<semaphore_mem>>)
    %dma_start3A_50 = arith.constant 4 : i32
    %dma_start3A_51 = arith.constant 0 : i32
    %dma_start3A_52 = tpu.memref_slice %arg6[%dma_start3A_50, %dma_start3A_51] : memref<160x128xi32, #tpu.memory_space<vmem>> -> memref<1x128xi32, #tpu.memory_space<vmem>>
    %dma_start3A_53 = tpu.memref_squeeze %dma_start3A_52 : memref<1x128xi32, #tpu.memory_space<vmem>> -> memref<128xi32, #tpu.memory_space<vmem>>
    %dma_start3A_54 = arith.constant 0 : i32
    %dma_start3A_55 = arith.constant 0 : i32
    %dma_start3A_56 = tpu.memref_slice %arg2[%dma_start3A_54, %dma_start3A_55] : memref<20480x64xf32, #tpu.memory_space<hbm>> -> memref<20480x64xf32, #tpu.memory_space<hbm>>
    tpu.enqueue_indirect_dma source(%dma_start3A_56 : memref<20480x64xf32, #tpu.memory_space<hbm>>) target(%arg12 : memref<128x64xf32, #tpu.memory_space<vmem>>) offsets(%dma_start3A_53 : memref<128xi32, #tpu.memory_space<vmem>>) semaphore(%arg17 : memref<!tpu.dma_semaphore, #tpu.memory_space<semaphore_mem>>)
    %scan3A_57 = arith.constant 0 : i32
    %scan3A_58 = arith.constant 0 : i32
    %scan3A_59 = arith.constant 32 : i32
    %scan3A_60 = arith.addi %scan3A_58, %scan3A_59 : i32
    %scan3A_61 = arith.constant 1 : i32
    %scan3A_62 = scf.for %scan3A_103 = %scan3A_58 to %scan3A_60 step %scan3A_61 iter_args(%scan3A_104 = %scan3A_57) -> (i32)  : i32 {
      %mul3A_105 = arith.constant 5 : i32
      %mul3A_106 = arith.muli %mul3A_105, %scan3A_103 : i32
      %add3A = arith.constant 0 : i32
      %add3A_107 = arith.addi %mul3A_106, %add3A : i32
      %dma_wait3A_108 = arith.constant 0 : i32
      %dma_wait3A_109 = tpu.memref_slice %arg6[%add3A_107, %dma_wait3A_108] : memref<160x128xi32, #tpu.memory_space<vmem>> -> memref<1x128xi32, #tpu.memory_space<vmem>>
      %dma_wait3A_110 = tpu.memref_squeeze %dma_wait3A_109 : memref<1x128xi32, #tpu.memory_space<vmem>> -> memref<128xi32, #tpu.memory_space<vmem>>
      %dma_wait3A_111 = arith.constant 0 : i32
      %dma_wait3A_112 = arith.constant 0 : i32
      %dma_wait3A_113 = tpu.memref_slice %arg2[%dma_wait3A_111, %dma_wait3A_112] : memref<20480x64xf32, #tpu.memory_space<hbm>> -> memref<20480x64xf32, #tpu.memory_space<hbm>>
      tpu.wait_indirect_dma semaphore(%arg13 : memref<!tpu.dma_semaphore, #tpu.memory_space<semaphore_mem>>) src(%dma_wait3A_113 : memref<20480x64xf32, #tpu.memory_space<hbm>>) dst(%arg8 : memref<128x64xf32, #tpu.memory_space<vmem>>)
      %dma_start3A_114 = arith.constant 0 : i32
      %dma_start3A_115 = tpu.memref_slice %arg7[%add3A_107, %dma_start3A_114] : memref<160x128xi32, #tpu.memory_space<vmem>> -> memref<1x128xi32, #tpu.memory_space<vmem>>
      %dma_start3A_116 = tpu.memref_squeeze %dma_start3A_115 : memref<1x128xi32, #tpu.memory_space<vmem>> -> memref<128xi32, #tpu.memory_space<vmem>>
      %dma_start3A_117 = arith.constant 0 : i32
      %dma_start3A_118 = arith.constant 0 : i32
      %dma_start3A_119 = tpu.memref_slice %arg23[%dma_start3A_117, %dma_start3A_118] : memref<10240x64xf32, #tpu.memory_space<vmem_shared>> -> memref<10240x64xf32, #tpu.memory_space<vmem_shared>>
      tpu.enqueue_indirect_dma source(%arg8 : memref<128x64xf32, #tpu.memory_space<vmem>>) target(%dma_start3A_119 : memref<10240x64xf32, #tpu.memory_space<vmem_shared>>) offsets(%dma_start3A_116 : memref<128xi32, #tpu.memory_space<vmem>>) semaphore(%arg18 : memref<!tpu.dma_semaphore, #tpu.memory_space<semaphore_mem>>) {add = true}
      %mul3A_120 = arith.constant 5 : i32
      %mul3A_121 = arith.muli %mul3A_120, %scan3A_103 : i32
      %add3A_122 = arith.constant 1 : i32
      %add3A_123 = arith.addi %mul3A_121, %add3A_122 : i32
      %dma_wait3A_124 = arith.constant 0 : i32
      %dma_wait3A_125 = tpu.memref_slice %arg6[%add3A_123, %dma_wait3A_124] : memref<160x128xi32, #tpu.memory_space<vmem>> -> memref<1x128xi32, #tpu.memory_space<vmem>>
      %dma_wait3A_126 = tpu.memref_squeeze %dma_wait3A_125 : memref<1x128xi32, #tpu.memory_space<vmem>> -> memref<128xi32, #tpu.memory_space<vmem>>
      %dma_wait3A_127 = arith.constant 0 : i32
      %dma_wait3A_128 = arith.constant 0 : i32
      %dma_wait3A_129 = tpu.memref_slice %arg2[%dma_wait3A_127, %dma_wait3A_128] : memref<20480x64xf32, #tpu.memory_space<hbm>> -> memref<20480x64xf32, #tpu.memory_space<hbm>>
      tpu.wait_indirect_dma semaphore(%arg14 : memref<!tpu.dma_semaphore, #tpu.memory_space<semaphore_mem>>) src(%dma_wait3A_129 : memref<20480x64xf32, #tpu.memory_space<hbm>>) dst(%arg9 : memref<128x64xf32, #tpu.memory_space<vmem>>)
      %dma_start3A_130 = arith.constant 0 : i32
      %dma_start3A_131 = tpu.memref_slice %arg7[%add3A_123, %dma_start3A_130] : memref<160x128xi32, #tpu.memory_space<vmem>> -> memref<1x128xi32, #tpu.memory_space<vmem>>
      %dma_start3A_132 = tpu.memref_squeeze %dma_start3A_131 : memref<1x128xi32, #tpu.memory_space<vmem>> -> memref<128xi32, #tpu.memory_space<vmem>>
      %dma_start3A_133 = arith.constant 0 : i32
      %dma_start3A_134 = arith.constant 0 : i32
      %dma_start3A_135 = tpu.memref_slice %arg23[%dma_start3A_133, %dma_start3A_134] : memref<10240x64xf32, #tpu.memory_space<vmem_shared>> -> memref<10240x64xf32, #tpu.memory_space<vmem_shared>>
      tpu.enqueue_indirect_dma source(%arg9 : memref<128x64xf32, #tpu.memory_space<vmem>>) target(%dma_start3A_135 : memref<10240x64xf32, #tpu.memory_space<vmem_shared>>) offsets(%dma_start3A_132 : memref<128xi32, #tpu.memory_space<vmem>>) semaphore(%arg19 : memref<!tpu.dma_semaphore, #tpu.memory_space<semaphore_mem>>) {add = true}
      %mul3A_136 = arith.constant 5 : i32
      %mul3A_137 = arith.muli %mul3A_136, %scan3A_103 : i32
      %add3A_138 = arith.constant 2 : i32
      %add3A_139 = arith.addi %mul3A_137, %add3A_138 : i32
      %dma_wait3A_140 = arith.constant 0 : i32
      %dma_wait3A_141 = tpu.memref_slice %arg6[%add3A_139, %dma_wait3A_140] : memref<160x128xi32, #tpu.memory_space<vmem>> -> memref<1x128xi32, #tpu.memory_space<vmem>>
      %dma_wait3A_142 = tpu.memref_squeeze %dma_wait3A_141 : memref<1x128xi32, #tpu.memory_space<vmem>> -> memref<128xi32, #tpu.memory_space<vmem>>
      %dma_wait3A_143 = arith.constant 0 : i32
      %dma_wait3A_144 = arith.constant 0 : i32
      %dma_wait3A_145 = tpu.memref_slice %arg2[%dma_wait3A_143, %dma_wait3A_144] : memref<20480x64xf32, #tpu.memory_space<hbm>> -> memref<20480x64xf32, #tpu.memory_space<hbm>>
      tpu.wait_indirect_dma semaphore(%arg15 : memref<!tpu.dma_semaphore, #tpu.memory_space<semaphore_mem>>) src(%dma_wait3A_145 : memref<20480x64xf32, #tpu.memory_space<hbm>>) dst(%arg10 : memref<128x64xf32, #tpu.memory_space<vmem>>)
      %dma_start3A_146 = arith.constant 0 : i32
      %dma_start3A_147 = tpu.memref_slice %arg7[%add3A_139, %dma_start3A_146] : memref<160x128xi32, #tpu.memory_space<vmem>> -> memref<1x128xi32, #tpu.memory_space<vmem>>
      %dma_start3A_148 = tpu.memref_squeeze %dma_start3A_147 : memref<1x128xi32, #tpu.memory_space<vmem>> -> memref<128xi32, #tpu.memory_space<vmem>>
      %dma_start3A_149 = arith.constant 0 : i32
      %dma_start3A_150 = arith.constant 0 : i32
      %dma_start3A_151 = tpu.memref_slice %arg23[%dma_start3A_149, %dma_start3A_150] : memref<10240x64xf32, #tpu.memory_space<vmem_shared>> -> memref<10240x64xf32, #tpu.memory_space<vmem_shared>>
      tpu.enqueue_indirect_dma source(%arg10 : memref<128x64xf32, #tpu.memory_space<vmem>>) target(%dma_start3A_151 : memref<10240x64xf32, #tpu.memory_space<vmem_shared>>) offsets(%dma_start3A_148 : memref<128xi32, #tpu.memory_space<vmem>>) semaphore(%arg20 : memref<!tpu.dma_semaphore, #tpu.memory_space<semaphore_mem>>) {add = true}
      %mul3A_152 = arith.constant 5 : i32
      %mul3A_153 = arith.muli %mul3A_152, %scan3A_103 : i32
      %add3A_154 = arith.constant 3 : i32
      %add3A_155 = arith.addi %mul3A_153, %add3A_154 : i32
      %dma_wait3A_156 = arith.constant 0 : i32
      %dma_wait3A_157 = tpu.memref_slice %arg6[%add3A_155, %dma_wait3A_156] : memref<160x128xi32, #tpu.memory_space<vmem>> -> memref<1x128xi32, #tpu.memory_space<vmem>>
      %dma_wait3A_158 = tpu.memref_squeeze %dma_wait3A_157 : memref<1x128xi32, #tpu.memory_space<vmem>> -> memref<128xi32, #tpu.memory_space<vmem>>
      %dma_wait3A_159 = arith.constant 0 : i32
      %dma_wait3A_160 = arith.constant 0 : i32
      %dma_wait3A_161 = tpu.memref_slice %arg2[%dma_wait3A_159, %dma_wait3A_160] : memref<20480x64xf32, #tpu.memory_space<hbm>> -> memref<20480x64xf32, #tpu.memory_space<hbm>>
      tpu.wait_indirect_dma semaphore(%arg16 : memref<!tpu.dma_semaphore, #tpu.memory_space<semaphore_mem>>) src(%dma_wait3A_161 : memref<20480x64xf32, #tpu.memory_space<hbm>>) dst(%arg11 : memref<128x64xf32, #tpu.memory_space<vmem>>)
      %dma_start3A_162 = arith.constant 0 : i32
      %dma_start3A_163 = tpu.memref_slice %arg7[%add3A_155, %dma_start3A_162] : memref<160x128xi32, #tpu.memory_space<vmem>> -> memref<1x128xi32, #tpu.memory_space<vmem>>
      %dma_start3A_164 = tpu.memref_squeeze %dma_start3A_163 : memref<1x128xi32, #tpu.memory_space<vmem>> -> memref<128xi32, #tpu.memory_space<vmem>>
      %dma_start3A_165 = arith.constant 0 : i32
      %dma_start3A_166 = arith.constant 0 : i32
      %dma_start3A_167 = tpu.memref_slice %arg23[%dma_start3A_165, %dma_start3A_166] : memref<10240x64xf32, #tpu.memory_space<vmem_shared>> -> memref<10240x64xf32, #tpu.memory_space<vmem_shared>>
      tpu.enqueue_indirect_dma source(%arg11 : memref<128x64xf32, #tpu.memory_space<vmem>>) target(%dma_start3A_167 : memref<10240x64xf32, #tpu.memory_space<vmem_shared>>) offsets(%dma_start3A_164 : memref<128xi32, #tpu.memory_space<vmem>>) semaphore(%arg21 : memref<!tpu.dma_semaphore, #tpu.memory_space<semaphore_mem>>) {add = true}
      %mul3A_168 = arith.constant 5 : i32
      %mul3A_169 = arith.muli %mul3A_168, %scan3A_103 : i32
      %add3A_170 = arith.constant 4 : i32
      %add3A_171 = arith.addi %mul3A_169, %add3A_170 : i32
      %dma_wait3A_172 = arith.constant 0 : i32
      %dma_wait3A_173 = tpu.memref_slice %arg6[%add3A_171, %dma_wait3A_172] : memref<160x128xi32, #tpu.memory_space<vmem>> -> memref<1x128xi32, #tpu.memory_space<vmem>>
      %dma_wait3A_174 = tpu.memref_squeeze %dma_wait3A_173 : memref<1x128xi32, #tpu.memory_space<vmem>> -> memref<128xi32, #tpu.memory_space<vmem>>
      %dma_wait3A_175 = arith.constant 0 : i32
      %dma_wait3A_176 = arith.constant 0 : i32
      %dma_wait3A_177 = tpu.memref_slice %arg2[%dma_wait3A_175, %dma_wait3A_176] : memref<20480x64xf32, #tpu.memory_space<hbm>> -> memref<20480x64xf32, #tpu.memory_space<hbm>>
      tpu.wait_indirect_dma semaphore(%arg17 : memref<!tpu.dma_semaphore, #tpu.memory_space<semaphore_mem>>) src(%dma_wait3A_177 : memref<20480x64xf32, #tpu.memory_space<hbm>>) dst(%arg12 : memref<128x64xf32, #tpu.memory_space<vmem>>)
      %dma_start3A_178 = arith.constant 0 : i32
      %dma_start3A_179 = tpu.memref_slice %arg7[%add3A_171, %dma_start3A_178] : memref<160x128xi32, #tpu.memory_space<vmem>> -> memref<1x128xi32, #tpu.memory_space<vmem>>
      %dma_start3A_180 = tpu.memref_squeeze %dma_start3A_179 : memref<1x128xi32, #tpu.memory_space<vmem>> -> memref<128xi32, #tpu.memory_space<vmem>>
      %dma_start3A_181 = arith.constant 0 : i32
      %dma_start3A_182 = arith.constant 0 : i32
      %dma_start3A_183 = tpu.memref_slice %arg23[%dma_start3A_181, %dma_start3A_182] : memref<10240x64xf32, #tpu.memory_space<vmem_shared>> -> memref<10240x64xf32, #tpu.memory_space<vmem_shared>>
      tpu.enqueue_indirect_dma source(%arg12 : memref<128x64xf32, #tpu.memory_space<vmem>>) target(%dma_start3A_183 : memref<10240x64xf32, #tpu.memory_space<vmem_shared>>) offsets(%dma_start3A_180 : memref<128xi32, #tpu.memory_space<vmem>>) semaphore(%arg22 : memref<!tpu.dma_semaphore, #tpu.memory_space<semaphore_mem>>) {add = true}
      %mul3A_184 = arith.constant 5 : i32
      %mul3A_185 = arith.muli %mul3A_184, %scan3A_103 : i32
      %add3A_186 = arith.constant 0 : i32
      %add3A_187 = arith.addi %mul3A_185, %add3A_186 : i32
      %lt3A = arith.constant 31 : i32
      %lt3A_188 = arith.cmpi slt, %scan3A_103, %lt3A : i32
      %convert_element_type3A = arith.extui %lt3A_188 : i1 to i32
      %cond3A = arith.constant 0 : i32
      %cond3A_189 = arith.cmpi ne, %convert_element_type3A, %cond3A : i32
      scf.if %cond3A_189 {
        %dma_wait3A_227 = arith.constant 0 : i32
        %dma_wait3A_228 = tpu.memref_slice %arg7[%add3A_187, %dma_wait3A_227] : memref<160x128xi32, #tpu.memory_space<vmem>> -> memref<1x128xi32, #tpu.memory_space<vmem>>
        %dma_wait3A_229 = tpu.memref_squeeze %dma_wait3A_228 : memref<1x128xi32, #tpu.memory_space<vmem>> -> memref<128xi32, #tpu.memory_space<vmem>>
        %dma_wait3A_230 = arith.constant 0 : i32
        %dma_wait3A_231 = arith.constant 0 : i32
        %dma_wait3A_232 = tpu.memref_slice %arg23[%dma_wait3A_230, %dma_wait3A_231] : memref<10240x64xf32, #tpu.memory_space<vmem_shared>> -> memref<10240x64xf32, #tpu.memory_space<vmem_shared>>
        tpu.wait_indirect_dma semaphore(%arg18 : memref<!tpu.dma_semaphore, #tpu.memory_space<semaphore_mem>>) src(%arg8 : memref<128x64xf32, #tpu.memory_space<vmem>>) dst(%dma_wait3A_232 : memref<10240x64xf32, #tpu.memory_space<vmem_shared>>)
        %add3A_233 = arith.constant 5 : i32
        %add3A_234 = arith.addi %add3A_187, %add3A_233 : i32
        %dma_start3A_235 = arith.constant 0 : i32
        %dma_start3A_236 = tpu.memref_slice %arg6[%add3A_234, %dma_start3A_235] : memref<160x128xi32, #tpu.memory_space<vmem>> -> memref<1x128xi32, #tpu.memory_space<vmem>>
        %dma_start3A_237 = tpu.memref_squeeze %dma_start3A_236 : memref<1x128xi32, #tpu.memory_space<vmem>> -> memref<128xi32, #tpu.memory_space<vmem>>
        %dma_start3A_238 = arith.constant 0 : i32
        %dma_start3A_239 = arith.constant 0 : i32
        %dma_start3A_240 = tpu.memref_slice %arg2[%dma_start3A_238, %dma_start3A_239] : memref<20480x64xf32, #tpu.memory_space<hbm>> -> memref<20480x64xf32, #tpu.memory_space<hbm>>
        tpu.enqueue_indirect_dma source(%dma_start3A_240 : memref<20480x64xf32, #tpu.memory_space<hbm>>) target(%arg8 : memref<128x64xf32, #tpu.memory_space<vmem>>) offsets(%dma_start3A_237 : memref<128xi32, #tpu.memory_space<vmem>>) semaphore(%arg13 : memref<!tpu.dma_semaphore, #tpu.memory_space<semaphore_mem>>)
      } else {
      }
      %mul3A_190 = arith.constant 5 : i32
      %mul3A_191 = arith.muli %mul3A_190, %scan3A_103 : i32
      %add3A_192 = arith.constant 1 : i32
      %add3A_193 = arith.addi %mul3A_191, %add3A_192 : i32
      %lt3A_194 = arith.constant 31 : i32
      %lt3A_195 = arith.cmpi slt, %scan3A_103, %lt3A_194 : i32
      %convert_element_type3A_196 = arith.extui %lt3A_195 : i1 to i32
      %cond3A_197 = arith.constant 0 : i32
      %cond3A_198 = arith.cmpi ne, %convert_element_type3A_196, %cond3A_197 : i32
      scf.if %cond3A_198 {
        %dma_wait3A_227 = arith.constant 0 : i32
        %dma_wait3A_228 = tpu.memref_slice %arg7[%add3A_193, %dma_wait3A_227] : memref<160x128xi32, #tpu.memory_space<vmem>> -> memref<1x128xi32, #tpu.memory_space<vmem>>
        %dma_wait3A_229 = tpu.memref_squeeze %dma_wait3A_228 : memref<1x128xi32, #tpu.memory_space<vmem>> -> memref<128xi32, #tpu.memory_space<vmem>>
        %dma_wait3A_230 = arith.constant 0 : i32
        %dma_wait3A_231 = arith.constant 0 : i32
        %dma_wait3A_232 = tpu.memref_slice %arg23[%dma_wait3A_230, %dma_wait3A_231] : memref<10240x64xf32, #tpu.memory_space<vmem_shared>> -> memref<10240x64xf32, #tpu.memory_space<vmem_shared>>
        tpu.wait_indirect_dma semaphore(%arg19 : memref<!tpu.dma_semaphore, #tpu.memory_space<semaphore_mem>>) src(%arg9 : memref<128x64xf32, #tpu.memory_space<vmem>>) dst(%dma_wait3A_232 : memref<10240x64xf32, #tpu.memory_space<vmem_shared>>)
        %add3A_233 = arith.constant 5 : i32
        %add3A_234 = arith.addi %add3A_193, %add3A_233 : i32
        %dma_start3A_235 = arith.constant 0 : i32
        %dma_start3A_236 = tpu.memref_slice %arg6[%add3A_234, %dma_start3A_235] : memref<160x128xi32, #tpu.memory_space<vmem>> -> memref<1x128xi32, #tpu.memory_space<vmem>>
        %dma_start3A_237 = tpu.memref_squeeze %dma_start3A_236 : memref<1x128xi32, #tpu.memory_space<vmem>> -> memref<128xi32, #tpu.memory_space<vmem>>
        %dma_start3A_238 = arith.constant 0 : i32
        %dma_start3A_239 = arith.constant 0 : i32
        %dma_start3A_240 = tpu.memref_slice %arg2[%dma_start3A_238, %dma_start3A_239] : memref<20480x64xf32, #tpu.memory_space<hbm>> -> memref<20480x64xf32, #tpu.memory_space<hbm>>
        tpu.enqueue_indirect_dma source(%dma_start3A_240 : memref<20480x64xf32, #tpu.memory_space<hbm>>) target(%arg9 : memref<128x64xf32, #tpu.memory_space<vmem>>) offsets(%dma_start3A_237 : memref<128xi32, #tpu.memory_space<vmem>>) semaphore(%arg14 : memref<!tpu.dma_semaphore, #tpu.memory_space<semaphore_mem>>)
      } else {
      }
      %mul3A_199 = arith.constant 5 : i32
      %mul3A_200 = arith.muli %mul3A_199, %scan3A_103 : i32
      %add3A_201 = arith.constant 2 : i32
      %add3A_202 = arith.addi %mul3A_200, %add3A_201 : i32
      %lt3A_203 = arith.constant 31 : i32
      %lt3A_204 = arith.cmpi slt, %scan3A_103, %lt3A_203 : i32
      %convert_element_type3A_205 = arith.extui %lt3A_204 : i1 to i32
      %cond3A_206 = arith.constant 0 : i32
      %cond3A_207 = arith.cmpi ne, %convert_element_type3A_205, %cond3A_206 : i32
      scf.if %cond3A_207 {
        %dma_wait3A_227 = arith.constant 0 : i32
        %dma_wait3A_228 = tpu.memref_slice %arg7[%add3A_202, %dma_wait3A_227] : memref<160x128xi32, #tpu.memory_space<vmem>> -> memref<1x128xi32, #tpu.memory_space<vmem>>
        %dma_wait3A_229 = tpu.memref_squeeze %dma_wait3A_228 : memref<1x128xi32, #tpu.memory_space<vmem>> -> memref<128xi32, #tpu.memory_space<vmem>>
        %dma_wait3A_230 = arith.constant 0 : i32
        %dma_wait3A_231 = arith.constant 0 : i32
        %dma_wait3A_232 = tpu.memref_slice %arg23[%dma_wait3A_230, %dma_wait3A_231] : memref<10240x64xf32, #tpu.memory_space<vmem_shared>> -> memref<10240x64xf32, #tpu.memory_space<vmem_shared>>
        tpu.wait_indirect_dma semaphore(%arg20 : memref<!tpu.dma_semaphore, #tpu.memory_space<semaphore_mem>>) src(%arg10 : memref<128x64xf32, #tpu.memory_space<vmem>>) dst(%dma_wait3A_232 : memref<10240x64xf32, #tpu.memory_space<vmem_shared>>)
        %add3A_233 = arith.constant 5 : i32
        %add3A_234 = arith.addi %add3A_202, %add3A_233 : i32
        %dma_start3A_235 = arith.constant 0 : i32
        %dma_start3A_236 = tpu.memref_slice %arg6[%add3A_234, %dma_start3A_235] : memref<160x128xi32, #tpu.memory_space<vmem>> -> memref<1x128xi32, #tpu.memory_space<vmem>>
        %dma_start3A_237 = tpu.memref_squeeze %dma_start3A_236 : memref<1x128xi32, #tpu.memory_space<vmem>> -> memref<128xi32, #tpu.memory_space<vmem>>
        %dma_start3A_238 = arith.constant 0 : i32
        %dma_start3A_239 = arith.constant 0 : i32
        %dma_start3A_240 = tpu.memref_slice %arg2[%dma_start3A_238, %dma_start3A_239] : memref<20480x64xf32, #tpu.memory_space<hbm>> -> memref<20480x64xf32, #tpu.memory_space<hbm>>
        tpu.enqueue_indirect_dma source(%dma_start3A_240 : memref<20480x64xf32, #tpu.memory_space<hbm>>) target(%arg10 : memref<128x64xf32, #tpu.memory_space<vmem>>) offsets(%dma_start3A_237 : memref<128xi32, #tpu.memory_space<vmem>>) semaphore(%arg15 : memref<!tpu.dma_semaphore, #tpu.memory_space<semaphore_mem>>)
      } else {
      }
      %mul3A_208 = arith.constant 5 : i32
      %mul3A_209 = arith.muli %mul3A_208, %scan3A_103 : i32
      %add3A_210 = arith.constant 3 : i32
      %add3A_211 = arith.addi %mul3A_209, %add3A_210 : i32
      %lt3A_212 = arith.constant 31 : i32
      %lt3A_213 = arith.cmpi slt, %scan3A_103, %lt3A_212 : i32
      %convert_element_type3A_214 = arith.extui %lt3A_213 : i1 to i32
      %cond3A_215 = arith.constant 0 : i32
      %cond3A_216 = arith.cmpi ne, %convert_element_type3A_214, %cond3A_215 : i32
      scf.if %cond3A_216 {
        %dma_wait3A_227 = arith.constant 0 : i32
        %dma_wait3A_228 = tpu.memref_slice %arg7[%add3A_211, %dma_wait3A_227] : memref<160x128xi32, #tpu.memory_space<vmem>> -> memref<1x128xi32, #tpu.memory_space<vmem>>
        %dma_wait3A_229 = tpu.memref_squeeze %dma_wait3A_228 : memref<1x128xi32, #tpu.memory_space<vmem>> -> memref<128xi32, #tpu.memory_space<vmem>>
        %dma_wait3A_230 = arith.constant 0 : i32
        %dma_wait3A_231 = arith.constant 0 : i32
        %dma_wait3A_232 = tpu.memref_slice %arg23[%dma_wait3A_230, %dma_wait3A_231] : memref<10240x64xf32, #tpu.memory_space<vmem_shared>> -> memref<10240x64xf32, #tpu.memory_space<vmem_shared>>
        tpu.wait_indirect_dma semaphore(%arg21 : memref<!tpu.dma_semaphore, #tpu.memory_space<semaphore_mem>>) src(%arg11 : memref<128x64xf32, #tpu.memory_space<vmem>>) dst(%dma_wait3A_232 : memref<10240x64xf32, #tpu.memory_space<vmem_shared>>)
        %add3A_233 = arith.constant 5 : i32
        %add3A_234 = arith.addi %add3A_211, %add3A_233 : i32
        %dma_start3A_235 = arith.constant 0 : i32
        %dma_start3A_236 = tpu.memref_slice %arg6[%add3A_234, %dma_start3A_235] : memref<160x128xi32, #tpu.memory_space<vmem>> -> memref<1x128xi32, #tpu.memory_space<vmem>>
        %dma_start3A_237 = tpu.memref_squeeze %dma_start3A_236 : memref<1x128xi32, #tpu.memory_space<vmem>> -> memref<128xi32, #tpu.memory_space<vmem>>
        %dma_start3A_238 = arith.constant 0 : i32
        %dma_start3A_239 = arith.constant 0 : i32
        %dma_start3A_240 = tpu.memref_slice %arg2[%dma_start3A_238, %dma_start3A_239] : memref<20480x64xf32, #tpu.memory_space<hbm>> -> memref<20480x64xf32, #tpu.memory_space<hbm>>
        tpu.enqueue_indirect_dma source(%dma_start3A_240 : memref<20480x64xf32, #tpu.memory_space<hbm>>) target(%arg11 : memref<128x64xf32, #tpu.memory_space<vmem>>) offsets(%dma_start3A_237 : memref<128xi32, #tpu.memory_space<vmem>>) semaphore(%arg16 : memref<!tpu.dma_semaphore, #tpu.memory_space<semaphore_mem>>)
      } else {
      }
      %mul3A_217 = arith.constant 5 : i32
      %mul3A_218 = arith.muli %mul3A_217, %scan3A_103 : i32
      %add3A_219 = arith.constant 4 : i32
      %add3A_220 = arith.addi %mul3A_218, %add3A_219 : i32
      %lt3A_221 = arith.constant 31 : i32
      %lt3A_222 = arith.cmpi slt, %scan3A_103, %lt3A_221 : i32
      %convert_element_type3A_223 = arith.extui %lt3A_222 : i1 to i32
      %cond3A_224 = arith.constant 0 : i32
      %cond3A_225 = arith.cmpi ne, %convert_element_type3A_223, %cond3A_224 : i32
      scf.if %cond3A_225 {
        %dma_wait3A_227 = arith.constant 0 : i32
        %dma_wait3A_228 = tpu.memref_slice %arg7[%add3A_220, %dma_wait3A_227] : memref<160x128xi32, #tpu.memory_space<vmem>> -> memref<1x128xi32, #tpu.memory_space<vmem>>
        %dma_wait3A_229 = tpu.memref_squeeze %dma_wait3A_228 : memref<1x128xi32, #tpu.memory_space<vmem>> -> memref<128xi32, #tpu.memory_space<vmem>>
        %dma_wait3A_230 = arith.constant 0 : i32
        %dma_wait3A_231 = arith.constant 0 : i32
        %dma_wait3A_232 = tpu.memref_slice %arg23[%dma_wait3A_230, %dma_wait3A_231] : memref<10240x64xf32, #tpu.memory_space<vmem_shared>> -> memref<10240x64xf32, #tpu.memory_space<vmem_shared>>
        tpu.wait_indirect_dma semaphore(%arg22 : memref<!tpu.dma_semaphore, #tpu.memory_space<semaphore_mem>>) src(%arg12 : memref<128x64xf32, #tpu.memory_space<vmem>>) dst(%dma_wait3A_232 : memref<10240x64xf32, #tpu.memory_space<vmem_shared>>)
        %add3A_233 = arith.constant 5 : i32
        %add3A_234 = arith.addi %add3A_220, %add3A_233 : i32
        %dma_start3A_235 = arith.constant 0 : i32
        %dma_start3A_236 = tpu.memref_slice %arg6[%add3A_234, %dma_start3A_235] : memref<160x128xi32, #tpu.memory_space<vmem>> -> memref<1x128xi32, #tpu.memory_space<vmem>>
        %dma_start3A_237 = tpu.memref_squeeze %dma_start3A_236 : memref<1x128xi32, #tpu.memory_space<vmem>> -> memref<128xi32, #tpu.memory_space<vmem>>
        %dma_start3A_238 = arith.constant 0 : i32
        %dma_start3A_239 = arith.constant 0 : i32
        %dma_start3A_240 = tpu.memref_slice %arg2[%dma_start3A_238, %dma_start3A_239] : memref<20480x64xf32, #tpu.memory_space<hbm>> -> memref<20480x64xf32, #tpu.memory_space<hbm>>
        tpu.enqueue_indirect_dma source(%dma_start3A_240 : memref<20480x64xf32, #tpu.memory_space<hbm>>) target(%arg12 : memref<128x64xf32, #tpu.memory_space<vmem>>) offsets(%dma_start3A_237 : memref<128xi32, #tpu.memory_space<vmem>>) semaphore(%arg17 : memref<!tpu.dma_semaphore, #tpu.memory_space<semaphore_mem>>)
      } else {
      }
      %scan3A_226 = arith.constant 0 : i32
      scf.yield %scan3A_226 : i32
    }
    %scan3A_63 = arith.constant 32 : i32
    %dma_wait3A = arith.constant 155 : i32
    %dma_wait3A_64 = arith.constant 0 : i32
    %dma_wait3A_65 = tpu.memref_slice %arg7[%dma_wait3A, %dma_wait3A_64] : memref<160x128xi32, #tpu.memory_space<vmem>> -> memref<1x128xi32, #tpu.memory_space<vmem>>
    %dma_wait3A_66 = tpu.memref_squeeze %dma_wait3A_65 : memref<1x128xi32, #tpu.memory_space<vmem>> -> memref<128xi32, #tpu.memory_space<vmem>>
    %dma_wait3A_67 = arith.constant 0 : i32
    %dma_wait3A_68 = arith.constant 0 : i32
    %dma_wait3A_69 = tpu.memref_slice %arg23[%dma_wait3A_67, %dma_wait3A_68] : memref<10240x64xf32, #tpu.memory_space<vmem_shared>> -> memref<10240x64xf32, #tpu.memory_space<vmem_shared>>
    tpu.wait_indirect_dma semaphore(%arg18 : memref<!tpu.dma_semaphore, #tpu.memory_space<semaphore_mem>>) src(%arg8 : memref<128x64xf32, #tpu.memory_space<vmem>>) dst(%dma_wait3A_69 : memref<10240x64xf32, #tpu.memory_space<vmem_shared>>)
    %dma_wait3A_70 = arith.constant 156 : i32
    %dma_wait3A_71 = arith.constant 0 : i32
    %dma_wait3A_72 = tpu.memref_slice %arg7[%dma_wait3A_70, %dma_wait3A_71] : memref<160x128xi32, #tpu.memory_space<vmem>> -> memref<1x128xi32, #tpu.memory_space<vmem>>
    %dma_wait3A_73 = tpu.memref_squeeze %dma_wait3A_72 : memref<1x128xi32, #tpu.memory_space<vmem>> -> memref<128xi32, #tpu.memory_space<vmem>>
    %dma_wait3A_74 = arith.constant 0 : i32
    %dma_wait3A_75 = arith.constant 0 : i32
    %dma_wait3A_76 = tpu.memref_slice %arg23[%dma_wait3A_74, %dma_wait3A_75] : memref<10240x64xf32, #tpu.memory_space<vmem_shared>> -> memref<10240x64xf32, #tpu.memory_space<vmem_shared>>
    tpu.wait_indirect_dma semaphore(%arg19 : memref<!tpu.dma_semaphore, #tpu.memory_space<semaphore_mem>>) src(%arg9 : memref<128x64xf32, #tpu.memory_space<vmem>>) dst(%dma_wait3A_76 : memref<10240x64xf32, #tpu.memory_space<vmem_shared>>)
    %dma_wait3A_77 = arith.constant 157 : i32
    %dma_wait3A_78 = arith.constant 0 : i32
    %dma_wait3A_79 = tpu.memref_slice %arg7[%dma_wait3A_77, %dma_wait3A_78] : memref<160x128xi32, #tpu.memory_space<vmem>> -> memref<1x128xi32, #tpu.memory_space<vmem>>
    %dma_wait3A_80 = tpu.memref_squeeze %dma_wait3A_79 : memref<1x128xi32, #tpu.memory_space<vmem>> -> memref<128xi32, #tpu.memory_space<vmem>>
    %dma_wait3A_81 = arith.constant 0 : i32
    %dma_wait3A_82 = arith.constant 0 : i32
    %dma_wait3A_83 = tpu.memref_slice %arg23[%dma_wait3A_81, %dma_wait3A_82] : memref<10240x64xf32, #tpu.memory_space<vmem_shared>> -> memref<10240x64xf32, #tpu.memory_space<vmem_shared>>
    tpu.wait_indirect_dma semaphore(%arg20 : memref<!tpu.dma_semaphore, #tpu.memory_space<semaphore_mem>>) src(%arg10 : memref<128x64xf32, #tpu.memory_space<vmem>>) dst(%dma_wait3A_83 : memref<10240x64xf32, #tpu.memory_space<vmem_shared>>)
    %dma_wait3A_84 = arith.constant 158 : i32
    %dma_wait3A_85 = arith.constant 0 : i32
    %dma_wait3A_86 = tpu.memref_slice %arg7[%dma_wait3A_84, %dma_wait3A_85] : memref<160x128xi32, #tpu.memory_space<vmem>> -> memref<1x128xi32, #tpu.memory_space<vmem>>
    %dma_wait3A_87 = tpu.memref_squeeze %dma_wait3A_86 : memref<1x128xi32, #tpu.memory_space<vmem>> -> memref<128xi32, #tpu.memory_space<vmem>>
    %dma_wait3A_88 = arith.constant 0 : i32
    %dma_wait3A_89 = arith.constant 0 : i32
    %dma_wait3A_90 = tpu.memref_slice %arg23[%dma_wait3A_88, %dma_wait3A_89] : memref<10240x64xf32, #tpu.memory_space<vmem_shared>> -> memref<10240x64xf32, #tpu.memory_space<vmem_shared>>
    tpu.wait_indirect_dma semaphore(%arg21 : memref<!tpu.dma_semaphore, #tpu.memory_space<semaphore_mem>>) src(%arg11 : memref<128x64xf32, #tpu.memory_space<vmem>>) dst(%dma_wait3A_90 : memref<10240x64xf32, #tpu.memory_space<vmem_shared>>)
    %dma_wait3A_91 = arith.constant 159 : i32
    %dma_wait3A_92 = arith.constant 0 : i32
    %dma_wait3A_93 = tpu.memref_slice %arg7[%dma_wait3A_91, %dma_wait3A_92] : memref<160x128xi32, #tpu.memory_space<vmem>> -> memref<1x128xi32, #tpu.memory_space<vmem>>
    %dma_wait3A_94 = tpu.memref_squeeze %dma_wait3A_93 : memref<1x128xi32, #tpu.memory_space<vmem>> -> memref<128xi32, #tpu.memory_space<vmem>>
    %dma_wait3A_95 = arith.constant 0 : i32
    %dma_wait3A_96 = arith.constant 0 : i32
    %dma_wait3A_97 = tpu.memref_slice %arg23[%dma_wait3A_95, %dma_wait3A_96] : memref<10240x64xf32, #tpu.memory_space<vmem_shared>> -> memref<10240x64xf32, #tpu.memory_space<vmem_shared>>
    tpu.wait_indirect_dma semaphore(%arg22 : memref<!tpu.dma_semaphore, #tpu.memory_space<semaphore_mem>>) src(%arg12 : memref<128x64xf32, #tpu.memory_space<vmem>>) dst(%dma_wait3A_97 : memref<10240x64xf32, #tpu.memory_space<vmem_shared>>)
    %barrier3A_98 = arith.constant 0 : index
    tpu.barrier barrier_id(%barrier3A_98)
    %mul3A_99 = arith.constant 640 : i32
    %mul3A_100 = arith.muli %arg1, %mul3A_99 : i32
    %mul3A_101 = arith.constant 640 : i32
    %mul3A_102 = arith.muli %arg1, %mul3A_101 : i32
    "tpu.region"() ({
      %run_scoped3A = tpu.sem_alloc : memref<!tpu.dma_semaphore, #tpu.memory_space<semaphore_mem>>
      %dma_start3A_103 = arith.constant 0 : i32
      %dma_start3A_104 = tpu.memref_slice %arg5[%arg0, %mul3A_102, %dma_start3A_103] : memref<2x10240x64xf32, #tpu.memory_space<hbm>> -> memref<1x640x64xf32, #tpu.memory_space<hbm>>
      %dma_start3A_105 = tpu.memref_squeeze %dma_start3A_104 : memref<1x640x64xf32, #tpu.memory_space<hbm>> -> memref<640x64xf32, #tpu.memory_space<hbm>>
      %dma_start3A_106 = arith.constant 0 : i32
      %dma_start3A_107 = tpu.memref_slice %arg23[%mul3A_100, %dma_start3A_106] : memref<10240x64xf32, #tpu.memory_space<vmem_shared>> -> memref<640x64xf32, #tpu.memory_space<vmem_shared>>
      tpu.enqueue_dma source(%dma_start3A_107 : memref<640x64xf32, #tpu.memory_space<vmem_shared>>) target(%dma_start3A_105 : memref<640x64xf32, #tpu.memory_space<hbm>>) target_semaphore(%run_scoped3A : memref<!tpu.dma_semaphore, #tpu.memory_space<semaphore_mem>>)
      %dma_wait3A_108 = arith.constant 0 : i32
      %dma_wait3A_109 = tpu.memref_slice %arg5[%arg0, %mul3A_102, %dma_wait3A_108] : memref<2x10240x64xf32, #tpu.memory_space<hbm>> -> memref<1x640x64xf32, #tpu.memory_space<hbm>>
      %dma_wait3A_110 = tpu.memref_squeeze %dma_wait3A_109 : memref<1x640x64xf32, #tpu.memory_space<hbm>> -> memref<640x64xf32, #tpu.memory_space<hbm>>
      %dma_wait3A_111 = arith.constant 0 : i32
      %dma_wait3A_112 = tpu.memref_slice %arg23[%mul3A_100, %dma_wait3A_111] : memref<10240x64xf32, #tpu.memory_space<vmem_shared>> -> memref<640x64xf32, #tpu.memory_space<vmem_shared>>
      tpu.wait_dma2 semaphore(%run_scoped3A : memref<!tpu.dma_semaphore, #tpu.memory_space<semaphore_mem>>) src(%dma_wait3A_112 : memref<640x64xf32, #tpu.memory_space<vmem_shared>>) dst(%dma_wait3A_110 : memref<640x64xf32, #tpu.memory_space<hbm>>)
      tpu.yield
    }) : () -> ()
    return
  }
}

#map = affine_map<(d0, d1) -> (0, 0, 0)>
#map1 = affine_map<(d0, d1) -> (0, 0)>
module attributes {stable_mosaic.version = 14 : i64} {
  func.func @_deg_body(%arg0: i32, %arg1: i32, %arg2: memref<32x80x128xi32, #tpu.memory_space<hbm>>, %arg3: memref<2x10240xf32, #tpu.memory_space<hbm>>, %arg4: memref<80x128xi32, #tpu.memory_space<vmem>>, %arg5: memref<128xf32, #tpu.memory_space<vmem>>, %arg6: memref<640xf32, #tpu.memory_space<vmem>>, %arg7: memref<10240xf32, #tpu.memory_space<vmem_shared>>) attributes {dimension_semantics = [#tpu.dimension_semantics<core_parallel>, #tpu.dimension_semantics<subcore_parallel>], iteration_bounds = array<i64: 2, 16>, scalar_prefetch = 0 : i64, scratch_operands = 4 : i64, tpu.core_type = #tpu.core_type<sc_vector_subcore>, window_params = [{transform_indices = #map}, {transform_indices = #map1}]} {
    %mul3A = arith.constant 16 : i32
    %mul3A_0 = arith.muli %arg0, %mul3A : i32
    %add3A = arith.addi %mul3A_0, %arg1 : i32
    %broadcast_in_dim3A = arith.constant 0.000000e+00 : f32
    %broadcast_in_dim3A_1 = vector.broadcast %broadcast_in_dim3A : f32 to vector<16xf32>
    %broadcast_in_dim3A_2 = arith.constant 1.000000e+00 : f32
    %broadcast_in_dim3A_3 = vector.broadcast %broadcast_in_dim3A_2 : f32 to vector<16xf32>
    %scan3A = arith.constant 0 : i32
    %scan3A_4 = arith.constant 0 : i32
    %scan3A_5 = arith.constant 40 : i32
    %scan3A_6 = arith.addi %scan3A_4, %scan3A_5 : i32
    %scan3A_7 = arith.constant 1 : i32
    %scan3A_8 = scf.for %scan3A_31 = %scan3A_4 to %scan3A_6 step %scan3A_7 iter_args(%scan3A_32 = %scan3A) -> (i32)  : i32 {
      %mul3A_33 = arith.constant 16 : i32
      %mul3A_34 = arith.muli %scan3A_31, %mul3A_33 : i32
      %swap3A = arith.index_cast %mul3A_34 : i32 to index
      %swap3A_35 = tpu.vector_load %arg6[%swap3A] {strides = array<i32>} : memref<640xf32, #tpu.memory_space<vmem>>, vector<16xf32>,
      %swap3A_36 = vector.shape_cast %swap3A_35 : vector<16xf32> to vector<16xf32>
      %swap3A_37 = vector.shape_cast %broadcast_in_dim3A_1 : vector<16xf32> to vector<16xf32>
      tpu.vector_store %arg6[%swap3A], %swap3A_37 {strides = array<i32>} : memref<640xf32, #tpu.memory_space<vmem>>, vector<16xf32>,
      %scan3A_38 = arith.constant 0 : i32
      scf.yield %scan3A_38 : i32
    }
    %scan3A_9 = arith.constant 40 : i32
    %scan3A_10 = arith.constant 0 : i32
    %scan3A_11 = arith.constant 0 : i32
    %scan3A_12 = arith.constant 8 : i32
    %scan3A_13 = arith.addi %scan3A_11, %scan3A_12 : i32
    %scan3A_14 = arith.constant 1 : i32
    %scan3A_15 = scf.for %scan3A_31 = %scan3A_11 to %scan3A_13 step %scan3A_14 iter_args(%scan3A_32 = %scan3A_10) -> (i32)  : i32 {
      %mul3A_33 = arith.constant 16 : i32
      %mul3A_34 = arith.muli %scan3A_31, %mul3A_33 : i32
      %swap3A = arith.index_cast %mul3A_34 : i32 to index
      %swap3A_35 = tpu.vector_load %arg5[%swap3A] {strides = array<i32>} : memref<128xf32, #tpu.memory_space<vmem>>, vector<16xf32>,
      %swap3A_36 = vector.shape_cast %swap3A_35 : vector<16xf32> to vector<16xf32>
      %swap3A_37 = vector.shape_cast %broadcast_in_dim3A_3 : vector<16xf32> to vector<16xf32>
      tpu.vector_store %arg5[%swap3A], %swap3A_37 {strides = array<i32>} : memref<128xf32, #tpu.memory_space<vmem>>, vector<16xf32>,
      %scan3A_38 = arith.constant 0 : i32
      scf.yield %scan3A_38 : i32
    }
    %scan3A_16 = arith.constant 8 : i32
    %mul3A_17 = arith.constant 640 : i32
    %mul3A_18 = arith.muli %arg1, %mul3A_17 : i32
    "tpu.region"() ({
      %run_scoped3A = tpu.sem_alloc : memref<!tpu.dma_semaphore, #tpu.memory_space<semaphore_mem>>
      %dma_start3A = tpu.memref_slice %arg7[%mul3A_18] : memref<10240xf32, #tpu.memory_space<vmem_shared>> -> memref<640xf32, #tpu.memory_space<vmem_shared>>
      %dma_start3A_31 = tpu.memref_slice %arg7[%mul3A_18] : memref<10240xf32, #tpu.memory_space<vmem_shared>> -> memref<640xf32, #tpu.memory_space<vmem_shared>>
      tpu.enqueue_dma source(%arg6 : memref<640xf32, #tpu.memory_space<vmem>>) target(%dma_start3A_31 : memref<640xf32, #tpu.memory_space<vmem_shared>>) target_semaphore(%run_scoped3A : memref<!tpu.dma_semaphore, #tpu.memory_space<semaphore_mem>>)
      %dma_wait3A = tpu.memref_slice %arg7[%mul3A_18] : memref<10240xf32, #tpu.memory_space<vmem_shared>> -> memref<640xf32, #tpu.memory_space<vmem_shared>>
      %dma_wait3A_32 = tpu.memref_slice %arg7[%mul3A_18] : memref<10240xf32, #tpu.memory_space<vmem_shared>> -> memref<640xf32, #tpu.memory_space<vmem_shared>>
      tpu.wait_dma2 semaphore(%run_scoped3A : memref<!tpu.dma_semaphore, #tpu.memory_space<semaphore_mem>>) src(%arg6 : memref<640xf32, #tpu.memory_space<vmem>>) dst(%dma_wait3A_32 : memref<640xf32, #tpu.memory_space<vmem_shared>>)
      tpu.yield
    }) : () -> ()
    "tpu.region"() ({
      %run_scoped3A = tpu.sem_alloc : memref<!tpu.dma_semaphore, #tpu.memory_space<semaphore_mem>>
      %dma_start3A = arith.constant 0 : i32
      %dma_start3A_31 = arith.constant 0 : i32
      %dma_start3A_32 = tpu.memref_slice %arg2[%add3A, %dma_start3A, %dma_start3A_31] : memref<32x80x128xi32, #tpu.memory_space<hbm>> -> memref<1x80x128xi32, #tpu.memory_space<hbm>>
      %dma_start3A_33 = tpu.memref_squeeze %dma_start3A_32 : memref<1x80x128xi32, #tpu.memory_space<hbm>> -> memref<80x128xi32, #tpu.memory_space<hbm>>
      %dma_start3A_34 = arith.constant 0 : i32
      %dma_start3A_35 = arith.constant 0 : i32
      %dma_start3A_36 = tpu.memref_slice %arg2[%add3A, %dma_start3A_34, %dma_start3A_35] : memref<32x80x128xi32, #tpu.memory_space<hbm>> -> memref<1x80x128xi32, #tpu.memory_space<hbm>>
      %dma_start3A_37 = tpu.memref_squeeze %dma_start3A_36 : memref<1x80x128xi32, #tpu.memory_space<hbm>> -> memref<80x128xi32, #tpu.memory_space<hbm>>
      tpu.enqueue_dma source(%dma_start3A_37 : memref<80x128xi32, #tpu.memory_space<hbm>>) target(%arg4 : memref<80x128xi32, #tpu.memory_space<vmem>>) target_semaphore(%run_scoped3A : memref<!tpu.dma_semaphore, #tpu.memory_space<semaphore_mem>>)
      %dma_wait3A = arith.constant 0 : i32
      %dma_wait3A_38 = arith.constant 0 : i32
      %dma_wait3A_39 = tpu.memref_slice %arg2[%add3A, %dma_wait3A, %dma_wait3A_38] : memref<32x80x128xi32, #tpu.memory_space<hbm>> -> memref<1x80x128xi32, #tpu.memory_space<hbm>>
      %dma_wait3A_40 = tpu.memref_squeeze %dma_wait3A_39 : memref<1x80x128xi32, #tpu.memory_space<hbm>> -> memref<80x128xi32, #tpu.memory_space<hbm>>
      %dma_wait3A_41 = arith.constant 0 : i32
      %dma_wait3A_42 = arith.constant 0 : i32
      %dma_wait3A_43 = tpu.memref_slice %arg2[%add3A, %dma_wait3A_41, %dma_wait3A_42] : memref<32x80x128xi32, #tpu.memory_space<hbm>> -> memref<1x80x128xi32, #tpu.memory_space<hbm>>
      %dma_wait3A_44 = tpu.memref_squeeze %dma_wait3A_43 : memref<1x80x128xi32, #tpu.memory_space<hbm>> -> memref<80x128xi32, #tpu.memory_space<hbm>>
      tpu.wait_dma2 semaphore(%run_scoped3A : memref<!tpu.dma_semaphore, #tpu.memory_space<semaphore_mem>>) src(%dma_wait3A_44 : memref<80x128xi32, #tpu.memory_space<hbm>>) dst(%arg4 : memref<80x128xi32, #tpu.memory_space<vmem>>)
      tpu.yield
    }) : () -> ()
    %barrier3A = arith.constant 0 : index
    tpu.barrier barrier_id(%barrier3A)
    %scan3A_19 = arith.constant 0 : i32
    %scan3A_20 = arith.constant 0 : i32
    %scan3A_21 = arith.constant 80 : i32
    %scan3A_22 = arith.addi %scan3A_20, %scan3A_21 : i32
    %scan3A_23 = arith.constant 1 : i32
    %scan3A_24 = scf.for %scan3A_31 = %scan3A_20 to %scan3A_22 step %scan3A_23 iter_args(%scan3A_32 = %scan3A_19) -> (i32)  : i32 {
      "tpu.region"() ({
        %run_scoped3A = tpu.sem_alloc : memref<!tpu.dma_semaphore, #tpu.memory_space<semaphore_mem>>
        %dma_start3A = arith.constant 0 : i32
        %dma_start3A_34 = tpu.memref_slice %arg4[%scan3A_31, %dma_start3A] : memref<80x128xi32, #tpu.memory_space<vmem>> -> memref<1x128xi32, #tpu.memory_space<vmem>>
        %dma_start3A_35 = tpu.memref_squeeze %dma_start3A_34 : memref<1x128xi32, #tpu.memory_space<vmem>> -> memref<128xi32, #tpu.memory_space<vmem>>
        %dma_start3A_36 = arith.constant 0 : i32
        %dma_start3A_37 = tpu.memref_slice %arg7[%dma_start3A_36] : memref<10240xf32, #tpu.memory_space<vmem_shared>> -> memref<10240xf32, #tpu.memory_space<vmem_shared>>
        tpu.enqueue_indirect_dma source(%arg5 : memref<128xf32, #tpu.memory_space<vmem>>) target(%dma_start3A_37 : memref<10240xf32, #tpu.memory_space<vmem_shared>>) offsets(%dma_start3A_35 : memref<128xi32, #tpu.memory_space<vmem>>) semaphore(%run_scoped3A : memref<!tpu.dma_semaphore, #tpu.memory_space<semaphore_mem>>) {add = true}
        %dma_wait3A = arith.constant 0 : i32
        %dma_wait3A_38 = tpu.memref_slice %arg4[%scan3A_31, %dma_wait3A] : memref<80x128xi32, #tpu.memory_space<vmem>> -> memref<1x128xi32, #tpu.memory_space<vmem>>
        %dma_wait3A_39 = tpu.memref_squeeze %dma_wait3A_38 : memref<1x128xi32, #tpu.memory_space<vmem>> -> memref<128xi32, #tpu.memory_space<vmem>>
        %dma_wait3A_40 = arith.constant 0 : i32
        %dma_wait3A_41 = tpu.memref_slice %arg7[%dma_wait3A_40] : memref<10240xf32, #tpu.memory_space<vmem_shared>> -> memref<10240xf32, #tpu.memory_space<vmem_shared>>
        tpu.wait_indirect_dma semaphore(%run_scoped3A : memref<!tpu.dma_semaphore, #tpu.memory_space<semaphore_mem>>) src(%arg5 : memref<128xf32, #tpu.memory_space<vmem>>) dst(%dma_wait3A_41 : memref<10240xf32, #tpu.memory_space<vmem_shared>>)
        tpu.yield
      }) : () -> ()
      %scan3A_33 = arith.constant 0 : i32
      scf.yield %scan3A_33 : i32
    }
    %scan3A_25 = arith.constant 80 : i32
    %barrier3A_26 = arith.constant 0 : index
    tpu.barrier barrier_id(%barrier3A_26)
    %mul3A_27 = arith.constant 640 : i32
    %mul3A_28 = arith.muli %arg1, %mul3A_27 : i32
    "tpu.region"() ({
      %run_scoped3A = tpu.sem_alloc : memref<!tpu.dma_semaphore, #tpu.memory_space<semaphore_mem>>
      %dma_start3A = tpu.memref_slice %arg7[%mul3A_28] : memref<10240xf32, #tpu.memory_space<vmem_shared>> -> memref<640xf32, #tpu.memory_space<vmem_shared>>
      %dma_start3A_31 = tpu.memref_slice %arg7[%mul3A_28] : memref<10240xf32, #tpu.memory_space<vmem_shared>> -> memref<640xf32, #tpu.memory_space<vmem_shared>>
      tpu.enqueue_dma source(%dma_start3A_31 : memref<640xf32, #tpu.memory_space<vmem_shared>>) target(%arg6 : memref<640xf32, #tpu.memory_space<vmem>>) target_semaphore(%run_scoped3A : memref<!tpu.dma_semaphore, #tpu.memory_space<semaphore_mem>>)
      %dma_wait3A = tpu.memref_slice %arg7[%mul3A_28] : memref<10240xf32, #tpu.memory_space<vmem_shared>> -> memref<640xf32, #tpu.memory_space<vmem_shared>>
      %dma_wait3A_32 = tpu.memref_slice %arg7[%mul3A_28] : memref<10240xf32, #tpu.memory_space<vmem_shared>> -> memref<640xf32, #tpu.memory_space<vmem_shared>>
      tpu.wait_dma2 semaphore(%run_scoped3A : memref<!tpu.dma_semaphore, #tpu.memory_space<semaphore_mem>>) src(%dma_wait3A_32 : memref<640xf32, #tpu.memory_space<vmem_shared>>) dst(%arg6 : memref<640xf32, #tpu.memory_space<vmem>>)
      tpu.yield
    }) : () -> ()
    %mul3A_29 = arith.constant 640 : i32
    %mul3A_30 = arith.muli %arg1, %mul3A_29 : i32
    "tpu.region"() ({
      %run_scoped3A = tpu.sem_alloc : memref<!tpu.dma_semaphore, #tpu.memory_space<semaphore_mem>>
      %dma_start3A = tpu.memref_slice %arg3[%arg0, %mul3A_30] : memref<2x10240xf32, #tpu.memory_space<hbm>> -> memref<1x640xf32, #tpu.memory_space<hbm>>
      %dma_start3A_31 = tpu.memref_squeeze %dma_start3A : memref<1x640xf32, #tpu.memory_space<hbm>> -> memref<640xf32, #tpu.memory_space<hbm>>
      %dma_start3A_32 = tpu.memref_slice %arg3[%arg0, %mul3A_30] : memref<2x10240xf32, #tpu.memory_space<hbm>> -> memref<1x640xf32, #tpu.memory_space<hbm>>
      %dma_start3A_33 = tpu.memref_squeeze %dma_start3A_32 : memref<1x640xf32, #tpu.memory_space<hbm>> -> memref<640xf32, #tpu.memory_space<hbm>>
      tpu.enqueue_dma source(%arg6 : memref<640xf32, #tpu.memory_space<vmem>>) target(%dma_start3A_33 : memref<640xf32, #tpu.memory_space<hbm>>) target_semaphore(%run_scoped3A : memref<!tpu.dma_semaphore, #tpu.memory_space<semaphore_mem>>)
      %dma_wait3A = tpu.memref_slice %arg3[%arg0, %mul3A_30] : memref<2x10240xf32, #tpu.memory_space<hbm>> -> memref<1x640xf32, #tpu.memory_space<hbm>>
      %dma_wait3A_34 = tpu.memref_squeeze %dma_wait3A : memref<1x640xf32, #tpu.memory_space<hbm>> -> memref<640xf32, #tpu.memory_space<hbm>>
      %dma_wait3A_35 = tpu.memref_slice %arg3[%arg0, %mul3A_30] : memref<2x10240xf32, #tpu.memory_space<hbm>> -> memref<1x640xf32, #tpu.memory_space<hbm>>
      %dma_wait3A_36 = tpu.memref_squeeze %dma_wait3A_35 : memref<1x640xf32, #tpu.memory_space<hbm>> -> memref<640xf32, #tpu.memory_space<hbm>>
      tpu.wait_dma2 semaphore(%run_scoped3A : memref<!tpu.dma_semaphore, #tpu.memory_space<semaphore_mem>>) src(%arg6 : memref<640xf32, #tpu.memory_space<vmem>>) dst(%dma_wait3A_36 : memref<640xf32, #tpu.memory_space<hbm>>)
      tpu.yield
    }) : () -> ()
    return
  }
}

#map = affine_map<(d0, d1) -> (0, 0)>
#map1 = affine_map<(d0, d1) -> (0, 0, 0)>
module attributes {stable_mosaic.version = 14 : i64} {
  func.func @_scatter(%arg0: i32, %arg1: i32, %arg2: memref<20480x16xf32, #tpu.memory_space<hbm>>, %arg3: memref<16x160x128xi32, #tpu.memory_space<hbm>>, %arg4: memref<16x160x128xi32, #tpu.memory_space<hbm>>, %arg5: memref<2x10240x16xf32, #tpu.memory_space<hbm>>, %arg6: memref<160x128xi32, #tpu.memory_space<vmem>>, %arg7: memref<160x128xi32, #tpu.memory_space<vmem>>, %arg8: memref<128x16xf32, #tpu.memory_space<vmem>>, %arg9: memref<128x16xf32, #tpu.memory_space<vmem>>, %arg10: memref<128x16xf32, #tpu.memory_space<vmem>>, %arg11: memref<128x16xf32, #tpu.memory_space<vmem>>, %arg12: memref<128x16xf32, #tpu.memory_space<vmem>>, %arg13: memref<!tpu.dma_semaphore, #tpu.memory_space<semaphore_mem>>, %arg14: memref<!tpu.dma_semaphore, #tpu.memory_space<semaphore_mem>>, %arg15: memref<!tpu.dma_semaphore, #tpu.memory_space<semaphore_mem>>, %arg16: memref<!tpu.dma_semaphore, #tpu.memory_space<semaphore_mem>>, %arg17: memref<!tpu.dma_semaphore, #tpu.memory_space<semaphore_mem>>, %arg18: memref<!tpu.dma_semaphore, #tpu.memory_space<semaphore_mem>>, %arg19: memref<!tpu.dma_semaphore, #tpu.memory_space<semaphore_mem>>, %arg20: memref<!tpu.dma_semaphore, #tpu.memory_space<semaphore_mem>>, %arg21: memref<!tpu.dma_semaphore, #tpu.memory_space<semaphore_mem>>, %arg22: memref<!tpu.dma_semaphore, #tpu.memory_space<semaphore_mem>>, %arg23: memref<10240x16xf32, #tpu.memory_space<vmem_shared>>) attributes {dimension_semantics = [#tpu.dimension_semantics<core_parallel>, #tpu.dimension_semantics<subcore_parallel>], iteration_bounds = array<i64: 2, 16>, scalar_prefetch = 0 : i64, scratch_operands = 18 : i64, tpu.core_type = #tpu.core_type<sc_vector_subcore>, window_params = [{transform_indices = #map}, {transform_indices = #map1}, {transform_indices = #map1}, {transform_indices = #map1}]} {
    %broadcast_in_dim3A = arith.constant 0.000000e+00 : f32
    %broadcast_in_dim3A_0 = vector.broadcast %broadcast_in_dim3A : f32 to vector<16xf32>
    %mul3A = arith.constant 10240 : i32
    %mul3A_1 = arith.muli %arg0, %mul3A : i32
    %broadcast_in_dim3A_2 = vector.broadcast %mul3A_1 : i32 to vector<16xi32>
    %scan3A = arith.constant 0 : i32
    %scan3A_3 = arith.constant 0 : i32
    %scan3A_4 = arith.constant 128 : i32
    %scan3A_5 = arith.addi %scan3A_3, %scan3A_4 : i32
    %scan3A_6 = arith.constant 1 : i32
    %scan3A_7 = scf.for %scan3A_103 = %scan3A_3 to %scan3A_5 step %scan3A_6 iter_args(%scan3A_104 = %scan3A) -> (i32)  : i32 {
      %swap3A = arith.index_cast %scan3A_103 : i32 to index
      %swap3A_105 = arith.constant 0 : index
      %swap3A_106 = tpu.vector_load %arg8[%swap3A, %swap3A_105] {strides = array<i32>} : memref<128x16xf32, #tpu.memory_space<vmem>>, vector<1x16xf32>,
      %swap3A_107 = vector.shape_cast %swap3A_106 : vector<1x16xf32> to vector<16xf32>
      %swap3A_108 = vector.shape_cast %broadcast_in_dim3A_0 : vector<16xf32> to vector<1x16xf32>
      tpu.vector_store %arg8[%swap3A, %swap3A_105], %swap3A_108 {strides = array<i32>} : memref<128x16xf32, #tpu.memory_space<vmem>>, vector<1x16xf32>,
      %scan3A_109 = arith.constant 0 : i32
      scf.yield %scan3A_109 : i32
    }
    %scan3A_8 = arith.constant 128 : i32
    %scan3A_9 = arith.constant 0 : i32
    %scan3A_10 = arith.constant 0 : i32
    %scan3A_11 = arith.constant 5 : i32
    %scan3A_12 = arith.addi %scan3A_10, %scan3A_11 : i32
    %scan3A_13 = arith.constant 1 : i32
    %scan3A_14 = scf.for %scan3A_103 = %scan3A_10 to %scan3A_12 step %scan3A_13 iter_args(%scan3A_104 = %scan3A_9) -> (i32)  : i32 {
      %mul3A_105 = arith.constant 640 : i32
      %mul3A_106 = arith.muli %arg1, %mul3A_105 : i32
      %mul3A_107 = arith.constant 128 : i32
      %mul3A_108 = arith.muli %scan3A_103, %mul3A_107 : i32
      %add3A = arith.addi %mul3A_106, %mul3A_108 : i32
      "tpu.region"() ({
        %run_scoped3A = tpu.sem_alloc : memref<!tpu.dma_semaphore, #tpu.memory_space<semaphore_mem>>
        %dma_start3A_110 = arith.constant 0 : i32
        %dma_start3A_111 = tpu.memref_slice %arg23[%add3A, %dma_start3A_110] : memref<10240x16xf32, #tpu.memory_space<vmem_shared>> -> memref<128x16xf32, #tpu.memory_space<vmem_shared>>
        %dma_start3A_112 = arith.constant 0 : i32
        %dma_start3A_113 = tpu.memref_slice %arg23[%add3A, %dma_start3A_112] : memref<10240x16xf32, #tpu.memory_space<vmem_shared>> -> memref<128x16xf32, #tpu.memory_space<vmem_shared>>
        tpu.enqueue_dma source(%arg8 : memref<128x16xf32, #tpu.memory_space<vmem>>) target(%dma_start3A_113 : memref<128x16xf32, #tpu.memory_space<vmem_shared>>) target_semaphore(%run_scoped3A : memref<!tpu.dma_semaphore, #tpu.memory_space<semaphore_mem>>)
        %dma_wait3A_114 = arith.constant 0 : i32
        %dma_wait3A_115 = tpu.memref_slice %arg23[%add3A, %dma_wait3A_114] : memref<10240x16xf32, #tpu.memory_space<vmem_shared>> -> memref<128x16xf32, #tpu.memory_space<vmem_shared>>
        %dma_wait3A_116 = arith.constant 0 : i32
        %dma_wait3A_117 = tpu.memref_slice %arg23[%add3A, %dma_wait3A_116] : memref<10240x16xf32, #tpu.memory_space<vmem_shared>> -> memref<128x16xf32, #tpu.memory_space<vmem_shared>>
        tpu.wait_dma2 semaphore(%run_scoped3A : memref<!tpu.dma_semaphore, #tpu.memory_space<semaphore_mem>>) src(%arg8 : memref<128x16xf32, #tpu.memory_space<vmem>>) dst(%dma_wait3A_117 : memref<128x16xf32, #tpu.memory_space<vmem_shared>>)
        tpu.yield
      }) : () -> ()
      %scan3A_109 = arith.constant 0 : i32
      scf.yield %scan3A_109 : i32
    }
    %scan3A_15 = arith.constant 5 : i32
    "tpu.region"() ({
      %run_scoped3A = tpu.sem_alloc : memref<!tpu.dma_semaphore, #tpu.memory_space<semaphore_mem>>
      %dma_start3A_103 = arith.constant 0 : i32
      %dma_start3A_104 = arith.constant 0 : i32
      %dma_start3A_105 = tpu.memref_slice %arg3[%arg1, %dma_start3A_103, %dma_start3A_104] : memref<16x160x128xi32, #tpu.memory_space<hbm>> -> memref<1x160x128xi32, #tpu.memory_space<hbm>>
      %dma_start3A_106 = tpu.memref_squeeze %dma_start3A_105 : memref<1x160x128xi32, #tpu.memory_space<hbm>> -> memref<160x128xi32, #tpu.memory_space<hbm>>
      %dma_start3A_107 = arith.constant 0 : i32
      %dma_start3A_108 = arith.constant 0 : i32
      %dma_start3A_109 = tpu.memref_slice %arg3[%arg1, %dma_start3A_107, %dma_start3A_108] : memref<16x160x128xi32, #tpu.memory_space<hbm>> -> memref<1x160x128xi32, #tpu.memory_space<hbm>>
      %dma_start3A_110 = tpu.memref_squeeze %dma_start3A_109 : memref<1x160x128xi32, #tpu.memory_space<hbm>> -> memref<160x128xi32, #tpu.memory_space<hbm>>
      tpu.enqueue_dma source(%dma_start3A_110 : memref<160x128xi32, #tpu.memory_space<hbm>>) target(%arg6 : memref<160x128xi32, #tpu.memory_space<vmem>>) target_semaphore(%run_scoped3A : memref<!tpu.dma_semaphore, #tpu.memory_space<semaphore_mem>>)
      %dma_wait3A_111 = arith.constant 0 : i32
      %dma_wait3A_112 = arith.constant 0 : i32
      %dma_wait3A_113 = tpu.memref_slice %arg3[%arg1, %dma_wait3A_111, %dma_wait3A_112] : memref<16x160x128xi32, #tpu.memory_space<hbm>> -> memref<1x160x128xi32, #tpu.memory_space<hbm>>
      %dma_wait3A_114 = tpu.memref_squeeze %dma_wait3A_113 : memref<1x160x128xi32, #tpu.memory_space<hbm>> -> memref<160x128xi32, #tpu.memory_space<hbm>>
      %dma_wait3A_115 = arith.constant 0 : i32
      %dma_wait3A_116 = arith.constant 0 : i32
      %dma_wait3A_117 = tpu.memref_slice %arg3[%arg1, %dma_wait3A_115, %dma_wait3A_116] : memref<16x160x128xi32, #tpu.memory_space<hbm>> -> memref<1x160x128xi32, #tpu.memory_space<hbm>>
      %dma_wait3A_118 = tpu.memref_squeeze %dma_wait3A_117 : memref<1x160x128xi32, #tpu.memory_space<hbm>> -> memref<160x128xi32, #tpu.memory_space<hbm>>
      tpu.wait_dma2 semaphore(%run_scoped3A : memref<!tpu.dma_semaphore, #tpu.memory_space<semaphore_mem>>) src(%dma_wait3A_118 : memref<160x128xi32, #tpu.memory_space<hbm>>) dst(%arg6 : memref<160x128xi32, #tpu.memory_space<vmem>>)
      tpu.yield
    }) : () -> ()
    "tpu.region"() ({
      %run_scoped3A = tpu.sem_alloc : memref<!tpu.dma_semaphore, #tpu.memory_space<semaphore_mem>>
      %dma_start3A_103 = arith.constant 0 : i32
      %dma_start3A_104 = arith.constant 0 : i32
      %dma_start3A_105 = tpu.memref_slice %arg4[%arg1, %dma_start3A_103, %dma_start3A_104] : memref<16x160x128xi32, #tpu.memory_space<hbm>> -> memref<1x160x128xi32, #tpu.memory_space<hbm>>
      %dma_start3A_106 = tpu.memref_squeeze %dma_start3A_105 : memref<1x160x128xi32, #tpu.memory_space<hbm>> -> memref<160x128xi32, #tpu.memory_space<hbm>>
      %dma_start3A_107 = arith.constant 0 : i32
      %dma_start3A_108 = arith.constant 0 : i32
      %dma_start3A_109 = tpu.memref_slice %arg4[%arg1, %dma_start3A_107, %dma_start3A_108] : memref<16x160x128xi32, #tpu.memory_space<hbm>> -> memref<1x160x128xi32, #tpu.memory_space<hbm>>
      %dma_start3A_110 = tpu.memref_squeeze %dma_start3A_109 : memref<1x160x128xi32, #tpu.memory_space<hbm>> -> memref<160x128xi32, #tpu.memory_space<hbm>>
      tpu.enqueue_dma source(%dma_start3A_110 : memref<160x128xi32, #tpu.memory_space<hbm>>) target(%arg7 : memref<160x128xi32, #tpu.memory_space<vmem>>) target_semaphore(%run_scoped3A : memref<!tpu.dma_semaphore, #tpu.memory_space<semaphore_mem>>)
      %dma_wait3A_111 = arith.constant 0 : i32
      %dma_wait3A_112 = arith.constant 0 : i32
      %dma_wait3A_113 = tpu.memref_slice %arg4[%arg1, %dma_wait3A_111, %dma_wait3A_112] : memref<16x160x128xi32, #tpu.memory_space<hbm>> -> memref<1x160x128xi32, #tpu.memory_space<hbm>>
      %dma_wait3A_114 = tpu.memref_squeeze %dma_wait3A_113 : memref<1x160x128xi32, #tpu.memory_space<hbm>> -> memref<160x128xi32, #tpu.memory_space<hbm>>
      %dma_wait3A_115 = arith.constant 0 : i32
      %dma_wait3A_116 = arith.constant 0 : i32
      %dma_wait3A_117 = tpu.memref_slice %arg4[%arg1, %dma_wait3A_115, %dma_wait3A_116] : memref<16x160x128xi32, #tpu.memory_space<hbm>> -> memref<1x160x128xi32, #tpu.memory_space<hbm>>
      %dma_wait3A_118 = tpu.memref_squeeze %dma_wait3A_117 : memref<1x160x128xi32, #tpu.memory_space<hbm>> -> memref<160x128xi32, #tpu.memory_space<hbm>>
      tpu.wait_dma2 semaphore(%run_scoped3A : memref<!tpu.dma_semaphore, #tpu.memory_space<semaphore_mem>>) src(%dma_wait3A_118 : memref<160x128xi32, #tpu.memory_space<hbm>>) dst(%arg7 : memref<160x128xi32, #tpu.memory_space<vmem>>)
      tpu.yield
    }) : () -> ()
    %scan3A_16 = arith.constant 0 : i32
    %scan3A_17 = arith.constant 0 : i32
    %scan3A_18 = arith.constant 160 : i32
    %scan3A_19 = arith.addi %scan3A_17, %scan3A_18 : i32
    %scan3A_20 = arith.constant 1 : i32
    %scan3A_21 = scf.for %scan3A_103 = %scan3A_17 to %scan3A_19 step %scan3A_20 iter_args(%scan3A_104 = %scan3A_16) -> (i32)  : i32 {
      %get3A = arith.index_cast %scan3A_103 : i32 to index
      %get3A_105 = arith.constant 0 : index
      %get3A_106 = tpu.vector_load %arg6[%get3A, %get3A_105] {strides = array<i32>} : memref<160x128xi32, #tpu.memory_space<vmem>>, vector<1x16xi32>,
      %get3A_107 = vector.shape_cast %get3A_106 : vector<1x16xi32> to vector<16xi32>
      %add3A = arith.addi %get3A_107, %broadcast_in_dim3A_2 : vector<16xi32>
      %swap3A = arith.index_cast %scan3A_103 : i32 to index
      %swap3A_108 = arith.constant 0 : index
      %swap3A_109 = tpu.vector_load %arg6[%swap3A, %swap3A_108] {strides = array<i32>} : memref<160x128xi32, #tpu.memory_space<vmem>>, vector<1x16xi32>,
      %swap3A_110 = vector.shape_cast %swap3A_109 : vector<1x16xi32> to vector<16xi32>
      %swap3A_111 = vector.shape_cast %add3A : vector<16xi32> to vector<1x16xi32>
      tpu.vector_store %arg6[%swap3A, %swap3A_108], %swap3A_111 {strides = array<i32>} : memref<160x128xi32, #tpu.memory_space<vmem>>, vector<1x16xi32>,
      %get3A_112 = arith.index_cast %scan3A_103 : i32 to index
      %get3A_113 = arith.constant 16 : index
      %get3A_114 = tpu.vector_load %arg6[%get3A_112, %get3A_113] {strides = array<i32>} : memref<160x128xi32, #tpu.memory_space<vmem>>, vector<1x16xi32>,
      %get3A_115 = vector.shape_cast %get3A_114 : vector<1x16xi32> to vector<16xi32>
      %add3A_116 = arith.addi %get3A_115, %broadcast_in_dim3A_2 : vector<16xi32>
      %swap3A_117 = arith.index_cast %scan3A_103 : i32 to index
      %swap3A_118 = arith.constant 16 : index
      %swap3A_119 = tpu.vector_load %arg6[%swap3A_117, %swap3A_118] {strides = array<i32>} : memref<160x128xi32, #tpu.memory_space<vmem>>, vector<1x16xi32>,
      %swap3A_120 = vector.shape_cast %swap3A_119 : vector<1x16xi32> to vector<16xi32>
      %swap3A_121 = vector.shape_cast %add3A_116 : vector<16xi32> to vector<1x16xi32>
      tpu.vector_store %arg6[%swap3A_117, %swap3A_118], %swap3A_121 {strides = array<i32>} : memref<160x128xi32, #tpu.memory_space<vmem>>, vector<1x16xi32>,
      %get3A_122 = arith.index_cast %scan3A_103 : i32 to index
      %get3A_123 = arith.constant 32 : index
      %get3A_124 = tpu.vector_load %arg6[%get3A_122, %get3A_123] {strides = array<i32>} : memref<160x128xi32, #tpu.memory_space<vmem>>, vector<1x16xi32>,
      %get3A_125 = vector.shape_cast %get3A_124 : vector<1x16xi32> to vector<16xi32>
      %add3A_126 = arith.addi %get3A_125, %broadcast_in_dim3A_2 : vector<16xi32>
      %swap3A_127 = arith.index_cast %scan3A_103 : i32 to index
      %swap3A_128 = arith.constant 32 : index
      %swap3A_129 = tpu.vector_load %arg6[%swap3A_127, %swap3A_128] {strides = array<i32>} : memref<160x128xi32, #tpu.memory_space<vmem>>, vector<1x16xi32>,
      %swap3A_130 = vector.shape_cast %swap3A_129 : vector<1x16xi32> to vector<16xi32>
      %swap3A_131 = vector.shape_cast %add3A_126 : vector<16xi32> to vector<1x16xi32>
      tpu.vector_store %arg6[%swap3A_127, %swap3A_128], %swap3A_131 {strides = array<i32>} : memref<160x128xi32, #tpu.memory_space<vmem>>, vector<1x16xi32>,
      %get3A_132 = arith.index_cast %scan3A_103 : i32 to index
      %get3A_133 = arith.constant 48 : index
      %get3A_134 = tpu.vector_load %arg6[%get3A_132, %get3A_133] {strides = array<i32>} : memref<160x128xi32, #tpu.memory_space<vmem>>, vector<1x16xi32>,
      %get3A_135 = vector.shape_cast %get3A_134 : vector<1x16xi32> to vector<16xi32>
      %add3A_136 = arith.addi %get3A_135, %broadcast_in_dim3A_2 : vector<16xi32>
      %swap3A_137 = arith.index_cast %scan3A_103 : i32 to index
      %swap3A_138 = arith.constant 48 : index
      %swap3A_139 = tpu.vector_load %arg6[%swap3A_137, %swap3A_138] {strides = array<i32>} : memref<160x128xi32, #tpu.memory_space<vmem>>, vector<1x16xi32>,
      %swap3A_140 = vector.shape_cast %swap3A_139 : vector<1x16xi32> to vector<16xi32>
      %swap3A_141 = vector.shape_cast %add3A_136 : vector<16xi32> to vector<1x16xi32>
      tpu.vector_store %arg6[%swap3A_137, %swap3A_138], %swap3A_141 {strides = array<i32>} : memref<160x128xi32, #tpu.memory_space<vmem>>, vector<1x16xi32>,
      %get3A_142 = arith.index_cast %scan3A_103 : i32 to index
      %get3A_143 = arith.constant 64 : index
      %get3A_144 = tpu.vector_load %arg6[%get3A_142, %get3A_143] {strides = array<i32>} : memref<160x128xi32, #tpu.memory_space<vmem>>, vector<1x16xi32>,
      %get3A_145 = vector.shape_cast %get3A_144 : vector<1x16xi32> to vector<16xi32>
      %add3A_146 = arith.addi %get3A_145, %broadcast_in_dim3A_2 : vector<16xi32>
      %swap3A_147 = arith.index_cast %scan3A_103 : i32 to index
      %swap3A_148 = arith.constant 64 : index
      %swap3A_149 = tpu.vector_load %arg6[%swap3A_147, %swap3A_148] {strides = array<i32>} : memref<160x128xi32, #tpu.memory_space<vmem>>, vector<1x16xi32>,
      %swap3A_150 = vector.shape_cast %swap3A_149 : vector<1x16xi32> to vector<16xi32>
      %swap3A_151 = vector.shape_cast %add3A_146 : vector<16xi32> to vector<1x16xi32>
      tpu.vector_store %arg6[%swap3A_147, %swap3A_148], %swap3A_151 {strides = array<i32>} : memref<160x128xi32, #tpu.memory_space<vmem>>, vector<1x16xi32>,
      %get3A_152 = arith.index_cast %scan3A_103 : i32 to index
      %get3A_153 = arith.constant 80 : index
      %get3A_154 = tpu.vector_load %arg6[%get3A_152, %get3A_153] {strides = array<i32>} : memref<160x128xi32, #tpu.memory_space<vmem>>, vector<1x16xi32>,
      %get3A_155 = vector.shape_cast %get3A_154 : vector<1x16xi32> to vector<16xi32>
      %add3A_156 = arith.addi %get3A_155, %broadcast_in_dim3A_2 : vector<16xi32>
      %swap3A_157 = arith.index_cast %scan3A_103 : i32 to index
      %swap3A_158 = arith.constant 80 : index
      %swap3A_159 = tpu.vector_load %arg6[%swap3A_157, %swap3A_158] {strides = array<i32>} : memref<160x128xi32, #tpu.memory_space<vmem>>, vector<1x16xi32>,
      %swap3A_160 = vector.shape_cast %swap3A_159 : vector<1x16xi32> to vector<16xi32>
      %swap3A_161 = vector.shape_cast %add3A_156 : vector<16xi32> to vector<1x16xi32>
      tpu.vector_store %arg6[%swap3A_157, %swap3A_158], %swap3A_161 {strides = array<i32>} : memref<160x128xi32, #tpu.memory_space<vmem>>, vector<1x16xi32>,
      %get3A_162 = arith.index_cast %scan3A_103 : i32 to index
      %get3A_163 = arith.constant 96 : index
      %get3A_164 = tpu.vector_load %arg6[%get3A_162, %get3A_163] {strides = array<i32>} : memref<160x128xi32, #tpu.memory_space<vmem>>, vector<1x16xi32>,
      %get3A_165 = vector.shape_cast %get3A_164 : vector<1x16xi32> to vector<16xi32>
      %add3A_166 = arith.addi %get3A_165, %broadcast_in_dim3A_2 : vector<16xi32>
      %swap3A_167 = arith.index_cast %scan3A_103 : i32 to index
      %swap3A_168 = arith.constant 96 : index
      %swap3A_169 = tpu.vector_load %arg6[%swap3A_167, %swap3A_168] {strides = array<i32>} : memref<160x128xi32, #tpu.memory_space<vmem>>, vector<1x16xi32>,
      %swap3A_170 = vector.shape_cast %swap3A_169 : vector<1x16xi32> to vector<16xi32>
      %swap3A_171 = vector.shape_cast %add3A_166 : vector<16xi32> to vector<1x16xi32>
      tpu.vector_store %arg6[%swap3A_167, %swap3A_168], %swap3A_171 {strides = array<i32>} : memref<160x128xi32, #tpu.memory_space<vmem>>, vector<1x16xi32>,
      %get3A_172 = arith.index_cast %scan3A_103 : i32 to index
      %get3A_173 = arith.constant 112 : index
      %get3A_174 = tpu.vector_load %arg6[%get3A_172, %get3A_173] {strides = array<i32>} : memref<160x128xi32, #tpu.memory_space<vmem>>, vector<1x16xi32>,
      %get3A_175 = vector.shape_cast %get3A_174 : vector<1x16xi32> to vector<16xi32>
      %add3A_176 = arith.addi %get3A_175, %broadcast_in_dim3A_2 : vector<16xi32>
      %swap3A_177 = arith.index_cast %scan3A_103 : i32 to index
      %swap3A_178 = arith.constant 112 : index
      %swap3A_179 = tpu.vector_load %arg6[%swap3A_177, %swap3A_178] {strides = array<i32>} : memref<160x128xi32, #tpu.memory_space<vmem>>, vector<1x16xi32>,
      %swap3A_180 = vector.shape_cast %swap3A_179 : vector<1x16xi32> to vector<16xi32>
      %swap3A_181 = vector.shape_cast %add3A_176 : vector<16xi32> to vector<1x16xi32>
      tpu.vector_store %arg6[%swap3A_177, %swap3A_178], %swap3A_181 {strides = array<i32>} : memref<160x128xi32, #tpu.memory_space<vmem>>, vector<1x16xi32>,
      %scan3A_182 = arith.constant 0 : i32
      scf.yield %scan3A_182 : i32
    }
    %scan3A_22 = arith.constant 160 : i32
    %barrier3A = arith.constant 0 : index
    tpu.barrier barrier_id(%barrier3A)
    %dma_start3A = arith.constant 0 : i32
    %dma_start3A_23 = arith.constant 0 : i32
    %dma_start3A_24 = tpu.memref_slice %arg6[%dma_start3A, %dma_start3A_23] : memref<160x128xi32, #tpu.memory_space<vmem>> -> memref<1x128xi32, #tpu.memory_space<vmem>>
    %dma_start3A_25 = tpu.memref_squeeze %dma_start3A_24 : memref<1x128xi32, #tpu.memory_space<vmem>> -> memref<128xi32, #tpu.memory_space<vmem>>
    %dma_start3A_26 = arith.constant 0 : i32
    %dma_start3A_27 = arith.constant 0 : i32
    %dma_start3A_28 = tpu.memref_slice %arg2[%dma_start3A_26, %dma_start3A_27] : memref<20480x16xf32, #tpu.memory_space<hbm>> -> memref<20480x16xf32, #tpu.memory_space<hbm>>
    tpu.enqueue_indirect_dma source(%dma_start3A_28 : memref<20480x16xf32, #tpu.memory_space<hbm>>) target(%arg8 : memref<128x16xf32, #tpu.memory_space<vmem>>) offsets(%dma_start3A_25 : memref<128xi32, #tpu.memory_space<vmem>>) semaphore(%arg13 : memref<!tpu.dma_semaphore, #tpu.memory_space<semaphore_mem>>)
    %dma_start3A_29 = arith.constant 1 : i32
    %dma_start3A_30 = arith.constant 0 : i32
    %dma_start3A_31 = tpu.memref_slice %arg6[%dma_start3A_29, %dma_start3A_30] : memref<160x128xi32, #tpu.memory_space<vmem>> -> memref<1x128xi32, #tpu.memory_space<vmem>>
    %dma_start3A_32 = tpu.memref_squeeze %dma_start3A_31 : memref<1x128xi32, #tpu.memory_space<vmem>> -> memref<128xi32, #tpu.memory_space<vmem>>
    %dma_start3A_33 = arith.constant 0 : i32
    %dma_start3A_34 = arith.constant 0 : i32
    %dma_start3A_35 = tpu.memref_slice %arg2[%dma_start3A_33, %dma_start3A_34] : memref<20480x16xf32, #tpu.memory_space<hbm>> -> memref<20480x16xf32, #tpu.memory_space<hbm>>
    tpu.enqueue_indirect_dma source(%dma_start3A_35 : memref<20480x16xf32, #tpu.memory_space<hbm>>) target(%arg9 : memref<128x16xf32, #tpu.memory_space<vmem>>) offsets(%dma_start3A_32 : memref<128xi32, #tpu.memory_space<vmem>>) semaphore(%arg14 : memref<!tpu.dma_semaphore, #tpu.memory_space<semaphore_mem>>)
    %dma_start3A_36 = arith.constant 2 : i32
    %dma_start3A_37 = arith.constant 0 : i32
    %dma_start3A_38 = tpu.memref_slice %arg6[%dma_start3A_36, %dma_start3A_37] : memref<160x128xi32, #tpu.memory_space<vmem>> -> memref<1x128xi32, #tpu.memory_space<vmem>>
    %dma_start3A_39 = tpu.memref_squeeze %dma_start3A_38 : memref<1x128xi32, #tpu.memory_space<vmem>> -> memref<128xi32, #tpu.memory_space<vmem>>
    %dma_start3A_40 = arith.constant 0 : i32
    %dma_start3A_41 = arith.constant 0 : i32
    %dma_start3A_42 = tpu.memref_slice %arg2[%dma_start3A_40, %dma_start3A_41] : memref<20480x16xf32, #tpu.memory_space<hbm>> -> memref<20480x16xf32, #tpu.memory_space<hbm>>
    tpu.enqueue_indirect_dma source(%dma_start3A_42 : memref<20480x16xf32, #tpu.memory_space<hbm>>) target(%arg10 : memref<128x16xf32, #tpu.memory_space<vmem>>) offsets(%dma_start3A_39 : memref<128xi32, #tpu.memory_space<vmem>>) semaphore(%arg15 : memref<!tpu.dma_semaphore, #tpu.memory_space<semaphore_mem>>)
    %dma_start3A_43 = arith.constant 3 : i32
    %dma_start3A_44 = arith.constant 0 : i32
    %dma_start3A_45 = tpu.memref_slice %arg6[%dma_start3A_43, %dma_start3A_44] : memref<160x128xi32, #tpu.memory_space<vmem>> -> memref<1x128xi32, #tpu.memory_space<vmem>>
    %dma_start3A_46 = tpu.memref_squeeze %dma_start3A_45 : memref<1x128xi32, #tpu.memory_space<vmem>> -> memref<128xi32, #tpu.memory_space<vmem>>
    %dma_start3A_47 = arith.constant 0 : i32
    %dma_start3A_48 = arith.constant 0 : i32
    %dma_start3A_49 = tpu.memref_slice %arg2[%dma_start3A_47, %dma_start3A_48] : memref<20480x16xf32, #tpu.memory_space<hbm>> -> memref<20480x16xf32, #tpu.memory_space<hbm>>
    tpu.enqueue_indirect_dma source(%dma_start3A_49 : memref<20480x16xf32, #tpu.memory_space<hbm>>) target(%arg11 : memref<128x16xf32, #tpu.memory_space<vmem>>) offsets(%dma_start3A_46 : memref<128xi32, #tpu.memory_space<vmem>>) semaphore(%arg16 : memref<!tpu.dma_semaphore, #tpu.memory_space<semaphore_mem>>)
    %dma_start3A_50 = arith.constant 4 : i32
    %dma_start3A_51 = arith.constant 0 : i32
    %dma_start3A_52 = tpu.memref_slice %arg6[%dma_start3A_50, %dma_start3A_51] : memref<160x128xi32, #tpu.memory_space<vmem>> -> memref<1x128xi32, #tpu.memory_space<vmem>>
    %dma_start3A_53 = tpu.memref_squeeze %dma_start3A_52 : memref<1x128xi32, #tpu.memory_space<vmem>> -> memref<128xi32, #tpu.memory_space<vmem>>
    %dma_start3A_54 = arith.constant 0 : i32
    %dma_start3A_55 = arith.constant 0 : i32
    %dma_start3A_56 = tpu.memref_slice %arg2[%dma_start3A_54, %dma_start3A_55] : memref<20480x16xf32, #tpu.memory_space<hbm>> -> memref<20480x16xf32, #tpu.memory_space<hbm>>
    tpu.enqueue_indirect_dma source(%dma_start3A_56 : memref<20480x16xf32, #tpu.memory_space<hbm>>) target(%arg12 : memref<128x16xf32, #tpu.memory_space<vmem>>) offsets(%dma_start3A_53 : memref<128xi32, #tpu.memory_space<vmem>>) semaphore(%arg17 : memref<!tpu.dma_semaphore, #tpu.memory_space<semaphore_mem>>)
    %scan3A_57 = arith.constant 0 : i32
    %scan3A_58 = arith.constant 0 : i32
    %scan3A_59 = arith.constant 32 : i32
    %scan3A_60 = arith.addi %scan3A_58, %scan3A_59 : i32
    %scan3A_61 = arith.constant 1 : i32
    %scan3A_62 = scf.for %scan3A_103 = %scan3A_58 to %scan3A_60 step %scan3A_61 iter_args(%scan3A_104 = %scan3A_57) -> (i32)  : i32 {
      %mul3A_105 = arith.constant 5 : i32
      %mul3A_106 = arith.muli %mul3A_105, %scan3A_103 : i32
      %add3A = arith.constant 0 : i32
      %add3A_107 = arith.addi %mul3A_106, %add3A : i32
      %dma_wait3A_108 = arith.constant 0 : i32
      %dma_wait3A_109 = tpu.memref_slice %arg6[%add3A_107, %dma_wait3A_108] : memref<160x128xi32, #tpu.memory_space<vmem>> -> memref<1x128xi32, #tpu.memory_space<vmem>>
      %dma_wait3A_110 = tpu.memref_squeeze %dma_wait3A_109 : memref<1x128xi32, #tpu.memory_space<vmem>> -> memref<128xi32, #tpu.memory_space<vmem>>
      %dma_wait3A_111 = arith.constant 0 : i32
      %dma_wait3A_112 = arith.constant 0 : i32
      %dma_wait3A_113 = tpu.memref_slice %arg2[%dma_wait3A_111, %dma_wait3A_112] : memref<20480x16xf32, #tpu.memory_space<hbm>> -> memref<20480x16xf32, #tpu.memory_space<hbm>>
      tpu.wait_indirect_dma semaphore(%arg13 : memref<!tpu.dma_semaphore, #tpu.memory_space<semaphore_mem>>) src(%dma_wait3A_113 : memref<20480x16xf32, #tpu.memory_space<hbm>>) dst(%arg8 : memref<128x16xf32, #tpu.memory_space<vmem>>)
      %dma_start3A_114 = arith.constant 0 : i32
      %dma_start3A_115 = tpu.memref_slice %arg7[%add3A_107, %dma_start3A_114] : memref<160x128xi32, #tpu.memory_space<vmem>> -> memref<1x128xi32, #tpu.memory_space<vmem>>
      %dma_start3A_116 = tpu.memref_squeeze %dma_start3A_115 : memref<1x128xi32, #tpu.memory_space<vmem>> -> memref<128xi32, #tpu.memory_space<vmem>>
      %dma_start3A_117 = arith.constant 0 : i32
      %dma_start3A_118 = arith.constant 0 : i32
      %dma_start3A_119 = tpu.memref_slice %arg23[%dma_start3A_117, %dma_start3A_118] : memref<10240x16xf32, #tpu.memory_space<vmem_shared>> -> memref<10240x16xf32, #tpu.memory_space<vmem_shared>>
      tpu.enqueue_indirect_dma source(%arg8 : memref<128x16xf32, #tpu.memory_space<vmem>>) target(%dma_start3A_119 : memref<10240x16xf32, #tpu.memory_space<vmem_shared>>) offsets(%dma_start3A_116 : memref<128xi32, #tpu.memory_space<vmem>>) semaphore(%arg18 : memref<!tpu.dma_semaphore, #tpu.memory_space<semaphore_mem>>) {add = true}
      %mul3A_120 = arith.constant 5 : i32
      %mul3A_121 = arith.muli %mul3A_120, %scan3A_103 : i32
      %add3A_122 = arith.constant 1 : i32
      %add3A_123 = arith.addi %mul3A_121, %add3A_122 : i32
      %dma_wait3A_124 = arith.constant 0 : i32
      %dma_wait3A_125 = tpu.memref_slice %arg6[%add3A_123, %dma_wait3A_124] : memref<160x128xi32, #tpu.memory_space<vmem>> -> memref<1x128xi32, #tpu.memory_space<vmem>>
      %dma_wait3A_126 = tpu.memref_squeeze %dma_wait3A_125 : memref<1x128xi32, #tpu.memory_space<vmem>> -> memref<128xi32, #tpu.memory_space<vmem>>
      %dma_wait3A_127 = arith.constant 0 : i32
      %dma_wait3A_128 = arith.constant 0 : i32
      %dma_wait3A_129 = tpu.memref_slice %arg2[%dma_wait3A_127, %dma_wait3A_128] : memref<20480x16xf32, #tpu.memory_space<hbm>> -> memref<20480x16xf32, #tpu.memory_space<hbm>>
      tpu.wait_indirect_dma semaphore(%arg14 : memref<!tpu.dma_semaphore, #tpu.memory_space<semaphore_mem>>) src(%dma_wait3A_129 : memref<20480x16xf32, #tpu.memory_space<hbm>>) dst(%arg9 : memref<128x16xf32, #tpu.memory_space<vmem>>)
      %dma_start3A_130 = arith.constant 0 : i32
      %dma_start3A_131 = tpu.memref_slice %arg7[%add3A_123, %dma_start3A_130] : memref<160x128xi32, #tpu.memory_space<vmem>> -> memref<1x128xi32, #tpu.memory_space<vmem>>
      %dma_start3A_132 = tpu.memref_squeeze %dma_start3A_131 : memref<1x128xi32, #tpu.memory_space<vmem>> -> memref<128xi32, #tpu.memory_space<vmem>>
      %dma_start3A_133 = arith.constant 0 : i32
      %dma_start3A_134 = arith.constant 0 : i32
      %dma_start3A_135 = tpu.memref_slice %arg23[%dma_start3A_133, %dma_start3A_134] : memref<10240x16xf32, #tpu.memory_space<vmem_shared>> -> memref<10240x16xf32, #tpu.memory_space<vmem_shared>>
      tpu.enqueue_indirect_dma source(%arg9 : memref<128x16xf32, #tpu.memory_space<vmem>>) target(%dma_start3A_135 : memref<10240x16xf32, #tpu.memory_space<vmem_shared>>) offsets(%dma_start3A_132 : memref<128xi32, #tpu.memory_space<vmem>>) semaphore(%arg19 : memref<!tpu.dma_semaphore, #tpu.memory_space<semaphore_mem>>) {add = true}
      %mul3A_136 = arith.constant 5 : i32
      %mul3A_137 = arith.muli %mul3A_136, %scan3A_103 : i32
      %add3A_138 = arith.constant 2 : i32
      %add3A_139 = arith.addi %mul3A_137, %add3A_138 : i32
      %dma_wait3A_140 = arith.constant 0 : i32
      %dma_wait3A_141 = tpu.memref_slice %arg6[%add3A_139, %dma_wait3A_140] : memref<160x128xi32, #tpu.memory_space<vmem>> -> memref<1x128xi32, #tpu.memory_space<vmem>>
      %dma_wait3A_142 = tpu.memref_squeeze %dma_wait3A_141 : memref<1x128xi32, #tpu.memory_space<vmem>> -> memref<128xi32, #tpu.memory_space<vmem>>
      %dma_wait3A_143 = arith.constant 0 : i32
      %dma_wait3A_144 = arith.constant 0 : i32
      %dma_wait3A_145 = tpu.memref_slice %arg2[%dma_wait3A_143, %dma_wait3A_144] : memref<20480x16xf32, #tpu.memory_space<hbm>> -> memref<20480x16xf32, #tpu.memory_space<hbm>>
      tpu.wait_indirect_dma semaphore(%arg15 : memref<!tpu.dma_semaphore, #tpu.memory_space<semaphore_mem>>) src(%dma_wait3A_145 : memref<20480x16xf32, #tpu.memory_space<hbm>>) dst(%arg10 : memref<128x16xf32, #tpu.memory_space<vmem>>)
      %dma_start3A_146 = arith.constant 0 : i32
      %dma_start3A_147 = tpu.memref_slice %arg7[%add3A_139, %dma_start3A_146] : memref<160x128xi32, #tpu.memory_space<vmem>> -> memref<1x128xi32, #tpu.memory_space<vmem>>
      %dma_start3A_148 = tpu.memref_squeeze %dma_start3A_147 : memref<1x128xi32, #tpu.memory_space<vmem>> -> memref<128xi32, #tpu.memory_space<vmem>>
      %dma_start3A_149 = arith.constant 0 : i32
      %dma_start3A_150 = arith.constant 0 : i32
      %dma_start3A_151 = tpu.memref_slice %arg23[%dma_start3A_149, %dma_start3A_150] : memref<10240x16xf32, #tpu.memory_space<vmem_shared>> -> memref<10240x16xf32, #tpu.memory_space<vmem_shared>>
      tpu.enqueue_indirect_dma source(%arg10 : memref<128x16xf32, #tpu.memory_space<vmem>>) target(%dma_start3A_151 : memref<10240x16xf32, #tpu.memory_space<vmem_shared>>) offsets(%dma_start3A_148 : memref<128xi32, #tpu.memory_space<vmem>>) semaphore(%arg20 : memref<!tpu.dma_semaphore, #tpu.memory_space<semaphore_mem>>) {add = true}
      %mul3A_152 = arith.constant 5 : i32
      %mul3A_153 = arith.muli %mul3A_152, %scan3A_103 : i32
      %add3A_154 = arith.constant 3 : i32
      %add3A_155 = arith.addi %mul3A_153, %add3A_154 : i32
      %dma_wait3A_156 = arith.constant 0 : i32
      %dma_wait3A_157 = tpu.memref_slice %arg6[%add3A_155, %dma_wait3A_156] : memref<160x128xi32, #tpu.memory_space<vmem>> -> memref<1x128xi32, #tpu.memory_space<vmem>>
      %dma_wait3A_158 = tpu.memref_squeeze %dma_wait3A_157 : memref<1x128xi32, #tpu.memory_space<vmem>> -> memref<128xi32, #tpu.memory_space<vmem>>
      %dma_wait3A_159 = arith.constant 0 : i32
      %dma_wait3A_160 = arith.constant 0 : i32
      %dma_wait3A_161 = tpu.memref_slice %arg2[%dma_wait3A_159, %dma_wait3A_160] : memref<20480x16xf32, #tpu.memory_space<hbm>> -> memref<20480x16xf32, #tpu.memory_space<hbm>>
      tpu.wait_indirect_dma semaphore(%arg16 : memref<!tpu.dma_semaphore, #tpu.memory_space<semaphore_mem>>) src(%dma_wait3A_161 : memref<20480x16xf32, #tpu.memory_space<hbm>>) dst(%arg11 : memref<128x16xf32, #tpu.memory_space<vmem>>)
      %dma_start3A_162 = arith.constant 0 : i32
      %dma_start3A_163 = tpu.memref_slice %arg7[%add3A_155, %dma_start3A_162] : memref<160x128xi32, #tpu.memory_space<vmem>> -> memref<1x128xi32, #tpu.memory_space<vmem>>
      %dma_start3A_164 = tpu.memref_squeeze %dma_start3A_163 : memref<1x128xi32, #tpu.memory_space<vmem>> -> memref<128xi32, #tpu.memory_space<vmem>>
      %dma_start3A_165 = arith.constant 0 : i32
      %dma_start3A_166 = arith.constant 0 : i32
      %dma_start3A_167 = tpu.memref_slice %arg23[%dma_start3A_165, %dma_start3A_166] : memref<10240x16xf32, #tpu.memory_space<vmem_shared>> -> memref<10240x16xf32, #tpu.memory_space<vmem_shared>>
      tpu.enqueue_indirect_dma source(%arg11 : memref<128x16xf32, #tpu.memory_space<vmem>>) target(%dma_start3A_167 : memref<10240x16xf32, #tpu.memory_space<vmem_shared>>) offsets(%dma_start3A_164 : memref<128xi32, #tpu.memory_space<vmem>>) semaphore(%arg21 : memref<!tpu.dma_semaphore, #tpu.memory_space<semaphore_mem>>) {add = true}
      %mul3A_168 = arith.constant 5 : i32
      %mul3A_169 = arith.muli %mul3A_168, %scan3A_103 : i32
      %add3A_170 = arith.constant 4 : i32
      %add3A_171 = arith.addi %mul3A_169, %add3A_170 : i32
      %dma_wait3A_172 = arith.constant 0 : i32
      %dma_wait3A_173 = tpu.memref_slice %arg6[%add3A_171, %dma_wait3A_172] : memref<160x128xi32, #tpu.memory_space<vmem>> -> memref<1x128xi32, #tpu.memory_space<vmem>>
      %dma_wait3A_174 = tpu.memref_squeeze %dma_wait3A_173 : memref<1x128xi32, #tpu.memory_space<vmem>> -> memref<128xi32, #tpu.memory_space<vmem>>
      %dma_wait3A_175 = arith.constant 0 : i32
      %dma_wait3A_176 = arith.constant 0 : i32
      %dma_wait3A_177 = tpu.memref_slice %arg2[%dma_wait3A_175, %dma_wait3A_176] : memref<20480x16xf32, #tpu.memory_space<hbm>> -> memref<20480x16xf32, #tpu.memory_space<hbm>>
      tpu.wait_indirect_dma semaphore(%arg17 : memref<!tpu.dma_semaphore, #tpu.memory_space<semaphore_mem>>) src(%dma_wait3A_177 : memref<20480x16xf32, #tpu.memory_space<hbm>>) dst(%arg12 : memref<128x16xf32, #tpu.memory_space<vmem>>)
      %dma_start3A_178 = arith.constant 0 : i32
      %dma_start3A_179 = tpu.memref_slice %arg7[%add3A_171, %dma_start3A_178] : memref<160x128xi32, #tpu.memory_space<vmem>> -> memref<1x128xi32, #tpu.memory_space<vmem>>
      %dma_start3A_180 = tpu.memref_squeeze %dma_start3A_179 : memref<1x128xi32, #tpu.memory_space<vmem>> -> memref<128xi32, #tpu.memory_space<vmem>>
      %dma_start3A_181 = arith.constant 0 : i32
      %dma_start3A_182 = arith.constant 0 : i32
      %dma_start3A_183 = tpu.memref_slice %arg23[%dma_start3A_181, %dma_start3A_182] : memref<10240x16xf32, #tpu.memory_space<vmem_shared>> -> memref<10240x16xf32, #tpu.memory_space<vmem_shared>>
      tpu.enqueue_indirect_dma source(%arg12 : memref<128x16xf32, #tpu.memory_space<vmem>>) target(%dma_start3A_183 : memref<10240x16xf32, #tpu.memory_space<vmem_shared>>) offsets(%dma_start3A_180 : memref<128xi32, #tpu.memory_space<vmem>>) semaphore(%arg22 : memref<!tpu.dma_semaphore, #tpu.memory_space<semaphore_mem>>) {add = true}
      %mul3A_184 = arith.constant 5 : i32
      %mul3A_185 = arith.muli %mul3A_184, %scan3A_103 : i32
      %add3A_186 = arith.constant 0 : i32
      %add3A_187 = arith.addi %mul3A_185, %add3A_186 : i32
      %lt3A = arith.constant 31 : i32
      %lt3A_188 = arith.cmpi slt, %scan3A_103, %lt3A : i32
      %convert_element_type3A = arith.extui %lt3A_188 : i1 to i32
      %cond3A = arith.constant 0 : i32
      %cond3A_189 = arith.cmpi ne, %convert_element_type3A, %cond3A : i32
      scf.if %cond3A_189 {
        %dma_wait3A_227 = arith.constant 0 : i32
        %dma_wait3A_228 = tpu.memref_slice %arg7[%add3A_187, %dma_wait3A_227] : memref<160x128xi32, #tpu.memory_space<vmem>> -> memref<1x128xi32, #tpu.memory_space<vmem>>
        %dma_wait3A_229 = tpu.memref_squeeze %dma_wait3A_228 : memref<1x128xi32, #tpu.memory_space<vmem>> -> memref<128xi32, #tpu.memory_space<vmem>>
        %dma_wait3A_230 = arith.constant 0 : i32
        %dma_wait3A_231 = arith.constant 0 : i32
        %dma_wait3A_232 = tpu.memref_slice %arg23[%dma_wait3A_230, %dma_wait3A_231] : memref<10240x16xf32, #tpu.memory_space<vmem_shared>> -> memref<10240x16xf32, #tpu.memory_space<vmem_shared>>
        tpu.wait_indirect_dma semaphore(%arg18 : memref<!tpu.dma_semaphore, #tpu.memory_space<semaphore_mem>>) src(%arg8 : memref<128x16xf32, #tpu.memory_space<vmem>>) dst(%dma_wait3A_232 : memref<10240x16xf32, #tpu.memory_space<vmem_shared>>)
        %add3A_233 = arith.constant 5 : i32
        %add3A_234 = arith.addi %add3A_187, %add3A_233 : i32
        %dma_start3A_235 = arith.constant 0 : i32
        %dma_start3A_236 = tpu.memref_slice %arg6[%add3A_234, %dma_start3A_235] : memref<160x128xi32, #tpu.memory_space<vmem>> -> memref<1x128xi32, #tpu.memory_space<vmem>>
        %dma_start3A_237 = tpu.memref_squeeze %dma_start3A_236 : memref<1x128xi32, #tpu.memory_space<vmem>> -> memref<128xi32, #tpu.memory_space<vmem>>
        %dma_start3A_238 = arith.constant 0 : i32
        %dma_start3A_239 = arith.constant 0 : i32
        %dma_start3A_240 = tpu.memref_slice %arg2[%dma_start3A_238, %dma_start3A_239] : memref<20480x16xf32, #tpu.memory_space<hbm>> -> memref<20480x16xf32, #tpu.memory_space<hbm>>
        tpu.enqueue_indirect_dma source(%dma_start3A_240 : memref<20480x16xf32, #tpu.memory_space<hbm>>) target(%arg8 : memref<128x16xf32, #tpu.memory_space<vmem>>) offsets(%dma_start3A_237 : memref<128xi32, #tpu.memory_space<vmem>>) semaphore(%arg13 : memref<!tpu.dma_semaphore, #tpu.memory_space<semaphore_mem>>)
      } else {
      }
      %mul3A_190 = arith.constant 5 : i32
      %mul3A_191 = arith.muli %mul3A_190, %scan3A_103 : i32
      %add3A_192 = arith.constant 1 : i32
      %add3A_193 = arith.addi %mul3A_191, %add3A_192 : i32
      %lt3A_194 = arith.constant 31 : i32
      %lt3A_195 = arith.cmpi slt, %scan3A_103, %lt3A_194 : i32
      %convert_element_type3A_196 = arith.extui %lt3A_195 : i1 to i32
      %cond3A_197 = arith.constant 0 : i32
      %cond3A_198 = arith.cmpi ne, %convert_element_type3A_196, %cond3A_197 : i32
      scf.if %cond3A_198 {
        %dma_wait3A_227 = arith.constant 0 : i32
        %dma_wait3A_228 = tpu.memref_slice %arg7[%add3A_193, %dma_wait3A_227] : memref<160x128xi32, #tpu.memory_space<vmem>> -> memref<1x128xi32, #tpu.memory_space<vmem>>
        %dma_wait3A_229 = tpu.memref_squeeze %dma_wait3A_228 : memref<1x128xi32, #tpu.memory_space<vmem>> -> memref<128xi32, #tpu.memory_space<vmem>>
        %dma_wait3A_230 = arith.constant 0 : i32
        %dma_wait3A_231 = arith.constant 0 : i32
        %dma_wait3A_232 = tpu.memref_slice %arg23[%dma_wait3A_230, %dma_wait3A_231] : memref<10240x16xf32, #tpu.memory_space<vmem_shared>> -> memref<10240x16xf32, #tpu.memory_space<vmem_shared>>
        tpu.wait_indirect_dma semaphore(%arg19 : memref<!tpu.dma_semaphore, #tpu.memory_space<semaphore_mem>>) src(%arg9 : memref<128x16xf32, #tpu.memory_space<vmem>>) dst(%dma_wait3A_232 : memref<10240x16xf32, #tpu.memory_space<vmem_shared>>)
        %add3A_233 = arith.constant 5 : i32
        %add3A_234 = arith.addi %add3A_193, %add3A_233 : i32
        %dma_start3A_235 = arith.constant 0 : i32
        %dma_start3A_236 = tpu.memref_slice %arg6[%add3A_234, %dma_start3A_235] : memref<160x128xi32, #tpu.memory_space<vmem>> -> memref<1x128xi32, #tpu.memory_space<vmem>>
        %dma_start3A_237 = tpu.memref_squeeze %dma_start3A_236 : memref<1x128xi32, #tpu.memory_space<vmem>> -> memref<128xi32, #tpu.memory_space<vmem>>
        %dma_start3A_238 = arith.constant 0 : i32
        %dma_start3A_239 = arith.constant 0 : i32
        %dma_start3A_240 = tpu.memref_slice %arg2[%dma_start3A_238, %dma_start3A_239] : memref<20480x16xf32, #tpu.memory_space<hbm>> -> memref<20480x16xf32, #tpu.memory_space<hbm>>
        tpu.enqueue_indirect_dma source(%dma_start3A_240 : memref<20480x16xf32, #tpu.memory_space<hbm>>) target(%arg9 : memref<128x16xf32, #tpu.memory_space<vmem>>) offsets(%dma_start3A_237 : memref<128xi32, #tpu.memory_space<vmem>>) semaphore(%arg14 : memref<!tpu.dma_semaphore, #tpu.memory_space<semaphore_mem>>)
      } else {
      }
      %mul3A_199 = arith.constant 5 : i32
      %mul3A_200 = arith.muli %mul3A_199, %scan3A_103 : i32
      %add3A_201 = arith.constant 2 : i32
      %add3A_202 = arith.addi %mul3A_200, %add3A_201 : i32
      %lt3A_203 = arith.constant 31 : i32
      %lt3A_204 = arith.cmpi slt, %scan3A_103, %lt3A_203 : i32
      %convert_element_type3A_205 = arith.extui %lt3A_204 : i1 to i32
      %cond3A_206 = arith.constant 0 : i32
      %cond3A_207 = arith.cmpi ne, %convert_element_type3A_205, %cond3A_206 : i32
      scf.if %cond3A_207 {
        %dma_wait3A_227 = arith.constant 0 : i32
        %dma_wait3A_228 = tpu.memref_slice %arg7[%add3A_202, %dma_wait3A_227] : memref<160x128xi32, #tpu.memory_space<vmem>> -> memref<1x128xi32, #tpu.memory_space<vmem>>
        %dma_wait3A_229 = tpu.memref_squeeze %dma_wait3A_228 : memref<1x128xi32, #tpu.memory_space<vmem>> -> memref<128xi32, #tpu.memory_space<vmem>>
        %dma_wait3A_230 = arith.constant 0 : i32
        %dma_wait3A_231 = arith.constant 0 : i32
        %dma_wait3A_232 = tpu.memref_slice %arg23[%dma_wait3A_230, %dma_wait3A_231] : memref<10240x16xf32, #tpu.memory_space<vmem_shared>> -> memref<10240x16xf32, #tpu.memory_space<vmem_shared>>
        tpu.wait_indirect_dma semaphore(%arg20 : memref<!tpu.dma_semaphore, #tpu.memory_space<semaphore_mem>>) src(%arg10 : memref<128x16xf32, #tpu.memory_space<vmem>>) dst(%dma_wait3A_232 : memref<10240x16xf32, #tpu.memory_space<vmem_shared>>)
        %add3A_233 = arith.constant 5 : i32
        %add3A_234 = arith.addi %add3A_202, %add3A_233 : i32
        %dma_start3A_235 = arith.constant 0 : i32
        %dma_start3A_236 = tpu.memref_slice %arg6[%add3A_234, %dma_start3A_235] : memref<160x128xi32, #tpu.memory_space<vmem>> -> memref<1x128xi32, #tpu.memory_space<vmem>>
        %dma_start3A_237 = tpu.memref_squeeze %dma_start3A_236 : memref<1x128xi32, #tpu.memory_space<vmem>> -> memref<128xi32, #tpu.memory_space<vmem>>
        %dma_start3A_238 = arith.constant 0 : i32
        %dma_start3A_239 = arith.constant 0 : i32
        %dma_start3A_240 = tpu.memref_slice %arg2[%dma_start3A_238, %dma_start3A_239] : memref<20480x16xf32, #tpu.memory_space<hbm>> -> memref<20480x16xf32, #tpu.memory_space<hbm>>
        tpu.enqueue_indirect_dma source(%dma_start3A_240 : memref<20480x16xf32, #tpu.memory_space<hbm>>) target(%arg10 : memref<128x16xf32, #tpu.memory_space<vmem>>) offsets(%dma_start3A_237 : memref<128xi32, #tpu.memory_space<vmem>>) semaphore(%arg15 : memref<!tpu.dma_semaphore, #tpu.memory_space<semaphore_mem>>)
      } else {
      }
      %mul3A_208 = arith.constant 5 : i32
      %mul3A_209 = arith.muli %mul3A_208, %scan3A_103 : i32
      %add3A_210 = arith.constant 3 : i32
      %add3A_211 = arith.addi %mul3A_209, %add3A_210 : i32
      %lt3A_212 = arith.constant 31 : i32
      %lt3A_213 = arith.cmpi slt, %scan3A_103, %lt3A_212 : i32
      %convert_element_type3A_214 = arith.extui %lt3A_213 : i1 to i32
      %cond3A_215 = arith.constant 0 : i32
      %cond3A_216 = arith.cmpi ne, %convert_element_type3A_214, %cond3A_215 : i32
      scf.if %cond3A_216 {
        %dma_wait3A_227 = arith.constant 0 : i32
        %dma_wait3A_228 = tpu.memref_slice %arg7[%add3A_211, %dma_wait3A_227] : memref<160x128xi32, #tpu.memory_space<vmem>> -> memref<1x128xi32, #tpu.memory_space<vmem>>
        %dma_wait3A_229 = tpu.memref_squeeze %dma_wait3A_228 : memref<1x128xi32, #tpu.memory_space<vmem>> -> memref<128xi32, #tpu.memory_space<vmem>>
        %dma_wait3A_230 = arith.constant 0 : i32
        %dma_wait3A_231 = arith.constant 0 : i32
        %dma_wait3A_232 = tpu.memref_slice %arg23[%dma_wait3A_230, %dma_wait3A_231] : memref<10240x16xf32, #tpu.memory_space<vmem_shared>> -> memref<10240x16xf32, #tpu.memory_space<vmem_shared>>
        tpu.wait_indirect_dma semaphore(%arg21 : memref<!tpu.dma_semaphore, #tpu.memory_space<semaphore_mem>>) src(%arg11 : memref<128x16xf32, #tpu.memory_space<vmem>>) dst(%dma_wait3A_232 : memref<10240x16xf32, #tpu.memory_space<vmem_shared>>)
        %add3A_233 = arith.constant 5 : i32
        %add3A_234 = arith.addi %add3A_211, %add3A_233 : i32
        %dma_start3A_235 = arith.constant 0 : i32
        %dma_start3A_236 = tpu.memref_slice %arg6[%add3A_234, %dma_start3A_235] : memref<160x128xi32, #tpu.memory_space<vmem>> -> memref<1x128xi32, #tpu.memory_space<vmem>>
        %dma_start3A_237 = tpu.memref_squeeze %dma_start3A_236 : memref<1x128xi32, #tpu.memory_space<vmem>> -> memref<128xi32, #tpu.memory_space<vmem>>
        %dma_start3A_238 = arith.constant 0 : i32
        %dma_start3A_239 = arith.constant 0 : i32
        %dma_start3A_240 = tpu.memref_slice %arg2[%dma_start3A_238, %dma_start3A_239] : memref<20480x16xf32, #tpu.memory_space<hbm>> -> memref<20480x16xf32, #tpu.memory_space<hbm>>
        tpu.enqueue_indirect_dma source(%dma_start3A_240 : memref<20480x16xf32, #tpu.memory_space<hbm>>) target(%arg11 : memref<128x16xf32, #tpu.memory_space<vmem>>) offsets(%dma_start3A_237 : memref<128xi32, #tpu.memory_space<vmem>>) semaphore(%arg16 : memref<!tpu.dma_semaphore, #tpu.memory_space<semaphore_mem>>)
      } else {
      }
      %mul3A_217 = arith.constant 5 : i32
      %mul3A_218 = arith.muli %mul3A_217, %scan3A_103 : i32
      %add3A_219 = arith.constant 4 : i32
      %add3A_220 = arith.addi %mul3A_218, %add3A_219 : i32
      %lt3A_221 = arith.constant 31 : i32
      %lt3A_222 = arith.cmpi slt, %scan3A_103, %lt3A_221 : i32
      %convert_element_type3A_223 = arith.extui %lt3A_222 : i1 to i32
      %cond3A_224 = arith.constant 0 : i32
      %cond3A_225 = arith.cmpi ne, %convert_element_type3A_223, %cond3A_224 : i32
      scf.if %cond3A_225 {
        %dma_wait3A_227 = arith.constant 0 : i32
        %dma_wait3A_228 = tpu.memref_slice %arg7[%add3A_220, %dma_wait3A_227] : memref<160x128xi32, #tpu.memory_space<vmem>> -> memref<1x128xi32, #tpu.memory_space<vmem>>
        %dma_wait3A_229 = tpu.memref_squeeze %dma_wait3A_228 : memref<1x128xi32, #tpu.memory_space<vmem>> -> memref<128xi32, #tpu.memory_space<vmem>>
        %dma_wait3A_230 = arith.constant 0 : i32
        %dma_wait3A_231 = arith.constant 0 : i32
        %dma_wait3A_232 = tpu.memref_slice %arg23[%dma_wait3A_230, %dma_wait3A_231] : memref<10240x16xf32, #tpu.memory_space<vmem_shared>> -> memref<10240x16xf32, #tpu.memory_space<vmem_shared>>
        tpu.wait_indirect_dma semaphore(%arg22 : memref<!tpu.dma_semaphore, #tpu.memory_space<semaphore_mem>>) src(%arg12 : memref<128x16xf32, #tpu.memory_space<vmem>>) dst(%dma_wait3A_232 : memref<10240x16xf32, #tpu.memory_space<vmem_shared>>)
        %add3A_233 = arith.constant 5 : i32
        %add3A_234 = arith.addi %add3A_220, %add3A_233 : i32
        %dma_start3A_235 = arith.constant 0 : i32
        %dma_start3A_236 = tpu.memref_slice %arg6[%add3A_234, %dma_start3A_235] : memref<160x128xi32, #tpu.memory_space<vmem>> -> memref<1x128xi32, #tpu.memory_space<vmem>>
        %dma_start3A_237 = tpu.memref_squeeze %dma_start3A_236 : memref<1x128xi32, #tpu.memory_space<vmem>> -> memref<128xi32, #tpu.memory_space<vmem>>
        %dma_start3A_238 = arith.constant 0 : i32
        %dma_start3A_239 = arith.constant 0 : i32
        %dma_start3A_240 = tpu.memref_slice %arg2[%dma_start3A_238, %dma_start3A_239] : memref<20480x16xf32, #tpu.memory_space<hbm>> -> memref<20480x16xf32, #tpu.memory_space<hbm>>
        tpu.enqueue_indirect_dma source(%dma_start3A_240 : memref<20480x16xf32, #tpu.memory_space<hbm>>) target(%arg12 : memref<128x16xf32, #tpu.memory_space<vmem>>) offsets(%dma_start3A_237 : memref<128xi32, #tpu.memory_space<vmem>>) semaphore(%arg17 : memref<!tpu.dma_semaphore, #tpu.memory_space<semaphore_mem>>)
      } else {
      }
      %scan3A_226 = arith.constant 0 : i32
      scf.yield %scan3A_226 : i32
    }
    %scan3A_63 = arith.constant 32 : i32
    %dma_wait3A = arith.constant 155 : i32
    %dma_wait3A_64 = arith.constant 0 : i32
    %dma_wait3A_65 = tpu.memref_slice %arg7[%dma_wait3A, %dma_wait3A_64] : memref<160x128xi32, #tpu.memory_space<vmem>> -> memref<1x128xi32, #tpu.memory_space<vmem>>
    %dma_wait3A_66 = tpu.memref_squeeze %dma_wait3A_65 : memref<1x128xi32, #tpu.memory_space<vmem>> -> memref<128xi32, #tpu.memory_space<vmem>>
    %dma_wait3A_67 = arith.constant 0 : i32
    %dma_wait3A_68 = arith.constant 0 : i32
    %dma_wait3A_69 = tpu.memref_slice %arg23[%dma_wait3A_67, %dma_wait3A_68] : memref<10240x16xf32, #tpu.memory_space<vmem_shared>> -> memref<10240x16xf32, #tpu.memory_space<vmem_shared>>
    tpu.wait_indirect_dma semaphore(%arg18 : memref<!tpu.dma_semaphore, #tpu.memory_space<semaphore_mem>>) src(%arg8 : memref<128x16xf32, #tpu.memory_space<vmem>>) dst(%dma_wait3A_69 : memref<10240x16xf32, #tpu.memory_space<vmem_shared>>)
    %dma_wait3A_70 = arith.constant 156 : i32
    %dma_wait3A_71 = arith.constant 0 : i32
    %dma_wait3A_72 = tpu.memref_slice %arg7[%dma_wait3A_70, %dma_wait3A_71] : memref<160x128xi32, #tpu.memory_space<vmem>> -> memref<1x128xi32, #tpu.memory_space<vmem>>
    %dma_wait3A_73 = tpu.memref_squeeze %dma_wait3A_72 : memref<1x128xi32, #tpu.memory_space<vmem>> -> memref<128xi32, #tpu.memory_space<vmem>>
    %dma_wait3A_74 = arith.constant 0 : i32
    %dma_wait3A_75 = arith.constant 0 : i32
    %dma_wait3A_76 = tpu.memref_slice %arg23[%dma_wait3A_74, %dma_wait3A_75] : memref<10240x16xf32, #tpu.memory_space<vmem_shared>> -> memref<10240x16xf32, #tpu.memory_space<vmem_shared>>
    tpu.wait_indirect_dma semaphore(%arg19 : memref<!tpu.dma_semaphore, #tpu.memory_space<semaphore_mem>>) src(%arg9 : memref<128x16xf32, #tpu.memory_space<vmem>>) dst(%dma_wait3A_76 : memref<10240x16xf32, #tpu.memory_space<vmem_shared>>)
    %dma_wait3A_77 = arith.constant 157 : i32
    %dma_wait3A_78 = arith.constant 0 : i32
    %dma_wait3A_79 = tpu.memref_slice %arg7[%dma_wait3A_77, %dma_wait3A_78] : memref<160x128xi32, #tpu.memory_space<vmem>> -> memref<1x128xi32, #tpu.memory_space<vmem>>
    %dma_wait3A_80 = tpu.memref_squeeze %dma_wait3A_79 : memref<1x128xi32, #tpu.memory_space<vmem>> -> memref<128xi32, #tpu.memory_space<vmem>>
    %dma_wait3A_81 = arith.constant 0 : i32
    %dma_wait3A_82 = arith.constant 0 : i32
    %dma_wait3A_83 = tpu.memref_slice %arg23[%dma_wait3A_81, %dma_wait3A_82] : memref<10240x16xf32, #tpu.memory_space<vmem_shared>> -> memref<10240x16xf32, #tpu.memory_space<vmem_shared>>
    tpu.wait_indirect_dma semaphore(%arg20 : memref<!tpu.dma_semaphore, #tpu.memory_space<semaphore_mem>>) src(%arg10 : memref<128x16xf32, #tpu.memory_space<vmem>>) dst(%dma_wait3A_83 : memref<10240x16xf32, #tpu.memory_space<vmem_shared>>)
    %dma_wait3A_84 = arith.constant 158 : i32
    %dma_wait3A_85 = arith.constant 0 : i32
    %dma_wait3A_86 = tpu.memref_slice %arg7[%dma_wait3A_84, %dma_wait3A_85] : memref<160x128xi32, #tpu.memory_space<vmem>> -> memref<1x128xi32, #tpu.memory_space<vmem>>
    %dma_wait3A_87 = tpu.memref_squeeze %dma_wait3A_86 : memref<1x128xi32, #tpu.memory_space<vmem>> -> memref<128xi32, #tpu.memory_space<vmem>>
    %dma_wait3A_88 = arith.constant 0 : i32
    %dma_wait3A_89 = arith.constant 0 : i32
    %dma_wait3A_90 = tpu.memref_slice %arg23[%dma_wait3A_88, %dma_wait3A_89] : memref<10240x16xf32, #tpu.memory_space<vmem_shared>> -> memref<10240x16xf32, #tpu.memory_space<vmem_shared>>
    tpu.wait_indirect_dma semaphore(%arg21 : memref<!tpu.dma_semaphore, #tpu.memory_space<semaphore_mem>>) src(%arg11 : memref<128x16xf32, #tpu.memory_space<vmem>>) dst(%dma_wait3A_90 : memref<10240x16xf32, #tpu.memory_space<vmem_shared>>)
    %dma_wait3A_91 = arith.constant 159 : i32
    %dma_wait3A_92 = arith.constant 0 : i32
    %dma_wait3A_93 = tpu.memref_slice %arg7[%dma_wait3A_91, %dma_wait3A_92] : memref<160x128xi32, #tpu.memory_space<vmem>> -> memref<1x128xi32, #tpu.memory_space<vmem>>
    %dma_wait3A_94 = tpu.memref_squeeze %dma_wait3A_93 : memref<1x128xi32, #tpu.memory_space<vmem>> -> memref<128xi32, #tpu.memory_space<vmem>>
    %dma_wait3A_95 = arith.constant 0 : i32
    %dma_wait3A_96 = arith.constant 0 : i32
    %dma_wait3A_97 = tpu.memref_slice %arg23[%dma_wait3A_95, %dma_wait3A_96] : memref<10240x16xf32, #tpu.memory_space<vmem_shared>> -> memref<10240x16xf32, #tpu.memory_space<vmem_shared>>
    tpu.wait_indirect_dma semaphore(%arg22 : memref<!tpu.dma_semaphore, #tpu.memory_space<semaphore_mem>>) src(%arg12 : memref<128x16xf32, #tpu.memory_space<vmem>>) dst(%dma_wait3A_97 : memref<10240x16xf32, #tpu.memory_space<vmem_shared>>)
    %barrier3A_98 = arith.constant 0 : index
    tpu.barrier barrier_id(%barrier3A_98)
    %mul3A_99 = arith.constant 640 : i32
    %mul3A_100 = arith.muli %arg1, %mul3A_99 : i32
    %mul3A_101 = arith.constant 640 : i32
    %mul3A_102 = arith.muli %arg1, %mul3A_101 : i32
    "tpu.region"() ({
      %run_scoped3A = tpu.sem_alloc : memref<!tpu.dma_semaphore, #tpu.memory_space<semaphore_mem>>
      %dma_start3A_103 = arith.constant 0 : i32
      %dma_start3A_104 = tpu.memref_slice %arg5[%arg0, %mul3A_102, %dma_start3A_103] : memref<2x10240x16xf32, #tpu.memory_space<hbm>> -> memref<1x640x16xf32, #tpu.memory_space<hbm>>
      %dma_start3A_105 = tpu.memref_squeeze %dma_start3A_104 : memref<1x640x16xf32, #tpu.memory_space<hbm>> -> memref<640x16xf32, #tpu.memory_space<hbm>>
      %dma_start3A_106 = arith.constant 0 : i32
      %dma_start3A_107 = tpu.memref_slice %arg23[%mul3A_100, %dma_start3A_106] : memref<10240x16xf32, #tpu.memory_space<vmem_shared>> -> memref<640x16xf32, #tpu.memory_space<vmem_shared>>
      tpu.enqueue_dma source(%dma_start3A_107 : memref<640x16xf32, #tpu.memory_space<vmem_shared>>) target(%dma_start3A_105 : memref<640x16xf32, #tpu.memory_space<hbm>>) target_semaphore(%run_scoped3A : memref<!tpu.dma_semaphore, #tpu.memory_space<semaphore_mem>>)
      %dma_wait3A_108 = arith.constant 0 : i32
      %dma_wait3A_109 = tpu.memref_slice %arg5[%arg0, %mul3A_102, %dma_wait3A_108] : memref<2x10240x16xf32, #tpu.memory_space<hbm>> -> memref<1x640x16xf32, #tpu.memory_space<hbm>>
      %dma_wait3A_110 = tpu.memref_squeeze %dma_wait3A_109 : memref<1x640x16xf32, #tpu.memory_space<hbm>> -> memref<640x16xf32, #tpu.memory_space<hbm>>
      %dma_wait3A_111 = arith.constant 0 : i32
      %dma_wait3A_112 = tpu.memref_slice %arg23[%mul3A_100, %dma_wait3A_111] : memref<10240x16xf32, #tpu.memory_space<vmem_shared>> -> memref<640x16xf32, #tpu.memory_space<vmem_shared>>
      tpu.wait_dma2 semaphore(%run_scoped3A : memref<!tpu.dma_semaphore, #tpu.memory_space<semaphore_mem>>) src(%dma_wait3A_112 : memref<640x16xf32, #tpu.memory_space<vmem_shared>>) dst(%dma_wait3A_110 : memref<640x16xf32, #tpu.memory_space<hbm>>)
      tpu.yield
    }) : () -> ()
    return
  }
}

module attributes {stable_mosaic.version = 14 : i64} {
  func.func @_s1_body(%arg0: i32, %arg1: memref<1024x128xf32, #tpu.memory_space<vmem>>, %arg2: memref<1024x1xf32, #tpu.memory_space<vmem>>, %arg3: memref<1024x1xf32, #tpu.memory_space<vmem>>, %arg4: memref<128x128xf32, #tpu.memory_space<vmem>>, %arg5: memref<1024x128xf32, #tpu.memory_space<vmem>>, %arg6: memref<1024x1xf32, #tpu.memory_space<vmem>>) attributes {dimension_semantics = [#tpu.dimension_semantics<arbitrary>], iteration_bounds = array<i64: 10>, scalar_prefetch = 0 : i64, scratch_operands = 0 : i64, tpu.core_type = #tpu.core_type<tc>, window_params = [{transform_indices = @transform_0, window_bounds = array<i64: 1024, 128>}, {transform_indices = @transform_1, window_bounds = array<i64: 1024, 1>}, {transform_indices = @transform_2, window_bounds = array<i64: 1024, 1>}, {pipeline_mode = #tpu.pipeline_mode<synchronous>, transform_indices = @transform_3, window_bounds = array<i64: 128, 128>}, {transform_indices = @transform_4, window_bounds = array<i64: 1024, 128>}, {transform_indices = @transform_5, window_bounds = array<i64: 1024, 1>}]} {
    %get3A = arith.constant 0 : index
    %get3A_0 = arith.constant 0 : index
    %get3A_1 = vector.load %arg2[%get3A, %get3A_0] : memref<1024x1xf32, #tpu.memory_space<vmem>>, vector<1024x1xf32>
    %get3A_2 = arith.constant 0 : index
    %get3A_3 = arith.constant 0 : index
    %get3A_4 = vector.load %arg3[%get3A_2, %get3A_3] : memref<1024x1xf32, #tpu.memory_space<vmem>>, vector<1024x1xf32>
    %add3A = arith.addf %get3A_1, %get3A_4 : vector<1024x1xf32>
    %add3A_5 = arith.constant 1.000000e+00 : f32
    %add3A_6 = vector.broadcast %add3A_5 : f32 to vector<1024x1xf32>
    %add3A_7 = arith.addf %add3A, %add3A_6 : vector<1024x1xf32>
    %rsqrt3A = math.rsqrt %add3A_7 : vector<1024x1xf32>
    %get3A_8 = arith.constant 0 : index
    %get3A_9 = arith.constant 0 : index
    %get3A_10 = vector.load %arg1[%get3A_8, %get3A_9] : memref<1024x128xf32, #tpu.memory_space<vmem>>, vector<1024x128xf32>
    %get3A_11 = arith.constant 0 : index
    %get3A_12 = arith.constant 0 : index
    %get3A_13 = vector.load %arg4[%get3A_11, %get3A_12] : memref<128x128xf32, #tpu.memory_space<vmem>>, vector<128x128xf32>
    %dot_general3A = arith.constant dense<0.000000e+00> : vector<1024x128xf32>
    %dot_general3A_14 = tpu.matmul %get3A_10, %get3A_13, %dot_general3A {dimension_numbers = #tpu.dot_dimension_numbers<[1], [0], [0], [1], [0, 0, 1, 1], [], []>, transpose_lhs_hint = false} : vector<1024x128xf32>, vector<128x128xf32>, vector<1024x128xf32> -> vector<1024x128xf32>
    %mul3A = arith.constant 1024 : i32
    %mul3A_15 = arith.muli %arg0, %mul3A : i32
    %iota3A = tpu.iota {dimensions = array<i32: 0>} : vector<1024x1xi32>
    %add3A_16 = vector.broadcast %mul3A_15 : i32 to vector<1024x1xi32>
    %add3A_17 = arith.addi %add3A_16, %iota3A : vector<1024x1xi32>
    %lt3A = arith.constant 10000 : i32
    %lt3A_18 = vector.broadcast %lt3A : i32 to vector<1024x1xi32>
    %lt3A_19 = arith.cmpi slt, %add3A_17, %lt3A_18 : vector<1024x1xi32>
    %mul3A_20 = vector.broadcast %rsqrt3A : vector<1024x1xf32> to vector<1024x128xf32>
    %mul3A_21 = arith.mulf %mul3A_20, %dot_general3A_14 : vector<1024x128xf32>
    %jit3A = arith.constant 0.000000e+00 : f32
    %broadcast_in_dim3A = vector.shape_cast %lt3A_19 : vector<1024x1xi1> to vector<1024x1xi1>
    %broadcast_in_dim3A_22 = vector.broadcast %broadcast_in_dim3A : vector<1024x1xi1> to vector<1024x128xi1>
    %broadcast_in_dim3A_23 = vector.broadcast %jit3A : f32 to vector<1024x128xf32>
    %select_n3A = arith.select %broadcast_in_dim3A_22, %mul3A_21, %broadcast_in_dim3A_23 : vector<1024x128xi1>, vector<1024x128xf32>
    %swap3A = arith.constant 0 : index
    %swap3A_24 = arith.constant 0 : index
    %swap3A_25 = vector.load %arg5[%swap3A, %swap3A_24] : memref<1024x128xf32, #tpu.memory_space<vmem>>, vector<1024x128xf32>
    tpu.vector_store %arg5[%swap3A, %swap3A_24], %select_n3A {strides = array<i32>} : memref<1024x128xf32, #tpu.memory_space<vmem>>, vector<1024x128xf32>,
    %swap3A_26 = arith.constant 0 : index
    %swap3A_27 = arith.constant 0 : index
    %swap3A_28 = vector.load %arg6[%swap3A_26, %swap3A_27] : memref<1024x1xf32, #tpu.memory_space<vmem>>, vector<1024x1xf32>
    tpu.vector_store %arg6[%swap3A_26, %swap3A_27], %rsqrt3A {strides = array<i32>} : memref<1024x1xf32, #tpu.memory_space<vmem>>, vector<1024x1xf32>,
    return
  }
  func.func @transform_0(%arg0: i32) -> (i32, i32) {
    %c0_i32 = arith.constant 0 : i32
    %c0_i32_0 = arith.constant 0 : i32
    return %arg0, %c0_i32 : i32, i32
  }
  func.func @transform_1(%arg0: i32) -> (i32, i32) {
    %c0_i32 = arith.constant 0 : i32
    %c0_i32_0 = arith.constant 0 : i32
    return %arg0, %c0_i32 : i32, i32
  }
  func.func @transform_2(%arg0: i32) -> (i32, i32) {
    %c0_i32 = arith.constant 0 : i32
    %c0_i32_0 = arith.constant 0 : i32
    return %arg0, %c0_i32 : i32, i32
  }
  func.func @transform_3(%arg0: i32) -> (i32, i32) {
    %c0_i32 = arith.constant 0 : i32
    %c0_i32_0 = arith.constant 0 : i32
    %c0_i32_1 = arith.constant 0 : i32
    return %c0_i32, %c0_i32_0 : i32, i32
  }
  func.func @transform_4(%arg0: i32) -> (i32, i32) {
    %c0_i32 = arith.constant 0 : i32
    %c0_i32_0 = arith.constant 0 : i32
    return %arg0, %c0_i32 : i32, i32
  }
  func.func @transform_5(%arg0: i32) -> (i32, i32) {
    %c0_i32 = arith.constant 0 : i32
    %c0_i32_0 = arith.constant 0 : i32
    return %arg0, %c0_i32 : i32, i32
  }
}

module attributes {stable_mosaic.version = 14 : i64} {
  func.func @_s3_body(%arg0: i32, %arg1: memref<1024x64xf32, #tpu.memory_space<vmem>>, %arg2: memref<1024x64xf32, #tpu.memory_space<vmem>>, %arg3: memref<1024x128xf32, #tpu.memory_space<vmem>>, %arg4: memref<1024x1xf32, #tpu.memory_space<vmem>>, %arg5: memref<128x32xf32, #tpu.memory_space<vmem>>, %arg6: memref<1x128xf32, #tpu.memory_space<vmem>>, %arg7: memref<1024x32xf32, #tpu.memory_space<vmem>>) attributes {dimension_semantics = [#tpu.dimension_semantics<arbitrary>], iteration_bounds = array<i64: 10>, scalar_prefetch = 0 : i64, scratch_operands = 0 : i64, tpu.core_type = #tpu.core_type<tc>, window_params = [{transform_indices = @transform_0, window_bounds = array<i64: 1024, 64>}, {transform_indices = @transform_1, window_bounds = array<i64: 1024, 64>}, {transform_indices = @transform_2, window_bounds = array<i64: 1024, 128>}, {transform_indices = @transform_3, window_bounds = array<i64: 1024, 1>}, {pipeline_mode = #tpu.pipeline_mode<synchronous>, transform_indices = @transform_4, window_bounds = array<i64: 128, 32>}, {pipeline_mode = #tpu.pipeline_mode<synchronous>, transform_indices = @transform_5, window_bounds = array<i64: 1, 128>}, {transform_indices = @transform_6, window_bounds = array<i64: 1024, 32>}]} {
    %get3A = arith.constant 0 : index
    %get3A_0 = arith.constant 0 : index
    %get3A_1 = vector.load %arg4[%get3A, %get3A_0] : memref<1024x1xf32, #tpu.memory_space<vmem>>, vector<1024x1xf32>
    %get3A_2 = arith.constant 0 : index
    %get3A_3 = arith.constant 0 : index
    %get3A_4 = vector.load %arg1[%get3A_2, %get3A_3] : memref<1024x64xf32, #tpu.memory_space<vmem>>, vector<1024x64xf32>
    %get3A_5 = arith.constant 0 : index
    %get3A_6 = arith.constant 0 : index
    %get3A_7 = vector.load %arg2[%get3A_5, %get3A_6] : memref<1024x64xf32, #tpu.memory_space<vmem>>, vector<1024x64xf32>
    %concatenate3A = tpu.concatenate %get3A_4, %get3A_7 in 1 : vector<1024x64xf32>, vector<1024x64xf32> -> vector<1024x128xf32>
    %get3A_8 = arith.constant 0 : index
    %get3A_9 = arith.constant 0 : index
    %get3A_10 = vector.load %arg3[%get3A_8, %get3A_9] : memref<1024x128xf32, #tpu.memory_space<vmem>>, vector<1024x128xf32>
    %add3A = arith.addf %concatenate3A, %get3A_10 : vector<1024x128xf32>
    %mul3A = vector.broadcast %get3A_1 : vector<1024x1xf32> to vector<1024x128xf32>
    %mul3A_11 = arith.mulf %mul3A, %add3A : vector<1024x128xf32>
    %get3A_12 = arith.constant 0 : index
    %get3A_13 = arith.constant 0 : index
    %get3A_14 = vector.load %arg6[%get3A_12, %get3A_13] : memref<1x128xf32, #tpu.memory_space<vmem>>, vector<1x128xf32>
    %add3A_15 = vector.broadcast %get3A_14 : vector<1x128xf32> to vector<1024x128xf32>
    %add3A_16 = arith.addf %mul3A_11, %add3A_15 : vector<1024x128xf32>
    %max3A = arith.constant 0.000000e+00 : f32
    %max3A_17 = vector.broadcast %max3A : f32 to vector<1024x128xf32>
    %max3A_18 = arith.maximumf %add3A_16, %max3A_17 : vector<1024x128xf32>
    %get3A_19 = arith.constant 0 : index
    %get3A_20 = arith.constant 0 : index
    %get3A_21 = vector.load %arg5[%get3A_19, %get3A_20] : memref<128x32xf32, #tpu.memory_space<vmem>>, vector<128x32xf32>
    %dot_general3A = arith.constant dense<0.000000e+00> : vector<1024x32xf32>
    %dot_general3A_22 = tpu.matmul %max3A_18, %get3A_21, %dot_general3A {dimension_numbers = #tpu.dot_dimension_numbers<[1], [0], [0], [1], [0, 0, 1, 1], [], []>, transpose_lhs_hint = false} : vector<1024x128xf32>, vector<128x32xf32>, vector<1024x32xf32> -> vector<1024x32xf32>
    %mul3A_23 = arith.constant 1024 : i32
    %mul3A_24 = arith.muli %arg0, %mul3A_23 : i32
    %iota3A = tpu.iota {dimensions = array<i32: 0>} : vector<1024x1xi32>
    %add3A_25 = vector.broadcast %mul3A_24 : i32 to vector<1024x1xi32>
    %add3A_26 = arith.addi %add3A_25, %iota3A : vector<1024x1xi32>
    %lt3A = arith.constant 10000 : i32
    %lt3A_27 = vector.broadcast %lt3A : i32 to vector<1024x1xi32>
    %lt3A_28 = arith.cmpi slt, %add3A_26, %lt3A_27 : vector<1024x1xi32>
    %mul3A_29 = vector.broadcast %get3A_1 : vector<1024x1xf32> to vector<1024x32xf32>
    %mul3A_30 = arith.mulf %mul3A_29, %dot_general3A_22 : vector<1024x32xf32>
    %jit3A = arith.constant 0.000000e+00 : f32
    %broadcast_in_dim3A = vector.shape_cast %lt3A_28 : vector<1024x1xi1> to vector<1024x1xi1>
    %broadcast_in_dim3A_31 = vector.broadcast %broadcast_in_dim3A : vector<1024x1xi1> to vector<1024x32xi1>
    %broadcast_in_dim3A_32 = vector.broadcast %jit3A : f32 to vector<1024x32xf32>
    %select_n3A = arith.select %broadcast_in_dim3A_31, %mul3A_30, %broadcast_in_dim3A_32 : vector<1024x32xi1>, vector<1024x32xf32>
    %swap3A = arith.constant 0 : index
    %swap3A_33 = arith.constant 0 : index
    %swap3A_34 = vector.load %arg7[%swap3A, %swap3A_33] : memref<1024x32xf32, #tpu.memory_space<vmem>>, vector<1024x32xf32>
    tpu.vector_store %arg7[%swap3A, %swap3A_33], %select_n3A {strides = array<i32>} : memref<1024x32xf32, #tpu.memory_space<vmem>>, vector<1024x32xf32>,
    return
  }
  func.func @transform_0(%arg0: i32) -> (i32, i32) {
    %c0_i32 = arith.constant 0 : i32
    %c0_i32_0 = arith.constant 0 : i32
    return %arg0, %c0_i32 : i32, i32
  }
  func.func @transform_1(%arg0: i32) -> (i32, i32) {
    %c0_i32 = arith.constant 0 : i32
    %c0_i32_0 = arith.constant 0 : i32
    return %arg0, %c0_i32 : i32, i32
  }
  func.func @transform_2(%arg0: i32) -> (i32, i32) {
    %c0_i32 = arith.constant 0 : i32
    %c0_i32_0 = arith.constant 0 : i32
    return %arg0, %c0_i32 : i32, i32
  }
  func.func @transform_3(%arg0: i32) -> (i32, i32) {
    %c0_i32 = arith.constant 0 : i32
    %c0_i32_0 = arith.constant 0 : i32
    return %arg0, %c0_i32 : i32, i32
  }
  func.func @transform_4(%arg0: i32) -> (i32, i32) {
    %c0_i32 = arith.constant 0 : i32
    %c0_i32_0 = arith.constant 0 : i32
    %c0_i32_1 = arith.constant 0 : i32
    return %c0_i32, %c0_i32_0 : i32, i32
  }
  func.func @transform_5(%arg0: i32) -> (i32, i32) {
    %c0_i32 = arith.constant 0 : i32
    %c0_i32_0 = arith.constant 0 : i32
    %c0_i32_1 = arith.constant 0 : i32
    return %c0_i32, %c0_i32_0 : i32, i32
  }
  func.func @transform_6(%arg0: i32) -> (i32, i32) {
    %c0_i32 = arith.constant 0 : i32
    %c0_i32_0 = arith.constant 0 : i32
    return %arg0, %c0_i32 : i32, i32
  }
}

module attributes {stable_mosaic.version = 14 : i64} {
  func.func @_s5_body(%arg0: i32, %arg1: memref<1024x16xf32, #tpu.memory_space<vmem>>, %arg2: memref<1024x16xf32, #tpu.memory_space<vmem>>, %arg3: memref<1024x32xf32, #tpu.memory_space<vmem>>, %arg4: memref<1024x1xf32, #tpu.memory_space<vmem>>, %arg5: memref<1x32xf32, #tpu.memory_space<vmem>>, %arg6: memref<1024x32xf32, #tpu.memory_space<vmem>>) attributes {dimension_semantics = [#tpu.dimension_semantics<arbitrary>], iteration_bounds = array<i64: 10>, scalar_prefetch = 0 : i64, scratch_operands = 0 : i64, tpu.core_type = #tpu.core_type<tc>, window_params = [{transform_indices = @transform_0, window_bounds = array<i64: 1024, 16>}, {transform_indices = @transform_1, window_bounds = array<i64: 1024, 16>}, {transform_indices = @transform_2, window_bounds = array<i64: 1024, 32>}, {transform_indices = @transform_3, window_bounds = array<i64: 1024, 1>}, {pipeline_mode = #tpu.pipeline_mode<synchronous>, transform_indices = @transform_4, window_bounds = array<i64: 1, 32>}, {transform_indices = @transform_5, window_bounds = array<i64: 1024, 32>}]} {
    %get3A = arith.constant 0 : index
    %get3A_0 = arith.constant 0 : index
    %get3A_1 = vector.load %arg1[%get3A, %get3A_0] : memref<1024x16xf32, #tpu.memory_space<vmem>>, vector<1024x16xf32>
    %get3A_2 = arith.constant 0 : index
    %get3A_3 = arith.constant 0 : index
    %get3A_4 = vector.load %arg2[%get3A_2, %get3A_3] : memref<1024x16xf32, #tpu.memory_space<vmem>>, vector<1024x16xf32>
    %concatenate3A = tpu.concatenate %get3A_1, %get3A_4 in 1 : vector<1024x16xf32>, vector<1024x16xf32> -> vector<1024x32xf32>
    %get3A_5 = arith.constant 0 : index
    %get3A_6 = arith.constant 0 : index
    %get3A_7 = vector.load %arg4[%get3A_5, %get3A_6] : memref<1024x1xf32, #tpu.memory_space<vmem>>, vector<1024x1xf32>
    %get3A_8 = arith.constant 0 : index
    %get3A_9 = arith.constant 0 : index
    %get3A_10 = vector.load %arg3[%get3A_8, %get3A_9] : memref<1024x32xf32, #tpu.memory_space<vmem>>, vector<1024x32xf32>
    %add3A = arith.addf %concatenate3A, %get3A_10 : vector<1024x32xf32>
    %mul3A = vector.broadcast %get3A_7 : vector<1024x1xf32> to vector<1024x32xf32>
    %mul3A_11 = arith.mulf %mul3A, %add3A : vector<1024x32xf32>
    %get3A_12 = arith.constant 0 : index
    %get3A_13 = arith.constant 0 : index
    %get3A_14 = vector.load %arg5[%get3A_12, %get3A_13] : memref<1x32xf32, #tpu.memory_space<vmem>>, vector<1x32xf32>
    %add3A_15 = vector.broadcast %get3A_14 : vector<1x32xf32> to vector<1024x32xf32>
    %add3A_16 = arith.addf %mul3A_11, %add3A_15 : vector<1024x32xf32>
    %reduce_max3A = arith.constant dense<0xFF800000> : vector<1024xf32>
    %reduce_max3A_17 = vector.multi_reduction <maximumf>, %add3A_16, %reduce_max3A [1] : vector<1024x32xf32> to vector<1024xf32>
    %broadcast_in_dim3A = vector.shape_cast %reduce_max3A_17 : vector<1024xf32> to vector<1024x1xf32>
    %sub3A = vector.broadcast %broadcast_in_dim3A : vector<1024x1xf32> to vector<1024x32xf32>
    %sub3A_18 = arith.subf %add3A_16, %sub3A : vector<1024x32xf32>
    %exp3A = math.exp %sub3A_18 : vector<1024x32xf32>
    %reduce_sum3A = arith.constant dense<0.000000e+00> : vector<1024xf32>
    %reduce_sum3A_19 = vector.multi_reduction <add>, %exp3A, %reduce_sum3A [1] : vector<1024x32xf32> to vector<1024xf32>
    %broadcast_in_dim3A_20 = vector.shape_cast %reduce_sum3A_19 : vector<1024xf32> to vector<1024x1xf32>
    %log3A = math.log %broadcast_in_dim3A_20 : vector<1024x1xf32>
    %sub3A_21 = vector.broadcast %log3A : vector<1024x1xf32> to vector<1024x32xf32>
    %sub3A_22 = arith.subf %sub3A_18, %sub3A_21 : vector<1024x32xf32>
    %swap3A = arith.constant 0 : index
    %swap3A_23 = arith.constant 0 : index
    %swap3A_24 = vector.load %arg6[%swap3A, %swap3A_23] : memref<1024x32xf32, #tpu.memory_space<vmem>>, vector<1024x32xf32>
    tpu.vector_store %arg6[%swap3A, %swap3A_23], %sub3A_22 {strides = array<i32>} : memref<1024x32xf32, #tpu.memory_space<vmem>>, vector<1024x32xf32>,
    return
  }
  func.func @transform_0(%arg0: i32) -> (i32, i32) {
    %c0_i32 = arith.constant 0 : i32
    %c0_i32_0 = arith.constant 0 : i32
    return %arg0, %c0_i32 : i32, i32
  }
  func.func @transform_1(%arg0: i32) -> (i32, i32) {
    %c0_i32 = arith.constant 0 : i32
    %c0_i32_0 = arith.constant 0 : i32
    return %arg0, %c0_i32 : i32, i32
  }
  func.func @transform_2(%arg0: i32) -> (i32, i32) {
    %c0_i32 = arith.constant 0 : i32
    %c0_i32_0 = arith.constant 0 : i32
    return %arg0, %c0_i32 : i32, i32
  }
  func.func @transform_3(%arg0: i32) -> (i32, i32) {
    %c0_i32 = arith.constant 0 : i32
    %c0_i32_0 = arith.constant 0 : i32
    return %arg0, %c0_i32 : i32, i32
  }
  func.func @transform_4(%arg0: i32) -> (i32, i32) {
    %c0_i32 = arith.constant 0 : i32
    %c0_i32_0 = arith.constant 0 : i32
    %c0_i32_1 = arith.constant 0 : i32
    return %c0_i32, %c0_i32_0 : i32, i32
  }
  func.func @transform_5(%arg0: i32) -> (i32, i32) {
    %c0_i32 = arith.constant 0 : i32
    %c0_i32_0 = arith.constant 0 : i32
    return %arg0, %c0_i32 : i32, i32
  }
}

</mosaic_0001>

<sc_bundles>
// kernel: kernel.11.cloned.1.call-start
scs
__scs_entry_jumppad:
0x0: {  	(pc) =	sbr.rel $0x88, $3  }
0x1: {  	(tag) =	ssettag $0x0;
	lr =	simm.s32 $0x1  }
0x2: {  	[smem:$0x3F9B] =	sst lr;
	_ =	strace $0xD0000000  }
0x3: {  	_ = 	snop  }
0x4: {  	_ = 	snop  }
0x5: {  	_ = 	snop  }
0x6: {  	_ = 	snop  }
0x7: {  	_ = 	snop  }
__scs_overlays_trampoline_lowered:
0x8: {  	[smem:$0x3FAA] =	sst s0  }
0x9: {  	[smem:$0x3FAB] =	sst s1  }
0xa: {  	[smem:$0x3FAC] =	sst s2  }
0xb: {  	[smem:$0x3FAD] =	sst s3  }
0xc: {  	[smem:$0x3FAE] =	sst s4  }
0xd: {  	[smem:$0x3FAF] =	sst s5  }
0xe: {  	[smem:$0x3FB0] =	sst s6  }
0xf: {  	[smem:$0x3FB1] =	sst s7  }
0x10: {  	[smem:$0x3FB2] =	sst s8  }
0x11: {  	[smem:$0x3FB3] =	sst s9;
	s0 =	simm.s32 @!p0 $0x0  }
0x12: {  	s1 =	sld [smem:$0x3F99];
	s0 =	simm.s32 @p0 $0x1  }
0x13: {  	[smem:$0x3FB4] =	sst s0;
	s0 =	simm.s32 @!p1 $0x0  }
0x14: {  	s2 =	sld [smem:$0x3F98];
	s0 =	simm.s32 @p1 $0x1  }
0x15: {  	[smem:$0x3FB5] =	sst s0;
	s0 =	simm.s32 @!p2 $0x0  }
0x16: {  	s3 =	sld [smem:$0x3FDB];
	s0 =	simm.s32 @p2 $0x1  }
0x17: {  	s4 =	simm.s32 $0x1BF5;
	[smem:$0x3FB7] =	sst s0  }
0x18: {  	s0 =	sld [smem:$0x3F9A];
	_ =	swait.ge [sflag:s4], $0x0  }
0x19: {  	s7 =	sld [smem:$0x3F9B]  }
0x1a: {  	s8 =	sadd.s32 $0xFFFFE003, lr  }
0x1b: {  	s9 =	sadd.s32 $0xFFFFFEF7, lr;
	s5 =	simm.s32 $0xFFFFFFFF;
	p2 =	slt.u32 s8, $0xFFFFF086  }
0x1c: {  	p1 =	slt.u32 s9, $0xF7A;
	s5 =	simm.s32 @!p2 $0x0  }
0x1d: {  	s5 =	simm.s32 @p1 $0x1;
	p0 =	seq.s32 s7, s2  }
0x1e: {  	s7 =	smul.u32 @!p0 $0xF7A, s2;
	p2 =	seq.s32 @!p0 s5, $0x0  }
0x1f: {  	s9 =	smul.u32 $0xF7A, s1;
	s8 =	simm.s32 @!p0 $0x1BF5;
	p2 =	por !p2, p0  }
0x20: {  	[sflag:s8] =	ssyncset.s32 @!p0 $0xFFFFF086;
	s6 =	sadd.s32 @!p0 s3, s7;
	s7 =	simm.s32 @!p0 $0x108  }
0x21: {  	s3 =	sadd.s32 s3, s9;
	s6 =	sadd.s32 @!p0 $0x88, s6;
	s7 =	simm.s32 @p2 $0x1082  }
0x22: {  	[simem:s7], [sflag:s8] =	dma.local @!p0 [hbm:s6], $0xF7A  }
0x23: {  	s9 =	sor.u32 $0xD0000000, s2;
	s6 =	simm.s32 $0x108;
	_ =	swait.ge @!p0 [sflag:s8], $0x0  }
0x24: {  	s3 =	sadd.s32 $0x88, s3;
	s6 =	simm.s32 @!p1 $0x1082;
	[sflag:s4] =	ssyncset.s32 $0xFFFFF086  }
0x25: {  	[simem:s6], [sflag:s4] =	dma.local [hbm:s3], $0xF7A  }
0x26: {  	[smem:$0x3F9B] =	sst s1;
	(tag) =	ssettag s2;
	_ =	strace s9  }
0x27: {  	s1 =	sld [smem:$0x3FAB]  }
0x28: {  	s2 =	sld [smem:$0x3FAC]  }
0x29: {  	s4 =	sld [smem:$0x3FAE]  }
0x2a: {  	p0 =	seq.s32 s5, $0x0;
	s5 =	sld [smem:$0x3FAF]  }
0x2b: {  	s6 =	sld [smem:$0x3FB0]  }
0x2c: {  	s7 =	sld [smem:$0x3FB1]  }
0x2d: {  	s3 =	simm.s32 $0x108;
	s8 =	sld [smem:$0x3FB2]  }
0x2e: {  	s3 =	simm.s32 @!p0 $0x1082;
	s9 =	sld [smem:$0x3FB3]  }
0x2f: {  	lr =	sadd.s32 s0, s3;
	s0 =	sld [smem:$0x3FAA]  }
0x30: {  	s3 =	sld [smem:$0x3FAD]  }
0x31: {  	[smem:$0x3FB6] =	sst s10  }
0x32: {  	s10 =	sld [smem:$0x3FB4];
	_ =	sdelay $0x3  }
0x33: {  	p0 =	seq.s32 s10, $0x1;
	s10 =	sld [smem:$0x3FB6];
	_ =	sdelay $0x3  }
0x34: {  	[smem:$0x3FB6] =	sst s10  }
0x35: {  	s10 =	sld [smem:$0x3FB5];
	_ =	sdelay $0x3  }
0x36: {  	p1 =	seq.s32 s10, $0x1;
	s10 =	sld [smem:$0x3FB6];
	_ =	sdelay $0x3  }
0x37: {  	[smem:$0x3FB6] =	sst s10  }
0x38: {  	s10 =	sld [smem:$0x3FB7]  }
0x39: {  	_ = 	snop;
	(pc) =	sbr.ind lr, $3  }
0x3a: {  	_ = 	snop  }
0x3b: {  	_ = 	snop  }
0x3c: {  	p2 =	seq.s32 s10, $0x1;
	s10 =	sld [smem:$0x3FB6]  }
0x3d: {  	_ =	shalt  }
0x3e: {  	_ =	shalt  }
0x3f: {  	_ =	shalt  }
0x40: {  	_ =	shalt  }
0x41: {  	_ =	shalt  }
0x42: {  	_ =	shalt  }
0x43: {  	_ =	shalt  }
0x44: {  	_ =	shalt  }
0x45: {  	_ =	shalt  }
0x46: {  	_ =	shalt  }
0x47: {  	_ =	shalt  }
0x48: {  	_ =	shalt  }
0x49: {  	_ =	shalt  }
0x4a: {  	_ =	shalt  }
0x4b: {  	_ =	shalt  }
0x4c: {  	_ =	shalt  }
0x4d: {  	_ =	shalt  }
0x4e: {  	_ =	shalt  }
0x4f: {  	_ =	shalt  }
0x50: {  	_ =	shalt  }
0x51: {  	_ =	shalt  }
0x52: {  	_ =	shalt  }
0x53: {  	_ =	shalt  }
0x54: {  	_ =	shalt  }
0x55: {  	_ =	shalt  }
0x56: {  	_ =	shalt  }
0x57: {  	_ =	shalt  }
0x58: {  	_ =	shalt  }
0x59: {  	_ =	shalt  }
0x5a: {  	_ =	shalt  }
0x5b: {  	_ =	shalt  }
0x5c: {  	_ =	shalt  }
0x5d: {  	_ =	shalt  }
0x5e: {  	_ =	shalt  }
0x5f: {  	_ =	shalt  }
0x60: {  	_ =	shalt  }
0x61: {  	_ =	shalt  }
0x62: {  	_ =	shalt  }
0x63: {  	_ =	shalt  }
0x64: {  	_ =	shalt  }
0x65: {  	_ =	shalt  }
0x66: {  	_ =	shalt  }
0x67: {  	_ =	shalt  }
0x68: {  	_ =	shalt  }
0x69: {  	_ =	shalt  }
0x6a: {  	_ =	shalt  }
0x6b: {  	_ =	shalt  }
0x6c: {  	_ =	shalt  }
0x6d: {  	_ =	shalt  }
0x6e: {  	_ =	shalt  }
0x6f: {  	_ =	shalt  }
0x70: {  	_ =	shalt  }
0x71: {  	_ =	shalt  }
0x72: {  	_ =	shalt  }
0x73: {  	_ =	shalt  }
0x74: {  	_ =	shalt  }
0x75: {  	_ =	shalt  }
0x76: {  	_ =	shalt  }
0x77: {  	_ =	shalt  }
0x78: {  	_ =	shalt  }
0x79: {  	_ =	shalt  }
0x7a: {  	_ =	shalt  }
0x7b: {  	_ =	shalt  }
0x7c: {  	_ =	shalt  }
0x7d: {  	_ =	shalt  }
0x7e: {  	_ =	shalt  }
0x7f: {  	_ =	shalt  }
0x80: {  	_ =	shalt  }
0x81: {  	_ =	shalt  }
0x82: {  	_ =	shalt  }
0x83: {  	_ =	shalt  }
0x84: {  	_ =	shalt  }
0x85: {  	_ =	shalt  }
0x86: {  	_ =	shalt  }
0x87: {  	_ =	shalt  }
.Lfunc_end0:
.L_simem_size_0:
called_computation.1_lowered:
.L_overlay_start_0:
0x88: {  	s2 =	sld [smem:$0x3FD9]  }
0x89: {  	s3 =	sld [smem:$0x3FFE];
	_ =	sdelay $0x1  }
0x8a: {  	s1 =	srdreg.scid  }
0x8b: {  	s0 =	sand.u32 $0x1, s1  }
0x8c: {  	s16 =	sshll.u32 s0, $0xA;
	s2 =	sadd.s32 s3, s2  }
0x8d: {  	s2 =	sadd.s32 s2, s16  }
0x8e: {  	[smem:$0x3FC2] =	sst s2  }
0x8f: {  	_ = 	snop  }
0x90: {  	(tm) =	ssettm $0x1  }
0x91: {  	s17 =	sld [smem:$0x3FFB];
	_ =	sdelay $0x3  }
0x92: {  	_ =	strace s17  }
0x93: {  	s2 =	sld [smem:$0x3FFC];
	_ =	sdelay $0x3  }
0x94: {  	_ =	strace s2  }
0x95: {  	s2 =	sld [smem:$0x3FFD];
	_ =	sdelay $0x3  }
0x96: {  	_ =	strace s2  }
0x97: {  	_ =	strace $0x8FFFFFFF  }
0x98: {  	s18 =	sld [smem:$0x3FDB];
	_ =	sdelay $0x1  }
0x99: {  	s19 =	simm.s32 $_scs_section_size  }
0x9a: {  	s4 =	simm.s32 $_size__tile_overlayer_lowered;
	s5 =	simm.s32 $_tile_overlayer_lowered  }
0x9b: {  	s22 =	simm.s32 $0x1BFF;
	s21 =	sshll.u32 s5, $0x1;
	s2 =	sadd.s32 s19, s18  }
0x9c: {  	s6 =	simm.s32 $0x0;
	s20 =	sshll.u32 s4, $0x1;
	s4 =	sadd.s32 s21, s2  }
0x9d: {  	[timem:s6], [sflag:s22] =	dma.local [hbm:s4], s20  }
0x9e: {  	_ =	swait.ge [sflag:s22], s20  }
0x9f: {  	s3 =	ssub.s32 $0x0, s20;
	[sflag:s22] =	ssyncset.done $0x0  }
0xa0: {  	[sflag:s22] =	ssyncadd.s32 s3;
	_ =	sdelay $0x1  }
0xa1: {  	s23 =	simm.s32 $0x1B8B  }
0xa2: {  	_ =	swait.ge [sflag:s23], $0x1  }
0xa3: {  	[sflag:s23] =	ssyncset.done $0x0  }
0xa4: {  	s25 =	simm.s32 $0x1B8E;
	s24 =	sld [smem:$0x3FFE];
	[sflag:s23] =	ssyncadd.s32 $0xFFFFFFFF  }
0xa5: {  	s26 =	simm.s32 $execute0_lowered;
	[smem:$0x3FD2] =	sst s25  }
0xa6: {  	s4 =	sshll.u32 s26, $0x1;
	_ =	strace $0x80000049;
	[dreg:$0x1] =	wrdreg $0xFFFFFFFF  }
0xa7: {  	s28 =	simm.s32 $_size_execute0_lowered;
	s2 =	sadd.s32 s2, s4;
	[dreg:$0x0] =	wrdreg $0x0  }
0xa8: {  	s4 =	sshll.u32 s28, $0x1;
	[dreg:$0x2] =	wrdreg s2  }
0xa9: {  	[dreg:$0x3] =	wrdreg s4  }
0xaa: {  	[dreg:$0x4] =	wrdreg $0xC0  }
0xab: {  	_ =	task [dreg:s6], $0x5FFFF  }
0xac: {  	[dreg:$0x1] =	wrdreg $0xFFFFFFFF  }
0xad: {  	[dreg:$0x0] =	wrdreg $0x60  }
0xae: {  	[dreg:$0x2] =	wrdreg s24  }
0xaf: {  	[dreg:$0x3] =	wrdreg $0x140000  }
0xb0: {  	[dreg:$0x4] =	wrdreg $0x9  }
0xb1: {  	_ =	task.clear_ibuf [dreg:s6], $0x5FFFF;
	_ =	strace $0x90000049  }
0xb2: {  	s29 =	simm.s32 $0x9;
	_ =	strace $0x8000004B  }
0xb3: {  	_ =	swait.ge [sflag:s29], $0x1  }
0xb4: {  	[sflag:s29] =	ssyncadd.s32 $0xFFFFFFFF  }
0xb5: {  	_ =	strace $0x9000004B  }
0xb6: {  	_ =	sfence  }
0xb7: {  	s30 =	sld [smem:$0x0];
	_ =	sdelay $0x2  }
0xb8: {  	s31 =	sshll.u32 s1, $0xD;
	s1 =	sshrl.u32 s1, $0x2  }
0xb9: {  	s3 =	sand.u32 $0x4000, s31;
	s1 =	sadd.s32 s1, s30  }
0xba: {  	s0 =	sor.u32 s3, s0;
	s1 =	sshll.u32 s1, $0x11  }
0xbb: {  	s0 =	sor.u32 s1, s0  }
0xbc: {  	s0 =	sadd.s32 $0x8F2B, s0  }
0xbd: {  	[sflag:s0] =	ssyncadd.remote.s32 $0x1  }
0xbe: {  	_ =	sfence.sel $0xFFFF  }
0xbf: {  	[dreg:$0x0] =	wrdreg $0xFFFFFFFF;
	(pc) =	sbr.abs _section_cstart, $3  }
0xc0: {  	[dreg:$0x1] =	wrdreg $0xFFFFFFFF  }
0xc1: {  	_ =	task.clear_ibuf [dreg:s6], $0x2FFFF;
	_ =	strace $0x9FFFFFFF  }
0xc2: {  	(tm) =	ssettm $0x7FFFFFFF  }
0xc3: {  	_ =	shalt  }
tec
execute0_lowered:
.L_overlay_start_1:
0x0: {  	(tag) =	ssettag $0x1  }
0x1: {  	s0 =	rddreg [dreg:$0x0]  }
0x2: {  	s1 =	rddreg [dreg:$0x1];
	s2 =	srdreg.scid;
	s3 =	simm.s32 $0x0  }
0x3: {  	s8 =	stileid.u32;
	s14 =	simm.s32 $0xA000;
	s15 =	simm.s32 $0xB  }
0x4: {  	s17 =	simm.s32 $0x80;
	s18 =	simm.s32 $0xC000;
	s20 =	simm.s32 $0xE000  }
0x5: {  	s22 =	simm.s32 $0x10000;
	s28 =	simm.s32 $0x2;
	s29 =	simm.s32 $0x3  }
0x6: {  	s30 =	simm.s32 $0x4;
	s31 =	simm.s32 $0x5;
	s16 =	simm.s32 $0x7  }
0x7: {  	s19 =	simm.s32 $0x8;
	s21 =	simm.s32 $0x9;
	s6 =	smul.u32 $0xA000, s8  }
0x8: {  	s23 =	simm.s32 $0xA;
	s2 =	sand.u32 $0x1, s2;
	s7 =	smul.u32 $0xA00, s8  }
0x9: {  	[smem:$0x7FF] =	sst s3;
	s4 =	sadd.s32 $0x3E200, s0;
	s8 =	smul.u32 $0x28000, s8  }
0xa: {  	s5 =	smul.u32 $0xA0000, s2;
	_ =	strace $0x8000004A;
	s9 =	ssub.s32 $0x2, s2  }
0xb: {  	s2 =	smul.u32 $0x2800, s2;
	s7 =	sadd.s32 s7, s0;
	s24 =	sshrl.u32 s9, $0x1  }
0xc: {  	s8 =	sshrl.u32 s8, $0x2;
	s26 =	sadd.s32 s6, s1;
	s5 =	sadd.s32 s6, s5  }
0xd: {  	s9 =	ssub.s32 s9, s24;
	s25 =	sadd.s32 $0xC200, s7;
	s7 =	sadd.s32 $0x2200, s7  }
0xe: {  	s24 =	sshrl.u32 s26, $0x3;
	s26 =	simm.s32 $0x1;
	[dreg:$0x3] =	wrdreg s25  }
0xf: {  	s5 =	sshrl.u32 s5, $0x3;
	[dreg:$0x4] =	wrdreg s7;
	s9 =	smax.u32 s9, $0x1  }
0x10: {  	s25 =	simm.s32 $0x12000;
	s0 =	sadd.s32 s5, s0;
	s5 =	sadd.s32 s8, s1  }
0x11: {  	s8 =	sadd.s32 $0x66200, s0;
	s10 =	sadd.s32 $0x2000, s5;
	s11 =	sadd.s32 $0x4000, s5  }
0x12: {  	v1 =	vimm.f32 $0.0e+00;
	v0 =	vmov s2;
	s12 =	sadd.s32 $0x6000, s5;
	s13 =	sadd.s32 $0x8000, s5;
	s0 =	simm.s32 $0x6  }
.LBB2_1:
0x13: {  	s6 =	simm.s32 $0x100;
	s2 =	simm.s32 $0x0  }
.LBB2_2:
0x14: {  	p0 =	sne.s32 s6, $0x7F00;
	[tilespmem:s2+$0xA030] =	vst v1;
	s7 =	smov.u32 s6;
	s6 =	sadd.s32 $0x100, s6  }
.Ltmp0:
0x15: {  	[tilespmem:s2+$0xA020] =	vst v1;
	(pc) =	sbr.rel @p0 .LBB2_2-.Ltmp0, $3  }
0x16: {  	[tilespmem:s2+$0xA000] =	vst v1  }
0x17: {  	[tilespmem:s2+$0xA010] =	vst v1;
	_ =	sdelay $0x1  }
0x18: {  	s2 =	sshra.s32 s7, $0x2  }
0x19: {  	[tilespmem:s2+$0xA030] =	vst v1  }
0x1a: {  	[tilespmem:s2+$0xA020] =	vst v1  }
0x1b: {  	[tilespmem:s2+$0xA000] =	vst v1  }
0x1c: {  	[tilespmem:s2+$0xA010] =	vst v1  }
0x1d: {  	[spmem:s5] =	stream.linear.scatter [tilespmem:s14], [sflag:$0xB], $0x2000, $0x38;
	[tilespmem:$0x1E000] =	vst v63  }
0x1e: {  	_ =	swait.ge [sflag:s15], $0x2000  }
0x1f: {  	[sflag:s15] =	ssyncset.done $0x0  }
0x20: {  	[sflag:s15] =	ssyncadd.s32 $0xFFFFE000  }
0x21: {  	[spmem:s10] =	stream.linear.scatter [tilespmem:s14], [sflag:$0xB], $0x2000, $0x38;
	[tilespmem:$0x1E000] =	vst v63  }
0x22: {  	_ =	swait.ge [sflag:s15], $0x2000  }
0x23: {  	[sflag:s15] =	ssyncset.done $0x0  }
0x24: {  	[sflag:s15] =	ssyncadd.s32 $0xFFFFE000  }
0x25: {  	[spmem:s11] =	stream.linear.scatter [tilespmem:s14], [sflag:$0xB], $0x2000, $0x38;
	[tilespmem:$0x1E000] =	vst v63  }
0x26: {  	_ =	swait.ge [sflag:s15], $0x2000  }
0x27: {  	[sflag:s15] =	ssyncset.done $0x0  }
0x28: {  	[sflag:s15] =	ssyncadd.s32 $0xFFFFE000  }
0x29: {  	[spmem:s12] =	stream.linear.scatter [tilespmem:s14], [sflag:$0xB], $0x2000, $0x38;
	[tilespmem:$0x1E000] =	vst v63  }
0x2a: {  	_ =	swait.ge [sflag:s15], $0x2000  }
0x2b: {  	[sflag:s15] =	ssyncset.done $0x0  }
0x2c: {  	[sflag:s15] =	ssyncadd.s32 $0xFFFFE000  }
0x2d: {  	[spmem:s13] =	stream.linear.scatter [tilespmem:s14], [sflag:$0xB], $0x2000, $0x38;
	[tilespmem:$0x1E000] =	vst v63  }
0x2e: {  	_ =	swait.ge [sflag:s15], $0x2000  }
0x2f: {  	[sflag:s15] =	ssyncset.done $0x0  }
0x30: {  	s2 =	simm.s32 $0x0;
	s6 =	rddreg [dreg:$0x3];
	[sflag:s15] =	ssyncadd.s32 $0xFFFFE000  }
0x31: {  	[tilespmem:s2], [sflag:$0xB] =	stream.linear.gather [hbm4b:s6+s2], $0x5000, $0x38;
	[tilespmem:$0x1E000] =	vst v63  }
0x32: {  	_ =	swait.ge [sflag:s15], $0x5000  }
0x33: {  	[sflag:s15] =	ssyncset.done $0x0  }
0x34: {  	s7 =	simm.s32 $0x5000;
	s6 =	rddreg [dreg:$0x4];
	[sflag:s15] =	ssyncadd.s32 $0xFFFFB000  }
0x35: {  	[tilespmem:s7], [sflag:$0xB] =	stream.linear.gather [hbm4b:s6+s2], $0x5000, $0x38;
	[tilespmem:$0x1E000] =	vst v63  }
0x36: {  	_ =	swait.ge [sflag:s15], $0x5000  }
0x37: {  	[sflag:s15] =	ssyncset.done $0x0  }
0x38: {  	s2 =	simm.s32 $0x0;
	[sflag:s15] =	ssyncadd.s32 $0xFFFFB000  }
0x39: {  	v4 =	vld [tilespmem:s2+$0x0]  }
0x3a: {  	v6 =	vld [tilespmem:s2+$0x10]  }
0x3b: {  	v5 =	vld [tilespmem:s2+$0x20]  }
0x3c: {  	v3 =	vld [tilespmem:s2+$0x30]  }
0x3d: {  	v2 =	vld [tilespmem:s2+$0x40]  }
0x3e: {  	v7 =	vadd.s32 v0, v4;
	v4 =	vld [tilespmem:s2+$0x50]  }
0x3f: {  	s6 =	simm.s32 $0x200;
	[tilespmem:s2+$0x0] =	vst v7;
	v7 =	vadd.s32 v0, v6;
	v6 =	vld [tilespmem:s2+$0x60]  }
.LBB2_4:
0x40: {  	s7 =	sshra.s32 s6, $0x2;
	p0 =	sne.s32 s6, $0x13E00;
	[tilespmem:s2+$0x10] =	vst v7;
	v5 =	vadd.s32 v0, v5;
	v7 =	vld [tilespmem:s2+$0x70]  }
0x41: {  	v8 =	vld [tilespmem:s7+$0x0];
	[tilespmem:s2+$0x20] =	vst v5;
	v3 =	vadd.s32 v0, v3  }
0x42: {  	v9 =	vld [tilespmem:s7+$0x10];
	[tilespmem:s2+$0x30] =	vst v3;
	v2 =	vadd.s32 v0, v2  }
.Ltmp1:
0x43: {  	v5 =	vld [tilespmem:s7+$0x20];
	[tilespmem:s2+$0x40] =	vst v2;
	v2 =	vadd.s32 v0, v4;
	(pc) =	sbr.rel @p0 .LBB2_4-.Ltmp1, $4  }
0x44: {  	v3 =	vld [tilespmem:s7+$0x30];
	[tilespmem:s2+$0x50] =	vst v2;
	v4 =	vadd.s32 v0, v6  }
0x45: {  	v2 =	vld [tilespmem:s7+$0x40];
	[tilespmem:s2+$0x60] =	vst v4;
	v6 =	vadd.s32 v0, v7  }
0x46: {  	v7 =	vadd.s32 v0, v8;
	v4 =	vld [tilespmem:s7+$0x50];
	[tilespmem:s2+$0x70] =	vst v6;
	s2 =	smov.u32 s7  }
0x47: {  	s6 =	sadd.s32 $0x200, s6;
	[tilespmem:s2+$0x0] =	vst v7;
	v7 =	vadd.s32 v0, v9;
	v6 =	vld [tilespmem:s2+$0x60]  }
0x48: {  	[tilespmem:s2+$0x10] =	vst v7;
	v5 =	vadd.s32 v0, v5;
	v63 =	vld [tilespmem:s2+$0x70]  }
0x49: {  	[tilespmem:s2+$0x20] =	vst v5;
	v3 =	vadd.s32 v0, v3  }
0x4a: {  	[tilespmem:s2+$0x30] =	vst v3;
	v2 =	vadd.s32 v0, v2  }
0x4b: {  	[tilespmem:s2+$0x40] =	vst v2;
	v2 =	vadd.s32 v0, v4  }
0x4c: {  	[tilespmem:s2+$0x50] =	vst v2;
	v2 =	vadd.s32 v0, v6  }
0x4d: {  	[tilespmem:s2+$0x60] =	vst v2;
	v2 =	vadd.s32 v0, v63  }
0x4e: {  	[tilespmem:s2+$0x70] =	vst v2  }
0x4f: {  	s7 =	simm.s32 $0x0;
	[bflag:$0x0] =	sbarrier.arrive $0xFFFF  }
0x50: {  	[tilespmem:s14], [sflag:$0x1] =	stream.indirect.gather [hbm4b:s4+s17], $0x40, s7, s17, $0xb8;
	[tilespmem:$0x1E000] =	vst v63  }
0x51: {  	_ = 	snop  }
0x52: {  	[tilespmem:s18], [sflag:$0x2] =	stream.indirect.gather [hbm4b:s4+s17], $0x40, s17, s17, $0xb8;
	[tilespmem:$0x1E000] =	vst v63  }
0x53: {  	s6 =	simm.s32 $0x100  }
0x54: {  	[tilespmem:s20], [sflag:$0x3] =	stream.indirect.gather [hbm4b:s4+s17], $0x40, s6, s17, $0xb8;
	[tilespmem:$0x1E000] =	vst v63  }
0x55: {  	s7 =	simm.s32 $0x180  }
0x56: {  	[tilespmem:s22], [sflag:$0x4] =	stream.indirect.gather [hbm4b:s4+s17], $0x40, s7, s17, $0xb8;
	[tilespmem:$0x1E000] =	vst v63  }
0x57: {  	s6 =	simm.s32 $0x200  }
0x58: {  	[tilespmem:s25], [sflag:$0x5] =	stream.indirect.gather [hbm4b:s4+s17], $0x40, s6, s17, $0xb8;
	[tilespmem:$0x1E000] =	vst v63  }
0x59: {  	_ =	swait.ge [sflag:s26], $0x2000  }
0x5a: {  	[sflag:s26] =	ssyncset.done $0x0  }
0x5b: {  	s7 =	simm.s32 $0x5000;
	[sflag:s26] =	ssyncadd.s32 $0xFFFFE000  }
0x5c: {  	[spmem:s1] =	stream.indirect.scatter.add.f32 [tilespmem:s14], [sflag:$0x6], $0x40, s7, s17, $0xb8;
	[tilespmem:$0x1E000] =	vst v63  }
0x5d: {  	_ =	swait.ge [sflag:s28], $0x2000  }
0x5e: {  	[sflag:s28] =	ssyncset.done $0x0  }
0x5f: {  	s6 =	simm.s32 $0x5080;
	[sflag:s28] =	ssyncadd.s32 $0xFFFFE000  }
0x60: {  	[spmem:s1] =	stream.indirect.scatter.add.f32 [tilespmem:s18], [sflag:$0x7], $0x40, s6, s17, $0xb8;
	[tilespmem:$0x1E000] =	vst v63  }
0x61: {  	_ =	swait.ge [sflag:s29], $0x2000  }
0x62: {  	[sflag:s29] =	ssyncset.done $0x0  }
0x63: {  	s7 =	simm.s32 $0x5100;
	[sflag:s29] =	ssyncadd.s32 $0xFFFFE000  }
0x64: {  	[spmem:s1] =	stream.indirect.scatter.add.f32 [tilespmem:s20], [sflag:$0x8], $0x40, s7, s17, $0xb8;
	[tilespmem:$0x1E000] =	vst v63  }
0x65: {  	_ =	swait.ge [sflag:s30], $0x2000  }
0x66: {  	[sflag:s30] =	ssyncset.done $0x0  }
0x67: {  	s6 =	simm.s32 $0x5180;
	[sflag:s30] =	ssyncadd.s32 $0xFFFFE000  }
0x68: {  	[spmem:s1] =	stream.indirect.scatter.add.f32 [tilespmem:s22], [sflag:$0x9], $0x40, s6, s17, $0xb8;
	[tilespmem:$0x1E000] =	vst v63  }
0x69: {  	_ =	swait.ge [sflag:s31], $0x2000  }
0x6a: {  	[sflag:s31] =	ssyncset.done $0x0  }
0x6b: {  	s7 =	simm.s32 $0x5200;
	[sflag:s31] =	ssyncadd.s32 $0xFFFFE000  }
0x6c: {  	[spmem:s1] =	stream.indirect.scatter.add.f32 [tilespmem:s25], [sflag:$0xA], $0x40, s7, s17, $0xb8;
	[tilespmem:$0x1E000] =	vst v63  }
0x6d: {  	_ =	swait.ge [sflag:s0], $0x2000  }
0x6e: {  	[sflag:s0] =	ssyncset.done $0x0  }
0x6f: {  	s6 =	simm.s32 $0x280;
	[sflag:s0] =	ssyncadd.s32 $0xFFFFE000  }
0x70: {  	[tilespmem:s14], [sflag:$0x1] =	stream.indirect.gather [hbm4b:s4+s17], $0x40, s6, s17, $0xb8;
	[tilespmem:$0x1E000] =	vst v63  }
0x71: {  	_ =	swait.ge [sflag:s16], $0x2000  }
0x72: {  	[sflag:s16] =	ssyncset.done $0x0  }
0x73: {  	s7 =	simm.s32 $0x300;
	[sflag:s16] =	ssyncadd.s32 $0xFFFFE000  }
0x74: {  	[tilespmem:s18], [sflag:$0x2] =	stream.indirect.gather [hbm4b:s4+s17], $0x40, s7, s17, $0xb8;
	[tilespmem:$0x1E000] =	vst v63  }
0x75: {  	_ =	swait.ge [sflag:s19], $0x2000  }
0x76: {  	[sflag:s19] =	ssyncset.done $0x0  }
0x77: {  	s6 =	simm.s32 $0x380;
	[sflag:s19] =	ssyncadd.s32 $0xFFFFE000  }
0x78: {  	[tilespmem:s20], [sflag:$0x3] =	stream.indirect.gather [hbm4b:s4+s17], $0x40, s6, s17, $0xb8;
	[tilespmem:$0x1E000] =	vst v63  }
0x79: {  	_ =	swait.ge [sflag:s21], $0x2000  }
0x7a: {  	[sflag:s21] =	ssyncset.done $0x0  }
0x7b: {  	s7 =	simm.s32 $0x400;
	[sflag:s21] =	ssyncadd.s32 $0xFFFFE000  }
0x7c: {  	[tilespmem:s22], [sflag:$0x4] =	stream.indirect.gather [hbm4b:s4+s17], $0x40, s7, s17, $0xb8;
	[tilespmem:$0x1E000] =	vst v63  }
0x7d: {  	_ =	swait.ge [sflag:s23], $0x2000  }
0x7e: {  	[sflag:s23] =	ssyncset.done $0x0  }
0x7f: {  	s2 =	simm.s32 $0xA00;
	s6 =	simm.s32 $0x480;
	[sflag:s23] =	ssyncadd.s32 $0xFFFFE000  }
.LBB2_6:
0x80: {  	[tilespmem:s25], [sflag:$0x5] =	stream.indirect.gather [hbm4b:s4+s17], $0x40, s6, s17, $0xb8;
	[tilespmem:$0x1E000] =	vst v63  }
0x81: {  	s6 =	smov.u32 s2  }
0x82: {  	p0 =	sne.s32 s2, $0x12C00;
	s2 =	sadd.s32 $0xA00, s2;
	_ =	swait.ge [sflag:s26], $0x2000  }
0x83: {  	s6 =	sshra.s32 s6, $0x2;
	[sflag:s26] =	ssyncset.done $0x0  }
0x84: {  	s7 =	sadd.s32 $0x5000, s6;
	[sflag:s26] =	ssyncadd.s32 $0xFFFFE000  }
0x85: {  	[spmem:s1] =	stream.indirect.scatter.add.f32 [tilespmem:s14], [sflag:$0x6], $0x40, s7, s17, $0xb8;
	[tilespmem:$0x1E000] =	vst v63  }
0x86: {  	_ =	swait.ge [sflag:s28], $0x2000  }
0x87: {  	[sflag:s28] =	ssyncset.done $0x0  }
0x88: {  	s7 =	sadd.s32 $0x5080, s6;
	[sflag:s28] =	ssyncadd.s32 $0xFFFFE000  }
0x89: {  	[spmem:s1] =	stream.indirect.scatter.add.f32 [tilespmem:s18], [sflag:$0x7], $0x40, s7, s17, $0xb8;
	[tilespmem:$0x1E000] =	vst v63  }
0x8a: {  	_ =	swait.ge [sflag:s29], $0x2000  }
0x8b: {  	[sflag:s29] =	ssyncset.done $0x0  }
0x8c: {  	s7 =	sadd.s32 $0x5100, s6;
	[sflag:s29] =	ssyncadd.s32 $0xFFFFE000  }
0x8d: {  	[spmem:s1] =	stream.indirect.scatter.add.f32 [tilespmem:s20], [sflag:$0x8], $0x40, s7, s17, $0xb8;
	[tilespmem:$0x1E000] =	vst v63  }
0x8e: {  	_ =	swait.ge [sflag:s30], $0x2000  }
0x8f: {  	[sflag:s30] =	ssyncset.done $0x0  }
0x90: {  	s7 =	sadd.s32 $0x5180, s6;
	[sflag:s30] =	ssyncadd.s32 $0xFFFFE000  }
0x91: {  	[spmem:s1] =	stream.indirect.scatter.add.f32 [tilespmem:s22], [sflag:$0x9], $0x40, s7, s17, $0xb8;
	[tilespmem:$0x1E000] =	vst v63  }
0x92: {  	_ =	swait.ge [sflag:s31], $0x2000  }
0x93: {  	[sflag:s31] =	ssyncset.done $0x0  }
0x94: {  	s7 =	sadd.s32 $0x5200, s6;
	[sflag:s31] =	ssyncadd.s32 $0xFFFFE000  }
0x95: {  	[spmem:s1] =	stream.indirect.scatter.add.f32 [tilespmem:s25], [sflag:$0xA], $0x40, s7, s17, $0xb8;
	[tilespmem:$0x1E000] =	vst v63  }
0x96: {  	_ =	swait.ge [sflag:s0], $0x2000  }
0x97: {  	[sflag:s0] =	ssyncset.done $0x0  }
0x98: {  	s7 =	sadd.s32 $0x280, s6;
	[sflag:s0] =	ssyncadd.s32 $0xFFFFE000  }
0x99: {  	[tilespmem:s14], [sflag:$0x1] =	stream.indirect.gather [hbm4b:s4+s17], $0x40, s7, s17, $0xb8;
	[tilespmem:$0x1E000] =	vst v63  }
0x9a: {  	_ =	swait.ge [sflag:s16], $0x2000  }
0x9b: {  	[sflag:s16] =	ssyncset.done $0x0  }
0x9c: {  	s7 =	sadd.s32 $0x300, s6;
	[sflag:s16] =	ssyncadd.s32 $0xFFFFE000  }
0x9d: {  	[tilespmem:s18], [sflag:$0x2] =	stream.indirect.gather [hbm4b:s4+s17], $0x40, s7, s17, $0xb8;
	[tilespmem:$0x1E000] =	vst v63  }
0x9e: {  	_ =	swait.ge [sflag:s19], $0x2000  }
0x9f: {  	[sflag:s19] =	ssyncset.done $0x0  }
0xa0: {  	s7 =	sadd.s32 $0x380, s6;
	[sflag:s19] =	ssyncadd.s32 $0xFFFFE000  }
0xa1: {  	[tilespmem:s20], [sflag:$0x3] =	stream.indirect.gather [hbm4b:s4+s17], $0x40, s7, s17, $0xb8;
	[tilespmem:$0x1E000] =	vst v63  }
0xa2: {  	_ =	swait.ge [sflag:s21], $0x2000  }
0xa3: {  	[sflag:s21] =	ssyncset.done $0x0  }
.Ltmp2:
0xa4: {  	s7 =	sadd.s32 $0x400, s6;
	[sflag:s21] =	ssyncadd.s32 $0xFFFFE000;
	(pc) =	sbr.rel @p0 .LBB2_6-.Ltmp2, $4  }
0xa5: {  	[tilespmem:s22], [sflag:$0x4] =	stream.indirect.gather [hbm4b:s4+s17], $0x40, s7, s17, $0xb8;
	[tilespmem:$0x1E000] =	vst v63  }
0xa6: {  	_ =	swait.ge [sflag:s23], $0x2000  }
0xa7: {  	[sflag:s23] =	ssyncset.done $0x0  }
0xa8: {  	s6 =	sadd.s32 $0x480, s6;
	[sflag:s23] =	ssyncadd.s32 $0xFFFFE000  }
0xa9: {  	[tilespmem:s25], [sflag:$0x5] =	stream.indirect.gather [hbm4b:s4+s17], $0x40, s6, s17, $0xb8;
	[tilespmem:$0x1E000] =	vst v63  }
0xaa: {  	_ =	swait.ge [sflag:s26], $0x2000  }
0xab: {  	[sflag:s26] =	ssyncset.done $0x0  }
0xac: {  	s2 =	simm.s32 $0x9D80;
	[sflag:s26] =	ssyncadd.s32 $0xFFFFE000  }
0xad: {  	[spmem:s1] =	stream.indirect.scatter.add.f32 [tilespmem:s14], [sflag:$0x6], $0x40, s2, s17, $0xb8;
	[tilespmem:$0x1E000] =	vst v63  }
0xae: {  	_ =	swait.ge [sflag:s28], $0x2000  }
0xaf: {  	[sflag:s28] =	ssyncset.done $0x0  }
0xb0: {  	s7 =	simm.s32 $0x9E00;
	[sflag:s28] =	ssyncadd.s32 $0xFFFFE000  }
0xb1: {  	[spmem:s1] =	stream.indirect.scatter.add.f32 [tilespmem:s18], [sflag:$0x7], $0x40, s7, s17, $0xb8;
	[tilespmem:$0x1E000] =	vst v63  }
0xb2: {  	_ =	swait.ge [sflag:s29], $0x2000  }
0xb3: {  	[sflag:s29] =	ssyncset.done $0x0  }
0xb4: {  	s6 =	simm.s32 $0x9E80;
	[sflag:s29] =	ssyncadd.s32 $0xFFFFE000  }
0xb5: {  	[spmem:s1] =	stream.indirect.scatter.add.f32 [tilespmem:s20], [sflag:$0x8], $0x40, s6, s17, $0xb8;
	[tilespmem:$0x1E000] =	vst v63  }
0xb6: {  	_ =	swait.ge [sflag:s30], $0x2000  }
0xb7: {  	[sflag:s30] =	ssyncset.done $0x0  }
0xb8: {  	s7 =	simm.s32 $0x9F00;
	[sflag:s30] =	ssyncadd.s32 $0xFFFFE000  }
0xb9: {  	[spmem:s1] =	stream.indirect.scatter.add.f32 [tilespmem:s22], [sflag:$0x9], $0x40, s7, s17, $0xb8;
	[tilespmem:$0x1E000] =	vst v63  }
0xba: {  	_ =	swait.ge [sflag:s31], $0x2000  }
0xbb: {  	[sflag:s31] =	ssyncset.done $0x0  }
0xbc: {  	s6 =	simm.s32 $0x9F80;
	[sflag:s31] =	ssyncadd.s32 $0xFFFFE000  }
0xbd: {  	[spmem:s1] =	stream.indirect.scatter.add.f32 [tilespmem:s25], [sflag:$0xA], $0x40, s6, s17, $0xb8;
	[tilespmem:$0x1E000] =	vst v63  }
0xbe: {  	_ =	swait.ge [sflag:s0], $0x2000  }
0xbf: {  	[sflag:s0] =	ssyncset.done $0x0  }
0xc0: {  	[sflag:s0] =	ssyncadd.s32 $0xFFFFE000  }
0xc1: {  	_ =	swait.ge [sflag:s16], $0x2000  }
0xc2: {  	[sflag:s16] =	ssyncset.done $0x0  }
0xc3: {  	[sflag:s16] =	ssyncadd.s32 $0xFFFFE000  }
0xc4: {  	_ =	swait.ge [sflag:s19], $0x2000  }
0xc5: {  	[sflag:s19] =	ssyncset.done $0x0  }
0xc6: {  	[sflag:s19] =	ssyncadd.s32 $0xFFFFE000  }
0xc7: {  	_ =	swait.ge [sflag:s21], $0x2000  }
0xc8: {  	[sflag:s21] =	ssyncset.done $0x0  }
0xc9: {  	[sflag:s21] =	ssyncadd.s32 $0xFFFFE000  }
0xca: {  	_ =	swait.ge [sflag:s23], $0x2000  }
0xcb: {  	s3 =	sadd.s32 $0x1, s3;
	s7 =	stileid.u32;
	[sflag:s23] =	ssyncset.done $0x0  }
0xcc: {  	p0 =	sne.s32 s3, s9;
	s2 =	sshll.u32 s7, $0x6;
	[sflag:s23] =	ssyncadd.s32 $0xFFFFE000  }
.Ltmp3:
0xcd: {  	s2 =	sor.u32 $0x1C0B, s2;
	[bflag:$0x0] =	sbarrier.arrive $0xFFFF;
	(pc) =	sbr.rel @p0 .LBB2_1-.Ltmp3, $4  }
0xce: {  	[hbm:s8], [sflag:s2] =	dma.local [spmem:s24], $0x1400  }
0xcf: {  	_ =	swait.ge [sflag:s15], $0x1400  }
0xd0: {  	[sflag:s15] =	ssyncset.done $0x0  }
0xd1: {  	[sflag:s15] =	ssyncadd.s32 $0xFFFFEC00  }
0xd2: {  	_ =	sfence.sel $0x180000  }
0xd3: {  	[bflag:$0x0] =	sbarrier.arrive $0xFFFF  }
0xd4: {  	_ =	strace $0x9000004A  }
0xd5: {  	s0 =	stileid.u32;
	[bflag:$0x2] =	sbarrier.arrive $0xFFFF  }
0xd6: {  	p0 =	sne.s32 s0, $0x0;
	s0 =	rddreg [dreg:$0x2]  }
0xd7: {  	s0 =	sadd.s32 @!p0 $0x100000, s0  }
0xd8: {  	[sflag:s0] =	ssyncadd.tile.s32 @!p0 $0x1;
	_ =	shalt  }
.Lfunc_end2:
_tile_overlayer_lowered:
.L_overlay_start_2:
0xd9: {  	(tag) =	ssettag $0x2  }
0xda: {  	s0 =	rddreg [dreg:$0x0];
	s2 =	stileid.u32  }
0xdb: {  	s1 =	rddreg [dreg:$0x1];
	p0 =	sne.s32 s2, $0x0  }
0xdc: {  	s3 =	rddreg [dreg:$0x2];
	[bflag:$0x3] =	sbarrier.arrive $0xFFFF;
	s2 =	simm.s32 @!p0 $0x1C0B  }
0xdd: {  	[timem:s3], [sflag:s2] =	dma.local @!p0 [hbm:s0], s1  }
0xde: {  	s0 =	simm.s32 @!p0 $0xB  }
0xdf: {  	_ =	swait.ge @!p0 [sflag:s0], s1  }
0xe0: {  	s1 =	ssub.s32 @!p0 $0x0, s1;
	[sflag:s0] =	ssyncset.done @!p0 $0x0  }
0xe1: {  	[sflag:s0] =	ssyncadd.s32 @!p0 s1  }
0xe2: {  	[bflag:$0x3] =	sbarrier.arrive $0xFFFF  }
0xe3: {  	_ =	shalt  }

// kernel: kernel.14.cloned.1.call-start
scs
__scs_entry_jumppad:
0x0: {  	(pc) =	sbr.rel $0x88, $3  }
0x1: {  	(tag) =	ssettag $0x0;
	lr =	simm.s32 $0x1  }
0x2: {  	[smem:$0x3F9B] =	sst lr;
	_ =	strace $0xD0000000  }
0x3: {  	_ = 	snop  }
0x4: {  	_ = 	snop  }
0x5: {  	_ = 	snop  }
0x6: {  	_ = 	snop  }
0x7: {  	_ = 	snop  }
__scs_overlays_trampoline_lowered:
0x8: {  	[smem:$0x3FAA] =	sst s0  }
0x9: {  	[smem:$0x3FAB] =	sst s1  }
0xa: {  	[smem:$0x3FAC] =	sst s2  }
0xb: {  	[smem:$0x3FAD] =	sst s3  }
0xc: {  	[smem:$0x3FAE] =	sst s4  }
0xd: {  	[smem:$0x3FAF] =	sst s5  }
0xe: {  	[smem:$0x3FB0] =	sst s6  }
0xf: {  	[smem:$0x3FB1] =	sst s7  }
0x10: {  	[smem:$0x3FB2] =	sst s8  }
0x11: {  	[smem:$0x3FB3] =	sst s9;
	s0 =	simm.s32 @!p0 $0x0  }
0x12: {  	s1 =	sld [smem:$0x3F99];
	s0 =	simm.s32 @p0 $0x1  }
0x13: {  	[smem:$0x3FB4] =	sst s0;
	s0 =	simm.s32 @!p1 $0x0  }
0x14: {  	s2 =	sld [smem:$0x3F98];
	s0 =	simm.s32 @p1 $0x1  }
0x15: {  	[smem:$0x3FB5] =	sst s0;
	s0 =	simm.s32 @!p2 $0x0  }
0x16: {  	s3 =	sld [smem:$0x3FDB];
	s0 =	simm.s32 @p2 $0x1  }
0x17: {  	s4 =	simm.s32 $0x1BF5;
	[smem:$0x3FB7] =	sst s0  }
0x18: {  	s0 =	sld [smem:$0x3F9A];
	_ =	swait.ge [sflag:s4], $0x0  }
0x19: {  	s7 =	sld [smem:$0x3F9B]  }
0x1a: {  	s8 =	sadd.s32 $0xFFFFE003, lr  }
0x1b: {  	s9 =	sadd.s32 $0xFFFFFEF7, lr;
	s5 =	simm.s32 $0xFFFFFFFF;
	p2 =	slt.u32 s8, $0xFFFFF086  }
0x1c: {  	p1 =	slt.u32 s9, $0xF7A;
	s5 =	simm.s32 @!p2 $0x0  }
0x1d: {  	s5 =	simm.s32 @p1 $0x1;
	p0 =	seq.s32 s7, s2  }
0x1e: {  	s7 =	smul.u32 @!p0 $0xF7A, s2;
	p2 =	seq.s32 @!p0 s5, $0x0  }
0x1f: {  	s9 =	smul.u32 $0xF7A, s1;
	s8 =	simm.s32 @!p0 $0x1BF5;
	p2 =	por !p2, p0  }
0x20: {  	[sflag:s8] =	ssyncset.s32 @!p0 $0xFFFFF086;
	s6 =	sadd.s32 @!p0 s3, s7;
	s7 =	simm.s32 @!p0 $0x108  }
0x21: {  	s3 =	sadd.s32 s3, s9;
	s6 =	sadd.s32 @!p0 $0x88, s6;
	s7 =	simm.s32 @p2 $0x1082  }
0x22: {  	[simem:s7], [sflag:s8] =	dma.local @!p0 [hbm:s6], $0xF7A  }
0x23: {  	s9 =	sor.u32 $0xD0000000, s2;
	s6 =	simm.s32 $0x108;
	_ =	swait.ge @!p0 [sflag:s8], $0x0  }
0x24: {  	s3 =	sadd.s32 $0x88, s3;
	s6 =	simm.s32 @!p1 $0x1082;
	[sflag:s4] =	ssyncset.s32 $0xFFFFF086  }
0x25: {  	[simem:s6], [sflag:s4] =	dma.local [hbm:s3], $0xF7A  }
0x26: {  	[smem:$0x3F9B] =	sst s1;
	(tag) =	ssettag s2;
	_ =	strace s9  }
0x27: {  	s1 =	sld [smem:$0x3FAB]  }
0x28: {  	s2 =	sld [smem:$0x3FAC]  }
0x29: {  	s4 =	sld [smem:$0x3FAE]  }
0x2a: {  	p0 =	seq.s32 s5, $0x0;
	s5 =	sld [smem:$0x3FAF]  }
0x2b: {  	s6 =	sld [smem:$0x3FB0]  }
0x2c: {  	s7 =	sld [smem:$0x3FB1]  }
0x2d: {  	s3 =	simm.s32 $0x108;
	s8 =	sld [smem:$0x3FB2]  }
0x2e: {  	s3 =	simm.s32 @!p0 $0x1082;
	s9 =	sld [smem:$0x3FB3]  }
0x2f: {  	lr =	sadd.s32 s0, s3;
	s0 =	sld [smem:$0x3FAA]  }
0x30: {  	s3 =	sld [smem:$0x3FAD]  }
0x31: {  	[smem:$0x3FB6] =	sst s10  }
0x32: {  	s10 =	sld [smem:$0x3FB4];
	_ =	sdelay $0x3  }
0x33: {  	p0 =	seq.s32 s10, $0x1;
	s10 =	sld [smem:$0x3FB6];
	_ =	sdelay $0x3  }
0x34: {  	[smem:$0x3FB6] =	sst s10  }
0x35: {  	s10 =	sld [smem:$0x3FB5];
	_ =	sdelay $0x3  }
0x36: {  	p1 =	seq.s32 s10, $0x1;
	s10 =	sld [smem:$0x3FB6];
	_ =	sdelay $0x3  }
0x37: {  	[smem:$0x3FB6] =	sst s10  }
0x38: {  	s10 =	sld [smem:$0x3FB7]  }
0x39: {  	_ = 	snop;
	(pc) =	sbr.ind lr, $3  }
0x3a: {  	_ = 	snop  }
0x3b: {  	_ = 	snop  }
0x3c: {  	p2 =	seq.s32 s10, $0x1;
	s10 =	sld [smem:$0x3FB6]  }
0x3d: {  	_ =	shalt  }
0x3e: {  	_ =	shalt  }
0x3f: {  	_ =	shalt  }
0x40: {  	_ =	shalt  }
0x41: {  	_ =	shalt  }
0x42: {  	_ =	shalt  }
0x43: {  	_ =	shalt  }
0x44: {  	_ =	shalt  }
0x45: {  	_ =	shalt  }
0x46: {  	_ =	shalt  }
0x47: {  	_ =	shalt  }
0x48: {  	_ =	shalt  }
0x49: {  	_ =	shalt  }
0x4a: {  	_ =	shalt  }
0x4b: {  	_ =	shalt  }
0x4c: {  	_ =	shalt  }
0x4d: {  	_ =	shalt  }
0x4e: {  	_ =	shalt  }
0x4f: {  	_ =	shalt  }
0x50: {  	_ =	shalt  }
0x51: {  	_ =	shalt  }
0x52: {  	_ =	shalt  }
0x53: {  	_ =	shalt  }
0x54: {  	_ =	shalt  }
0x55: {  	_ =	shalt  }
0x56: {  	_ =	shalt  }
0x57: {  	_ =	shalt  }
0x58: {  	_ =	shalt  }
0x59: {  	_ =	shalt  }
0x5a: {  	_ =	shalt  }
0x5b: {  	_ =	shalt  }
0x5c: {  	_ =	shalt  }
0x5d: {  	_ =	shalt  }
0x5e: {  	_ =	shalt  }
0x5f: {  	_ =	shalt  }
0x60: {  	_ =	shalt  }
0x61: {  	_ =	shalt  }
0x62: {  	_ =	shalt  }
0x63: {  	_ =	shalt  }
0x64: {  	_ =	shalt  }
0x65: {  	_ =	shalt  }
0x66: {  	_ =	shalt  }
0x67: {  	_ =	shalt  }
0x68: {  	_ =	shalt  }
0x69: {  	_ =	shalt  }
0x6a: {  	_ =	shalt  }
0x6b: {  	_ =	shalt  }
0x6c: {  	_ =	shalt  }
0x6d: {  	_ =	shalt  }
0x6e: {  	_ =	shalt  }
0x6f: {  	_ =	shalt  }
0x70: {  	_ =	shalt  }
0x71: {  	_ =	shalt  }
0x72: {  	_ =	shalt  }
0x73: {  	_ =	shalt  }
0x74: {  	_ =	shalt  }
0x75: {  	_ =	shalt  }
0x76: {  	_ =	shalt  }
0x77: {  	_ =	shalt  }
0x78: {  	_ =	shalt  }
0x79: {  	_ =	shalt  }
0x7a: {  	_ =	shalt  }
0x7b: {  	_ =	shalt  }
0x7c: {  	_ =	shalt  }
0x7d: {  	_ =	shalt  }
0x7e: {  	_ =	shalt  }
0x7f: {  	_ =	shalt  }
0x80: {  	_ =	shalt  }
0x81: {  	_ =	shalt  }
0x82: {  	_ =	shalt  }
0x83: {  	_ =	shalt  }
0x84: {  	_ =	shalt  }
0x85: {  	_ =	shalt  }
0x86: {  	_ =	shalt  }
0x87: {  	_ =	shalt  }
.Lfunc_end0:
.L_simem_size_0:
called_computation.2_lowered:
.L_overlay_start_0:
0x88: {  	s2 =	sld [smem:$0x3FD9]  }
0x89: {  	s3 =	sld [smem:$0x3FFE];
	_ =	sdelay $0x1  }
0x8a: {  	s1 =	srdreg.scid  }
0x8b: {  	s0 =	sand.u32 $0x1, s1  }
0x8c: {  	s16 =	sshll.u32 s0, $0xA;
	s2 =	sadd.s32 s3, s2  }
0x8d: {  	s2 =	sadd.s32 s2, s16  }
0x8e: {  	[smem:$0x3FC2] =	sst s2  }
0x8f: {  	_ = 	snop  }
0x90: {  	(tm) =	ssettm $0x1  }
0x91: {  	s17 =	sld [smem:$0x3FFB];
	_ =	sdelay $0x3  }
0x92: {  	_ =	strace s17  }
0x93: {  	s2 =	sld [smem:$0x3FFC];
	_ =	sdelay $0x3  }
0x94: {  	_ =	strace s2  }
0x95: {  	s2 =	sld [smem:$0x3FFD];
	_ =	sdelay $0x3  }
0x96: {  	_ =	strace s2  }
0x97: {  	_ =	strace $0x8FFFFFFF  }
0x98: {  	s18 =	sld [smem:$0x3FDB];
	_ =	sdelay $0x1  }
0x99: {  	s19 =	simm.s32 $_scs_section_size  }
0x9a: {  	s4 =	simm.s32 $_size__tile_overlayer_lowered;
	s5 =	simm.s32 $_tile_overlayer_lowered  }
0x9b: {  	s22 =	simm.s32 $0x1BFF;
	s21 =	sshll.u32 s5, $0x1;
	s2 =	sadd.s32 s19, s18  }
0x9c: {  	s6 =	simm.s32 $0x0;
	s20 =	sshll.u32 s4, $0x1;
	s4 =	sadd.s32 s21, s2  }
0x9d: {  	[timem:s6], [sflag:s22] =	dma.local [hbm:s4], s20  }
0x9e: {  	_ =	swait.ge [sflag:s22], s20  }
0x9f: {  	s3 =	ssub.s32 $0x0, s20;
	[sflag:s22] =	ssyncset.done $0x0  }
0xa0: {  	[sflag:s22] =	ssyncadd.s32 s3;
	_ =	sdelay $0x1  }
0xa1: {  	s23 =	simm.s32 $0x1B8B  }
0xa2: {  	_ =	swait.ge [sflag:s23], $0x1  }
0xa3: {  	[sflag:s23] =	ssyncset.done $0x0  }
0xa4: {  	s25 =	simm.s32 $0x1B8E;
	s24 =	sld [smem:$0x3FFE];
	[sflag:s23] =	ssyncadd.s32 $0xFFFFFFFF  }
0xa5: {  	s26 =	simm.s32 $execute0_lowered;
	[smem:$0x3FD2] =	sst s25  }
0xa6: {  	s4 =	sshll.u32 s26, $0x1;
	_ =	strace $0x8000004C;
	[dreg:$0x1] =	wrdreg $0xFFFFFFFF  }
0xa7: {  	s28 =	simm.s32 $_size_execute0_lowered;
	s2 =	sadd.s32 s2, s4;
	[dreg:$0x0] =	wrdreg $0x0  }
0xa8: {  	s4 =	sshll.u32 s28, $0x1;
	[dreg:$0x2] =	wrdreg s2  }
0xa9: {  	[dreg:$0x3] =	wrdreg s4  }
0xaa: {  	[dreg:$0x4] =	wrdreg $0xC0  }
0xab: {  	_ =	task [dreg:s6], $0x5FFFF  }
0xac: {  	[dreg:$0x1] =	wrdreg $0xFFFFFFFF  }
0xad: {  	[dreg:$0x0] =	wrdreg $0x60  }
0xae: {  	[dreg:$0x2] =	wrdreg s24  }
0xaf: {  	[dreg:$0x3] =	wrdreg $0xC8000  }
0xb0: {  	[dreg:$0x4] =	wrdreg $0x9  }
0xb1: {  	_ =	task.clear_ibuf [dreg:s6], $0x5FFFF;
	_ =	strace $0x9000004C  }
0xb2: {  	s29 =	simm.s32 $0x9;
	_ =	strace $0x8000004E  }
0xb3: {  	_ =	swait.ge [sflag:s29], $0x1  }
0xb4: {  	[sflag:s29] =	ssyncadd.s32 $0xFFFFFFFF  }
0xb5: {  	_ =	strace $0x9000004E  }
0xb6: {  	_ =	sfence  }
0xb7: {  	s30 =	sld [smem:$0x0];
	_ =	sdelay $0x2  }
0xb8: {  	s31 =	sshll.u32 s1, $0xD;
	s1 =	sshrl.u32 s1, $0x2  }
0xb9: {  	s3 =	sand.u32 $0x4000, s31;
	s1 =	sadd.s32 s1, s30  }
0xba: {  	s0 =	sor.u32 s3, s0;
	s1 =	sshll.u32 s1, $0x11  }
0xbb: {  	s0 =	sor.u32 s1, s0  }
0xbc: {  	s0 =	sadd.s32 $0x8F2B, s0  }
0xbd: {  	[sflag:s0] =	ssyncadd.remote.s32 $0x1  }
0xbe: {  	_ =	sfence.sel $0xFFFF  }
0xbf: {  	[dreg:$0x0] =	wrdreg $0xFFFFFFFF;
	(pc) =	sbr.abs _section_cstart, $3  }
0xc0: {  	[dreg:$0x1] =	wrdreg $0xFFFFFFFF  }
0xc1: {  	_ =	task.clear_ibuf [dreg:s6], $0x2FFFF;
	_ =	strace $0x9FFFFFFF  }
0xc2: {  	(tm) =	ssettm $0x7FFFFFFF  }
0xc3: {  	_ =	shalt  }
tec
execute0_lowered:
.L_overlay_start_1:
0x0: {  	(tag) =	ssettag $0x1  }
0x1: {  	s0 =	rddreg [dreg:$0x0]  }
0x2: {  	s1 =	rddreg [dreg:$0x1];
	s2 =	srdreg.scid;
	s3 =	simm.s32 $0x0  }
0x3: {  	s8 =	stileid.u32;
	s14 =	simm.s32 $0xA000;
	s15 =	simm.s32 $0xB  }
0x4: {  	s17 =	simm.s32 $0x80;
	s18 =	simm.s32 $0xA800;
	s20 =	simm.s32 $0xB000  }
0x5: {  	s22 =	simm.s32 $0xB800;
	s28 =	simm.s32 $0x2;
	s29 =	simm.s32 $0x3  }
0x6: {  	s30 =	simm.s32 $0x4;
	s31 =	simm.s32 $0x5;
	s16 =	simm.s32 $0x7  }
0x7: {  	s19 =	simm.s32 $0x8;
	s21 =	simm.s32 $0x9;
	s6 =	smul.u32 $0x2800, s8  }
0x8: {  	s23 =	simm.s32 $0xA;
	s2 =	sand.u32 $0x1, s2;
	s7 =	smul.u32 $0xA00, s8  }
0x9: {  	[smem:$0x7FF] =	sst s3;
	s4 =	sadd.s32 $0x3E200, s0;
	s8 =	smul.u32 $0xA000, s8  }
0xa: {  	s5 =	smul.u32 $0x28000, s2;
	_ =	strace $0x8000004D;
	s9 =	ssub.s32 $0x2, s2  }
0xb: {  	s2 =	smul.u32 $0x2800, s2;
	s7 =	sadd.s32 s7, s0;
	s24 =	sshrl.u32 s9, $0x1  }
0xc: {  	s8 =	sshrl.u32 s8, $0x2;
	s26 =	sadd.s32 s6, s1;
	s5 =	sadd.s32 s6, s5  }
0xd: {  	s9 =	ssub.s32 s9, s24;
	s25 =	sadd.s32 $0xC200, s7;
	s7 =	sadd.s32 $0x2200, s7  }
0xe: {  	s24 =	sshrl.u32 s26, $0x3;
	s26 =	simm.s32 $0x1;
	[dreg:$0x3] =	wrdreg s25  }
0xf: {  	s5 =	sshrl.u32 s5, $0x3;
	[dreg:$0x4] =	wrdreg s7;
	s9 =	smax.u32 s9, $0x1  }
0x10: {  	s25 =	simm.s32 $0xC000;
	s0 =	sadd.s32 s5, s0;
	s5 =	sadd.s32 s8, s1  }
0x11: {  	s8 =	sadd.s32 $0x48200, s0;
	s10 =	sadd.s32 $0x800, s5;
	s11 =	sadd.s32 $0x1000, s5  }
0x12: {  	v1 =	vimm.f32 $0.0e+00;
	v0 =	vmov s2;
	s12 =	sadd.s32 $0x1800, s5;
	s13 =	sadd.s32 $0x2000, s5;
	s0 =	simm.s32 $0x6  }
.LBB2_1:
0x13: {  	s2 =	simm.s32 $0x40;
	s6 =	simm.s32 $0x0  }
.LBB2_2:
0x14: {  	p0 =	sne.s32 s2, $0x1FC0;
	[tilespmem:s6+$0xA000] =	vst v1;
	s6 =	smov.u32 s2;
	s2 =	sadd.s32 $0x40, s2  }
.Ltmp0:
0x15: {  	(pc) =	sbr.rel @p0 .LBB2_2-.Ltmp0, $2  }
0x16: {  	_ =	sdelay $0x2  }
0x17: {  	s6 =	sshra.s32 s6, $0x2  }
0x18: {  	[tilespmem:s6+$0xA000] =	vst v1  }
0x19: {  	[spmem:s5] =	stream.linear.scatter [tilespmem:s14], [sflag:$0xB], $0x800, $0x38;
	[tilespmem:$0xF000] =	vst v63  }
0x1a: {  	_ =	swait.ge [sflag:s15], $0x800  }
0x1b: {  	[sflag:s15] =	ssyncset.done $0x0  }
0x1c: {  	[sflag:s15] =	ssyncadd.s32 $0xFFFFF800  }
0x1d: {  	[spmem:s10] =	stream.linear.scatter [tilespmem:s14], [sflag:$0xB], $0x800, $0x38;
	[tilespmem:$0xF000] =	vst v63  }
0x1e: {  	_ =	swait.ge [sflag:s15], $0x800  }
0x1f: {  	[sflag:s15] =	ssyncset.done $0x0  }
0x20: {  	[sflag:s15] =	ssyncadd.s32 $0xFFFFF800  }
0x21: {  	[spmem:s11] =	stream.linear.scatter [tilespmem:s14], [sflag:$0xB], $0x800, $0x38;
	[tilespmem:$0xF000] =	vst v63  }
0x22: {  	_ =	swait.ge [sflag:s15], $0x800  }
0x23: {  	[sflag:s15] =	ssyncset.done $0x0  }
0x24: {  	[sflag:s15] =	ssyncadd.s32 $0xFFFFF800  }
0x25: {  	[spmem:s12] =	stream.linear.scatter [tilespmem:s14], [sflag:$0xB], $0x800, $0x38;
	[tilespmem:$0xF000] =	vst v63  }
0x26: {  	_ =	swait.ge [sflag:s15], $0x800  }
0x27: {  	[sflag:s15] =	ssyncset.done $0x0  }
0x28: {  	[sflag:s15] =	ssyncadd.s32 $0xFFFFF800  }
0x29: {  	[spmem:s13] =	stream.linear.scatter [tilespmem:s14], [sflag:$0xB], $0x800, $0x38;
	[tilespmem:$0xF000] =	vst v63  }
0x2a: {  	_ =	swait.ge [sflag:s15], $0x800  }
0x2b: {  	[sflag:s15] =	ssyncset.done $0x0  }
0x2c: {  	s2 =	simm.s32 $0x0;
	s7 =	rddreg [dreg:$0x3];
	[sflag:s15] =	ssyncadd.s32 $0xFFFFF800  }
0x2d: {  	[tilespmem:s2], [sflag:$0xB] =	stream.linear.gather [hbm4b:s7+s2], $0x5000, $0x38;
	[tilespmem:$0xF000] =	vst v63  }
0x2e: {  	_ =	swait.ge [sflag:s15], $0x5000  }
0x2f: {  	[sflag:s15] =	ssyncset.done $0x0  }
0x30: {  	s7 =	simm.s32 $0x5000;
	s6 =	rddreg [dreg:$0x4];
	[sflag:s15] =	ssyncadd.s32 $0xFFFFB000  }
0x31: {  	[tilespmem:s7], [sflag:$0xB] =	stream.linear.gather [hbm4b:s6+s2], $0x5000, $0x38;
	[tilespmem:$0xF000] =	vst v63  }
0x32: {  	_ =	swait.ge [sflag:s15], $0x5000  }
0x33: {  	[sflag:s15] =	ssyncset.done $0x0  }
0x34: {  	s2 =	simm.s32 $0x0;
	[sflag:s15] =	ssyncadd.s32 $0xFFFFB000  }
0x35: {  	v4 =	vld [tilespmem:s2+$0x0]  }
0x36: {  	v6 =	vld [tilespmem:s2+$0x10]  }
0x37: {  	v5 =	vld [tilespmem:s2+$0x20]  }
0x38: {  	v3 =	vld [tilespmem:s2+$0x30]  }
0x39: {  	v2 =	vld [tilespmem:s2+$0x40]  }
0x3a: {  	v7 =	vadd.s32 v0, v4;
	v4 =	vld [tilespmem:s2+$0x50]  }
0x3b: {  	s6 =	simm.s32 $0x200;
	[tilespmem:s2+$0x0] =	vst v7;
	v7 =	vadd.s32 v0, v6;
	v6 =	vld [tilespmem:s2+$0x60]  }
.LBB2_4:
0x3c: {  	s7 =	sshra.s32 s6, $0x2;
	p0 =	sne.s32 s6, $0x13E00;
	[tilespmem:s2+$0x10] =	vst v7;
	v5 =	vadd.s32 v0, v5;
	v7 =	vld [tilespmem:s2+$0x70]  }
0x3d: {  	v8 =	vld [tilespmem:s7+$0x0];
	[tilespmem:s2+$0x20] =	vst v5;
	v3 =	vadd.s32 v0, v3  }
0x3e: {  	v9 =	vld [tilespmem:s7+$0x10];
	[tilespmem:s2+$0x30] =	vst v3;
	v2 =	vadd.s32 v0, v2  }
.Ltmp1:
0x3f: {  	v5 =	vld [tilespmem:s7+$0x20];
	[tilespmem:s2+$0x40] =	vst v2;
	v2 =	vadd.s32 v0, v4;
	(pc) =	sbr.rel @p0 .LBB2_4-.Ltmp1, $4  }
0x40: {  	v3 =	vld [tilespmem:s7+$0x30];
	[tilespmem:s2+$0x50] =	vst v2;
	v4 =	vadd.s32 v0, v6  }
0x41: {  	v2 =	vld [tilespmem:s7+$0x40];
	[tilespmem:s2+$0x60] =	vst v4;
	v6 =	vadd.s32 v0, v7  }
0x42: {  	v7 =	vadd.s32 v0, v8;
	v4 =	vld [tilespmem:s7+$0x50];
	[tilespmem:s2+$0x70] =	vst v6;
	s2 =	smov.u32 s7  }
0x43: {  	s6 =	sadd.s32 $0x200, s6;
	[tilespmem:s2+$0x0] =	vst v7;
	v7 =	vadd.s32 v0, v9;
	v6 =	vld [tilespmem:s2+$0x60]  }
0x44: {  	[tilespmem:s2+$0x10] =	vst v7;
	v5 =	vadd.s32 v0, v5;
	v63 =	vld [tilespmem:s2+$0x70]  }
0x45: {  	[tilespmem:s2+$0x20] =	vst v5;
	v3 =	vadd.s32 v0, v3  }
0x46: {  	[tilespmem:s2+$0x30] =	vst v3;
	v2 =	vadd.s32 v0, v2  }
0x47: {  	[tilespmem:s2+$0x40] =	vst v2;
	v2 =	vadd.s32 v0, v4  }
0x48: {  	[tilespmem:s2+$0x50] =	vst v2;
	v2 =	vadd.s32 v0, v6  }
0x49: {  	[tilespmem:s2+$0x60] =	vst v2;
	v2 =	vadd.s32 v0, v63  }
0x4a: {  	[tilespmem:s2+$0x70] =	vst v2  }
0x4b: {  	s7 =	simm.s32 $0x0;
	[bflag:$0x0] =	sbarrier.arrive $0xFFFF  }
0x4c: {  	[tilespmem:s14], [sflag:$0x1] =	stream.indirect.gather [hbm4b:s4+s17], $0x10, s7, s17, $0xb8;
	[tilespmem:$0xF000] =	vst v63  }
0x4d: {  	_ = 	snop  }
0x4e: {  	[tilespmem:s18], [sflag:$0x2] =	stream.indirect.gather [hbm4b:s4+s17], $0x10, s17, s17, $0xb8;
	[tilespmem:$0xF000] =	vst v63  }
0x4f: {  	s6 =	simm.s32 $0x100  }
0x50: {  	[tilespmem:s20], [sflag:$0x3] =	stream.indirect.gather [hbm4b:s4+s17], $0x10, s6, s17, $0xb8;
	[tilespmem:$0xF000] =	vst v63  }
0x51: {  	s7 =	simm.s32 $0x180  }
0x52: {  	[tilespmem:s22], [sflag:$0x4] =	stream.indirect.gather [hbm4b:s4+s17], $0x10, s7, s17, $0xb8;
	[tilespmem:$0xF000] =	vst v63  }
0x53: {  	s6 =	simm.s32 $0x200  }
0x54: {  	[tilespmem:s25], [sflag:$0x5] =	stream.indirect.gather [hbm4b:s4+s17], $0x10, s6, s17, $0xb8;
	[tilespmem:$0xF000] =	vst v63  }
0x55: {  	_ =	swait.ge [sflag:s26], $0x800  }
0x56: {  	[sflag:s26] =	ssyncset.done $0x0  }
0x57: {  	s7 =	simm.s32 $0x5000;
	[sflag:s26] =	ssyncadd.s32 $0xFFFFF800  }
0x58: {  	[spmem:s1] =	stream.indirect.scatter.add.f32 [tilespmem:s14], [sflag:$0x6], $0x10, s7, s17, $0xb8;
	[tilespmem:$0xF000] =	vst v63  }
0x59: {  	_ =	swait.ge [sflag:s28], $0x800  }
0x5a: {  	[sflag:s28] =	ssyncset.done $0x0  }
0x5b: {  	s6 =	simm.s32 $0x5080;
	[sflag:s28] =	ssyncadd.s32 $0xFFFFF800  }
0x5c: {  	[spmem:s1] =	stream.indirect.scatter.add.f32 [tilespmem:s18], [sflag:$0x7], $0x10, s6, s17, $0xb8;
	[tilespmem:$0xF000] =	vst v63  }
0x5d: {  	_ =	swait.ge [sflag:s29], $0x800  }
0x5e: {  	[sflag:s29] =	ssyncset.done $0x0  }
0x5f: {  	s7 =	simm.s32 $0x5100;
	[sflag:s29] =	ssyncadd.s32 $0xFFFFF800  }
0x60: {  	[spmem:s1] =	stream.indirect.scatter.add.f32 [tilespmem:s20], [sflag:$0x8], $0x10, s7, s17, $0xb8;
	[tilespmem:$0xF000] =	vst v63  }
0x61: {  	_ =	swait.ge [sflag:s30], $0x800  }
0x62: {  	[sflag:s30] =	ssyncset.done $0x0  }
0x63: {  	s6 =	simm.s32 $0x5180;
	[sflag:s30] =	ssyncadd.s32 $0xFFFFF800  }
0x64: {  	[spmem:s1] =	stream.indirect.scatter.add.f32 [tilespmem:s22], [sflag:$0x9], $0x10, s6, s17, $0xb8;
	[tilespmem:$0xF000] =	vst v63  }
0x65: {  	_ =	swait.ge [sflag:s31], $0x800  }
0x66: {  	[sflag:s31] =	ssyncset.done $0x0  }
0x67: {  	s7 =	simm.s32 $0x5200;
	[sflag:s31] =	ssyncadd.s32 $0xFFFFF800  }
0x68: {  	[spmem:s1] =	stream.indirect.scatter.add.f32 [tilespmem:s25], [sflag:$0xA], $0x10, s7, s17, $0xb8;
	[tilespmem:$0xF000] =	vst v63  }
0x69: {  	_ =	swait.ge [sflag:s0], $0x800  }
0x6a: {  	[sflag:s0] =	ssyncset.done $0x0  }
0x6b: {  	s6 =	simm.s32 $0x280;
	[sflag:s0] =	ssyncadd.s32 $0xFFFFF800  }
0x6c: {  	[tilespmem:s14], [sflag:$0x1] =	stream.indirect.gather [hbm4b:s4+s17], $0x10, s6, s17, $0xb8;
	[tilespmem:$0xF000] =	vst v63  }
0x6d: {  	_ =	swait.ge [sflag:s16], $0x800  }
0x6e: {  	[sflag:s16] =	ssyncset.done $0x0  }
0x6f: {  	s7 =	simm.s32 $0x300;
	[sflag:s16] =	ssyncadd.s32 $0xFFFFF800  }
0x70: {  	[tilespmem:s18], [sflag:$0x2] =	stream.indirect.gather [hbm4b:s4+s17], $0x10, s7, s17, $0xb8;
	[tilespmem:$0xF000] =	vst v63  }
0x71: {  	_ =	swait.ge [sflag:s19], $0x800  }
0x72: {  	[sflag:s19] =	ssyncset.done $0x0  }
0x73: {  	s6 =	simm.s32 $0x380;
	[sflag:s19] =	ssyncadd.s32 $0xFFFFF800  }
0x74: {  	[tilespmem:s20], [sflag:$0x3] =	stream.indirect.gather [hbm4b:s4+s17], $0x10, s6, s17, $0xb8;
	[tilespmem:$0xF000] =	vst v63  }
0x75: {  	_ =	swait.ge [sflag:s21], $0x800  }
0x76: {  	[sflag:s21] =	ssyncset.done $0x0  }
0x77: {  	s7 =	simm.s32 $0x400;
	[sflag:s21] =	ssyncadd.s32 $0xFFFFF800  }
0x78: {  	[tilespmem:s22], [sflag:$0x4] =	stream.indirect.gather [hbm4b:s4+s17], $0x10, s7, s17, $0xb8;
	[tilespmem:$0xF000] =	vst v63  }
0x79: {  	_ =	swait.ge [sflag:s23], $0x800  }
0x7a: {  	[sflag:s23] =	ssyncset.done $0x0  }
0x7b: {  	s2 =	simm.s32 $0xA00;
	s6 =	simm.s32 $0x480;
	[sflag:s23] =	ssyncadd.s32 $0xFFFFF800  }
.LBB2_6:
0x7c: {  	[tilespmem:s25], [sflag:$0x5] =	stream.indirect.gather [hbm4b:s4+s17], $0x10, s6, s17, $0xb8;
	[tilespmem:$0xF000] =	vst v63  }
0x7d: {  	s6 =	smov.u32 s2  }
0x7e: {  	p0 =	sne.s32 s2, $0x12C00;
	s2 =	sadd.s32 $0xA00, s2;
	_ =	swait.ge [sflag:s26], $0x800  }
0x7f: {  	s6 =	sshra.s32 s6, $0x2;
	[sflag:s26] =	ssyncset.done $0x0  }
0x80: {  	s7 =	sadd.s32 $0x5000, s6;
	[sflag:s26] =	ssyncadd.s32 $0xFFFFF800  }
0x81: {  	[spmem:s1] =	stream.indirect.scatter.add.f32 [tilespmem:s14], [sflag:$0x6], $0x10, s7, s17, $0xb8;
	[tilespmem:$0xF000] =	vst v63  }
0x82: {  	_ =	swait.ge [sflag:s28], $0x800  }
0x83: {  	[sflag:s28] =	ssyncset.done $0x0  }
0x84: {  	s7 =	sadd.s32 $0x5080, s6;
	[sflag:s28] =	ssyncadd.s32 $0xFFFFF800  }
0x85: {  	[spmem:s1] =	stream.indirect.scatter.add.f32 [tilespmem:s18], [sflag:$0x7], $0x10, s7, s17, $0xb8;
	[tilespmem:$0xF000] =	vst v63  }
0x86: {  	_ =	swait.ge [sflag:s29], $0x800  }
0x87: {  	[sflag:s29] =	ssyncset.done $0x0  }
0x88: {  	s7 =	sadd.s32 $0x5100, s6;
	[sflag:s29] =	ssyncadd.s32 $0xFFFFF800  }
0x89: {  	[spmem:s1] =	stream.indirect.scatter.add.f32 [tilespmem:s20], [sflag:$0x8], $0x10, s7, s17, $0xb8;
	[tilespmem:$0xF000] =	vst v63  }
0x8a: {  	_ =	swait.ge [sflag:s30], $0x800  }
0x8b: {  	[sflag:s30] =	ssyncset.done $0x0  }
0x8c: {  	s7 =	sadd.s32 $0x5180, s6;
	[sflag:s30] =	ssyncadd.s32 $0xFFFFF800  }
0x8d: {  	[spmem:s1] =	stream.indirect.scatter.add.f32 [tilespmem:s22], [sflag:$0x9], $0x10, s7, s17, $0xb8;
	[tilespmem:$0xF000] =	vst v63  }
0x8e: {  	_ =	swait.ge [sflag:s31], $0x800  }
0x8f: {  	[sflag:s31] =	ssyncset.done $0x0  }
0x90: {  	s7 =	sadd.s32 $0x5200, s6;
	[sflag:s31] =	ssyncadd.s32 $0xFFFFF800  }
0x91: {  	[spmem:s1] =	stream.indirect.scatter.add.f32 [tilespmem:s25], [sflag:$0xA], $0x10, s7, s17, $0xb8;
	[tilespmem:$0xF000] =	vst v63  }
0x92: {  	_ =	swait.ge [sflag:s0], $0x800  }
0x93: {  	[sflag:s0] =	ssyncset.done $0x0  }
0x94: {  	s7 =	sadd.s32 $0x280, s6;
	[sflag:s0] =	ssyncadd.s32 $0xFFFFF800  }
0x95: {  	[tilespmem:s14], [sflag:$0x1] =	stream.indirect.gather [hbm4b:s4+s17], $0x10, s7, s17, $0xb8;
	[tilespmem:$0xF000] =	vst v63  }
0x96: {  	_ =	swait.ge [sflag:s16], $0x800  }
0x97: {  	[sflag:s16] =	ssyncset.done $0x0  }
0x98: {  	s7 =	sadd.s32 $0x300, s6;
	[sflag:s16] =	ssyncadd.s32 $0xFFFFF800  }
0x99: {  	[tilespmem:s18], [sflag:$0x2] =	stream.indirect.gather [hbm4b:s4+s17], $0x10, s7, s17, $0xb8;
	[tilespmem:$0xF000] =	vst v63  }
0x9a: {  	_ =	swait.ge [sflag:s19], $0x800  }
0x9b: {  	[sflag:s19] =	ssyncset.done $0x0  }
0x9c: {  	s7 =	sadd.s32 $0x380, s6;
	[sflag:s19] =	ssyncadd.s32 $0xFFFFF800  }
0x9d: {  	[tilespmem:s20], [sflag:$0x3] =	stream.indirect.gather [hbm4b:s4+s17], $0x10, s7, s17, $0xb8;
	[tilespmem:$0xF000] =	vst v63  }
0x9e: {  	_ =	swait.ge [sflag:s21], $0x800  }
0x9f: {  	[sflag:s21] =	ssyncset.done $0x0  }
.Ltmp2:
0xa0: {  	s7 =	sadd.s32 $0x400, s6;
	[sflag:s21] =	ssyncadd.s32 $0xFFFFF800;
	(pc) =	sbr.rel @p0 .LBB2_6-.Ltmp2, $4  }
0xa1: {  	[tilespmem:s22], [sflag:$0x4] =	stream.indirect.gather [hbm4b:s4+s17], $0x10, s7, s17, $0xb8;
	[tilespmem:$0xF000] =	vst v63  }
0xa2: {  	_ =	swait.ge [sflag:s23], $0x800  }
0xa3: {  	[sflag:s23] =	ssyncset.done $0x0  }
0xa4: {  	s6 =	sadd.s32 $0x480, s6;
	[sflag:s23] =	ssyncadd.s32 $0xFFFFF800  }
0xa5: {  	[tilespmem:s25], [sflag:$0x5] =	stream.indirect.gather [hbm4b:s4+s17], $0x10, s6, s17, $0xb8;
	[tilespmem:$0xF000] =	vst v63  }
0xa6: {  	_ =	swait.ge [sflag:s26], $0x800  }
0xa7: {  	[sflag:s26] =	ssyncset.done $0x0  }
0xa8: {  	s2 =	simm.s32 $0x9D80;
	[sflag:s26] =	ssyncadd.s32 $0xFFFFF800  }
0xa9: {  	[spmem:s1] =	stream.indirect.scatter.add.f32 [tilespmem:s14], [sflag:$0x6], $0x10, s2, s17, $0xb8;
	[tilespmem:$0xF000] =	vst v63  }
0xaa: {  	_ =	swait.ge [sflag:s28], $0x800  }
0xab: {  	[sflag:s28] =	ssyncset.done $0x0  }
0xac: {  	s7 =	simm.s32 $0x9E00;
	[sflag:s28] =	ssyncadd.s32 $0xFFFFF800  }
0xad: {  	[spmem:s1] =	stream.indirect.scatter.add.f32 [tilespmem:s18], [sflag:$0x7], $0x10, s7, s17, $0xb8;
	[tilespmem:$0xF000] =	vst v63  }
0xae: {  	_ =	swait.ge [sflag:s29], $0x800  }
0xaf: {  	[sflag:s29] =	ssyncset.done $0x0  }
0xb0: {  	s6 =	simm.s32 $0x9E80;
	[sflag:s29] =	ssyncadd.s32 $0xFFFFF800  }
0xb1: {  	[spmem:s1] =	stream.indirect.scatter.add.f32 [tilespmem:s20], [sflag:$0x8], $0x10, s6, s17, $0xb8;
	[tilespmem:$0xF000] =	vst v63  }
0xb2: {  	_ =	swait.ge [sflag:s30], $0x800  }
0xb3: {  	[sflag:s30] =	ssyncset.done $0x0  }
0xb4: {  	s7 =	simm.s32 $0x9F00;
	[sflag:s30] =	ssyncadd.s32 $0xFFFFF800  }
0xb5: {  	[spmem:s1] =	stream.indirect.scatter.add.f32 [tilespmem:s22], [sflag:$0x9], $0x10, s7, s17, $0xb8;
	[tilespmem:$0xF000] =	vst v63  }
0xb6: {  	_ =	swait.ge [sflag:s31], $0x800  }
0xb7: {  	[sflag:s31] =	ssyncset.done $0x0  }
0xb8: {  	s6 =	simm.s32 $0x9F80;
	[sflag:s31] =	ssyncadd.s32 $0xFFFFF800  }
0xb9: {  	[spmem:s1] =	stream.indirect.scatter.add.f32 [tilespmem:s25], [sflag:$0xA], $0x10, s6, s17, $0xb8;
	[tilespmem:$0xF000] =	vst v63  }
0xba: {  	_ =	swait.ge [sflag:s0], $0x800  }
0xbb: {  	[sflag:s0] =	ssyncset.done $0x0  }
0xbc: {  	[sflag:s0] =	ssyncadd.s32 $0xFFFFF800  }
0xbd: {  	_ =	swait.ge [sflag:s16], $0x800  }
0xbe: {  	[sflag:s16] =	ssyncset.done $0x0  }
0xbf: {  	[sflag:s16] =	ssyncadd.s32 $0xFFFFF800  }
0xc0: {  	_ =	swait.ge [sflag:s19], $0x800  }
0xc1: {  	[sflag:s19] =	ssyncset.done $0x0  }
0xc2: {  	[sflag:s19] =	ssyncadd.s32 $0xFFFFF800  }
0xc3: {  	_ =	swait.ge [sflag:s21], $0x800  }
0xc4: {  	[sflag:s21] =	ssyncset.done $0x0  }
0xc5: {  	[sflag:s21] =	ssyncadd.s32 $0xFFFFF800  }
0xc6: {  	_ =	swait.ge [sflag:s23], $0x800  }
0xc7: {  	s3 =	sadd.s32 $0x1, s3;
	s7 =	stileid.u32;
	[sflag:s23] =	ssyncset.done $0x0  }
0xc8: {  	p0 =	sne.s32 s3, s9;
	s2 =	sshll.u32 s7, $0x6;
	[sflag:s23] =	ssyncadd.s32 $0xFFFFF800  }
.Ltmp3:
0xc9: {  	s2 =	sor.u32 $0x1C0B, s2;
	[bflag:$0x0] =	sbarrier.arrive $0xFFFF;
	(pc) =	sbr.rel @p0 .LBB2_1-.Ltmp3, $4  }
0xca: {  	[hbm:s8], [sflag:s2] =	dma.local [spmem:s24], $0x500  }
0xcb: {  	_ =	swait.ge [sflag:s15], $0x500  }
0xcc: {  	[sflag:s15] =	ssyncset.done $0x0  }
0xcd: {  	[sflag:s15] =	ssyncadd.s32 $0xFFFFFB00  }
0xce: {  	_ =	sfence.sel $0x180000  }
0xcf: {  	[bflag:$0x0] =	sbarrier.arrive $0xFFFF  }
0xd0: {  	_ =	strace $0x9000004D  }
0xd1: {  	s0 =	stileid.u32;
	[bflag:$0x2] =	sbarrier.arrive $0xFFFF  }
0xd2: {  	p0 =	sne.s32 s0, $0x0;
	s0 =	rddreg [dreg:$0x2]  }
0xd3: {  	s0 =	sadd.s32 @!p0 $0x100000, s0  }
0xd4: {  	[sflag:s0] =	ssyncadd.tile.s32 @!p0 $0x1;
	_ =	shalt  }
.Lfunc_end2:
_tile_overlayer_lowered:
.L_overlay_start_2:
0xd5: {  	(tag) =	ssettag $0x2  }
0xd6: {  	s0 =	rddreg [dreg:$0x0];
	s2 =	stileid.u32  }
0xd7: {  	s1 =	rddreg [dreg:$0x1];
	p0 =	sne.s32 s2, $0x0  }
0xd8: {  	s3 =	rddreg [dreg:$0x2];
	[bflag:$0x3] =	sbarrier.arrive $0xFFFF;
	s2 =	simm.s32 @!p0 $0x1C0B  }
0xd9: {  	[timem:s3], [sflag:s2] =	dma.local @!p0 [hbm:s0], s1  }
0xda: {  	s0 =	simm.s32 @!p0 $0xB  }
0xdb: {  	_ =	swait.ge @!p0 [sflag:s0], s1  }
0xdc: {  	s1 =	ssub.s32 @!p0 $0x0, s1;
	[sflag:s0] =	ssyncset.done @!p0 $0x0  }
0xdd: {  	[sflag:s0] =	ssyncadd.s32 @!p0 s1  }
0xde: {  	[bflag:$0x3] =	sbarrier.arrive $0xFFFF  }
0xdf: {  	_ =	shalt  }

// kernel: kernel.8.cloned.1.call-start
scs
__scs_entry_jumppad:
0x0: {  	(pc) =	sbr.rel $0x88, $3  }
0x1: {  	(tag) =	ssettag $0x0;
	lr =	simm.s32 $0x1  }
0x2: {  	[smem:$0x3F9B] =	sst lr;
	_ =	strace $0xD0000000  }
0x3: {  	_ = 	snop  }
0x4: {  	_ = 	snop  }
0x5: {  	_ = 	snop  }
0x6: {  	_ = 	snop  }
0x7: {  	_ = 	snop  }
__scs_overlays_trampoline_lowered:
0x8: {  	[smem:$0x3FAA] =	sst s0  }
0x9: {  	[smem:$0x3FAB] =	sst s1  }
0xa: {  	[smem:$0x3FAC] =	sst s2  }
0xb: {  	[smem:$0x3FAD] =	sst s3  }
0xc: {  	[smem:$0x3FAE] =	sst s4  }
0xd: {  	[smem:$0x3FAF] =	sst s5  }
0xe: {  	[smem:$0x3FB0] =	sst s6  }
0xf: {  	[smem:$0x3FB1] =	sst s7  }
0x10: {  	[smem:$0x3FB2] =	sst s8  }
0x11: {  	[smem:$0x3FB3] =	sst s9;
	s0 =	simm.s32 @!p0 $0x0  }
0x12: {  	s1 =	sld [smem:$0x3F99];
	s0 =	simm.s32 @p0 $0x1  }
0x13: {  	[smem:$0x3FB4] =	sst s0;
	s0 =	simm.s32 @!p1 $0x0  }
0x14: {  	s2 =	sld [smem:$0x3F98];
	s0 =	simm.s32 @p1 $0x1  }
0x15: {  	[smem:$0x3FB5] =	sst s0;
	s0 =	simm.s32 @!p2 $0x0  }
0x16: {  	s3 =	sld [smem:$0x3FDB];
	s0 =	simm.s32 @p2 $0x1  }
0x17: {  	s4 =	simm.s32 $0x1BF5;
	[smem:$0x3FB7] =	sst s0  }
0x18: {  	s0 =	sld [smem:$0x3F9A];
	_ =	swait.ge [sflag:s4], $0x0  }
0x19: {  	s7 =	sld [smem:$0x3F9B]  }
0x1a: {  	s8 =	sadd.s32 $0xFFFFE003, lr  }
0x1b: {  	s9 =	sadd.s32 $0xFFFFFEF7, lr;
	s5 =	simm.s32 $0xFFFFFFFF;
	p2 =	slt.u32 s8, $0xFFFFF086  }
0x1c: {  	p1 =	slt.u32 s9, $0xF7A;
	s5 =	simm.s32 @!p2 $0x0  }
0x1d: {  	s5 =	simm.s32 @p1 $0x1;
	p0 =	seq.s32 s7, s2  }
0x1e: {  	s7 =	smul.u32 @!p0 $0xF7A, s2;
	p2 =	seq.s32 @!p0 s5, $0x0  }
0x1f: {  	s9 =	smul.u32 $0xF7A, s1;
	s8 =	simm.s32 @!p0 $0x1BF5;
	p2 =	por !p2, p0  }
0x20: {  	[sflag:s8] =	ssyncset.s32 @!p0 $0xFFFFF086;
	s6 =	sadd.s32 @!p0 s3, s7;
	s7 =	simm.s32 @!p0 $0x108  }
0x21: {  	s3 =	sadd.s32 s3, s9;
	s6 =	sadd.s32 @!p0 $0x88, s6;
	s7 =	simm.s32 @p2 $0x1082  }
0x22: {  	[simem:s7], [sflag:s8] =	dma.local @!p0 [hbm:s6], $0xF7A  }
0x23: {  	s9 =	sor.u32 $0xD0000000, s2;
	s6 =	simm.s32 $0x108;
	_ =	swait.ge @!p0 [sflag:s8], $0x0  }
0x24: {  	s3 =	sadd.s32 $0x88, s3;
	s6 =	simm.s32 @!p1 $0x1082;
	[sflag:s4] =	ssyncset.s32 $0xFFFFF086  }
0x25: {  	[simem:s6], [sflag:s4] =	dma.local [hbm:s3], $0xF7A  }
0x26: {  	[smem:$0x3F9B] =	sst s1;
	(tag) =	ssettag s2;
	_ =	strace s9  }
0x27: {  	s1 =	sld [smem:$0x3FAB]  }
0x28: {  	s2 =	sld [smem:$0x3FAC]  }
0x29: {  	s4 =	sld [smem:$0x3FAE]  }
0x2a: {  	p0 =	seq.s32 s5, $0x0;
	s5 =	sld [smem:$0x3FAF]  }
0x2b: {  	s6 =	sld [smem:$0x3FB0]  }
0x2c: {  	s7 =	sld [smem:$0x3FB1]  }
0x2d: {  	s3 =	simm.s32 $0x108;
	s8 =	sld [smem:$0x3FB2]  }
0x2e: {  	s3 =	simm.s32 @!p0 $0x1082;
	s9 =	sld [smem:$0x3FB3]  }
0x2f: {  	lr =	sadd.s32 s0, s3;
	s0 =	sld [smem:$0x3FAA]  }
0x30: {  	s3 =	sld [smem:$0x3FAD]  }
0x31: {  	[smem:$0x3FB6] =	sst s10  }
0x32: {  	s10 =	sld [smem:$0x3FB4];
	_ =	sdelay $0x3  }
0x33: {  	p0 =	seq.s32 s10, $0x1;
	s10 =	sld [smem:$0x3FB6];
	_ =	sdelay $0x3  }
0x34: {  	[smem:$0x3FB6] =	sst s10  }
0x35: {  	s10 =	sld [smem:$0x3FB5];
	_ =	sdelay $0x3  }
0x36: {  	p1 =	seq.s32 s10, $0x1;
	s10 =	sld [smem:$0x3FB6];
	_ =	sdelay $0x3  }
0x37: {  	[smem:$0x3FB6] =	sst s10  }
0x38: {  	s10 =	sld [smem:$0x3FB7]  }
0x39: {  	_ = 	snop;
	(pc) =	sbr.ind lr, $3  }
0x3a: {  	_ = 	snop  }
0x3b: {  	_ = 	snop  }
0x3c: {  	p2 =	seq.s32 s10, $0x1;
	s10 =	sld [smem:$0x3FB6]  }
0x3d: {  	_ =	shalt  }
0x3e: {  	_ =	shalt  }
0x3f: {  	_ =	shalt  }
0x40: {  	_ =	shalt  }
0x41: {  	_ =	shalt  }
0x42: {  	_ =	shalt  }
0x43: {  	_ =	shalt  }
0x44: {  	_ =	shalt  }
0x45: {  	_ =	shalt  }
0x46: {  	_ =	shalt  }
0x47: {  	_ =	shalt  }
0x48: {  	_ =	shalt  }
0x49: {  	_ =	shalt  }
0x4a: {  	_ =	shalt  }
0x4b: {  	_ =	shalt  }
0x4c: {  	_ =	shalt  }
0x4d: {  	_ =	shalt  }
0x4e: {  	_ =	shalt  }
0x4f: {  	_ =	shalt  }
0x50: {  	_ =	shalt  }
0x51: {  	_ =	shalt  }
0x52: {  	_ =	shalt  }
0x53: {  	_ =	shalt  }
0x54: {  	_ =	shalt  }
0x55: {  	_ =	shalt  }
0x56: {  	_ =	shalt  }
0x57: {  	_ =	shalt  }
0x58: {  	_ =	shalt  }
0x59: {  	_ =	shalt  }
0x5a: {  	_ =	shalt  }
0x5b: {  	_ =	shalt  }
0x5c: {  	_ =	shalt  }
0x5d: {  	_ =	shalt  }
0x5e: {  	_ =	shalt  }
0x5f: {  	_ =	shalt  }
0x60: {  	_ =	shalt  }
0x61: {  	_ =	shalt  }
0x62: {  	_ =	shalt  }
0x63: {  	_ =	shalt  }
0x64: {  	_ =	shalt  }
0x65: {  	_ =	shalt  }
0x66: {  	_ =	shalt  }
0x67: {  	_ =	shalt  }
0x68: {  	_ =	shalt  }
0x69: {  	_ =	shalt  }
0x6a: {  	_ =	shalt  }
0x6b: {  	_ =	shalt  }
0x6c: {  	_ =	shalt  }
0x6d: {  	_ =	shalt  }
0x6e: {  	_ =	shalt  }
0x6f: {  	_ =	shalt  }
0x70: {  	_ =	shalt  }
0x71: {  	_ =	shalt  }
0x72: {  	_ =	shalt  }
0x73: {  	_ =	shalt  }
0x74: {  	_ =	shalt  }
0x75: {  	_ =	shalt  }
0x76: {  	_ =	shalt  }
0x77: {  	_ =	shalt  }
0x78: {  	_ =	shalt  }
0x79: {  	_ =	shalt  }
0x7a: {  	_ =	shalt  }
0x7b: {  	_ =	shalt  }
0x7c: {  	_ =	shalt  }
0x7d: {  	_ =	shalt  }
0x7e: {  	_ =	shalt  }
0x7f: {  	_ =	shalt  }
0x80: {  	_ =	shalt  }
0x81: {  	_ =	shalt  }
0x82: {  	_ =	shalt  }
0x83: {  	_ =	shalt  }
0x84: {  	_ =	shalt  }
0x85: {  	_ =	shalt  }
0x86: {  	_ =	shalt  }
0x87: {  	_ =	shalt  }
.Lfunc_end0:
.L_simem_size_0:
called_computation_lowered:
.L_overlay_start_0:
0x88: {  	s2 =	sld [smem:$0x3FD9]  }
0x89: {  	s3 =	sld [smem:$0x3FFE];
	_ =	sdelay $0x1  }
0x8a: {  	s1 =	srdreg.scid  }
0x8b: {  	s0 =	sand.u32 $0x1, s1  }
0x8c: {  	s17 =	sshll.u32 s0, $0xA;
	s2 =	sadd.s32 s3, s2  }
0x8d: {  	s2 =	sadd.s32 s2, s17  }
0x8e: {  	[smem:$0x3FC2] =	sst s2  }
0x8f: {  	_ = 	snop  }
0x90: {  	s2 =	sld [smem:$0x3FD0];
	(tm) =	ssettm $0x1  }
0x91: {  	s18 =	sld [smem:$0x3FFB];
	_ =	sdelay $0x3  }
0x92: {  	_ =	strace s18  }
0x93: {  	s3 =	sld [smem:$0x3FFC];
	_ =	sdelay $0x3  }
0x94: {  	_ =	strace s3  }
0x95: {  	s3 =	sld [smem:$0x3FFD];
	_ =	sdelay $0x3  }
0x96: {  	_ =	strace s3  }
0x97: {  	_ =	strace $0x8FFFFFFF  }
0x98: {  	s19 =	sld [smem:$0x3FDB];
	_ =	sdelay $0x1  }
0x99: {  	s4 =	simm.s32 $_scs_section_size  }
0x9a: {  	s5 =	simm.s32 $_size__tile_overlayer_lowered;
	s6 =	simm.s32 $_tile_overlayer_lowered  }
0x9b: {  	s22 =	simm.s32 $0x1BFF;
	s21 =	sshll.u32 s6, $0x1;
	s3 =	sadd.s32 s4, s19  }
0x9c: {  	s7 =	simm.s32 $0x0;
	s20 =	sshll.u32 s5, $0x1;
	s5 =	sadd.s32 s21, s3  }
0x9d: {  	[timem:s7], [sflag:s22] =	dma.local [hbm:s5], s20  }
0x9e: {  	_ =	swait.ge [sflag:s22], s20  }
0x9f: {  	s4 =	ssub.s32 $0x0, s20;
	[sflag:s22] =	ssyncset.done $0x0  }
0xa0: {  	[sflag:s22] =	ssyncadd.s32 s4;
	_ =	sdelay $0x1  }
0xa1: {  	s23 =	simm.s32 $0x1B8B  }
0xa2: {  	_ =	swait.ge [sflag:s23], $0x1  }
0xa3: {  	[sflag:s23] =	ssyncset.done $0x0  }
0xa4: {  	s25 =	simm.s32 $0x1B8E;
	s24 =	sld [smem:$0x3FFE];
	[sflag:s23] =	ssyncadd.s32 $0xFFFFFFFF  }
0xa5: {  	s26 =	simm.s32 $execute0_lowered;
	[smem:$0x3FD2] =	sst s25  }
0xa6: {  	s5 =	sshll.u32 s26, $0x1;
	_ =	strace $0x80000046;
	[dreg:$0x1] =	wrdreg $0xFFFFFFFF  }
0xa7: {  	s28 =	simm.s32 $_size_execute0_lowered;
	s3 =	sadd.s32 s3, s5;
	[dreg:$0x0] =	wrdreg $0x0  }
0xa8: {  	s5 =	sshll.u32 s28, $0x1;
	[dreg:$0x2] =	wrdreg s3  }
0xa9: {  	[dreg:$0x3] =	wrdreg s5  }
0xaa: {  	[dreg:$0x4] =	wrdreg $0xC0  }
0xab: {  	_ =	task [dreg:s7], $0x5FFFF  }
0xac: {  	[dreg:$0x1] =	wrdreg $0xFFFFFFFF  }
0xad: {  	[dreg:$0x0] =	wrdreg $0x60  }
0xae: {  	[dreg:$0x2] =	wrdreg s24  }
0xaf: {  	[dreg:$0x3] =	wrdreg s2  }
0xb0: {  	[dreg:$0x4] =	wrdreg $0x2B000  }
0xb1: {  	[dreg:$0x5] =	wrdreg $0x9  }
0xb2: {  	_ =	task.clear_ibuf [dreg:s7], $0x6FFFF;
	_ =	strace $0x90000046  }
0xb3: {  	s29 =	simm.s32 $0x9;
	_ =	strace $0x80000048  }
0xb4: {  	_ =	swait.ge [sflag:s29], $0x1  }
0xb5: {  	[sflag:s29] =	ssyncadd.s32 $0xFFFFFFFF  }
0xb6: {  	_ =	strace $0x90000048  }
0xb7: {  	_ =	sfence  }
0xb8: {  	s30 =	sld [smem:$0x0];
	_ =	sdelay $0x2  }
0xb9: {  	s31 =	sshll.u32 s1, $0xD;
	s1 =	sshrl.u32 s1, $0x2  }
0xba: {  	s3 =	sand.u32 $0x4000, s31;
	s1 =	sadd.s32 s1, s30  }
0xbb: {  	s0 =	sor.u32 s3, s0;
	s1 =	sshll.u32 s1, $0x11  }
0xbc: {  	s0 =	sor.u32 s1, s0  }
0xbd: {  	s0 =	sadd.s32 $0x8F2B, s0  }
0xbe: {  	[sflag:s0] =	ssyncadd.remote.s32 $0x1  }
0xbf: {  	_ =	sfence.sel $0xFFFF  }
0xc0: {  	[dreg:$0x0] =	wrdreg $0xFFFFFFFF;
	(pc) =	sbr.abs _section_cstart, $3  }
0xc1: {  	[dreg:$0x1] =	wrdreg $0xFFFFFFFF  }
0xc2: {  	_ =	task.clear_ibuf [dreg:s7], $0x2FFFF;
	_ =	strace $0x9FFFFFFF  }
0xc3: {  	(tm) =	ssettm $0x7FFFFFFF  }
tec
execute0_lowered:
.L_overlay_start_1:
0x0: {  	(tag) =	ssettag $0x1  }
0x1: {  	s4 =	rddreg [dreg:$0x0]  }
0x2: {  	s0 =	srdreg.scid;
	s6 =	rddreg [dreg:$0x1]  }
0x3: {  	s2 =	rddreg [dreg:$0x2];
	s3 =	simm.s32 $0x0;
	s11 =	simm.s32 $0x2800  }
0x4: {  	s12 =	simm.s32 $0x100;
	s5 =	sand.u32 $0x1, s0;
	s0 =	stileid.u32  }
0x5: {  	s13 =	simm.s32 $0x0;
	[smem:$0x7FF] =	sst s3;
	s8 =	smul.u32 $0xA00, s0  }
0x6: {  	s1 =	sshll.u32 s5, $0x4;
	s9 =	smul.u32 $0x500, s0;
	s29 =	ssub.s32 $0x2, s5  }
0x7: {  	s5 =	sshll.u32 s5, $0x7;
	s7 =	sor.u32 s0, s1;
	s1 =	rddreg [dreg:$0x3]  }
0x8: {  	_ =	strace $0x80000047;
	s10 =	sshrl.u32 s29, $0x1;
	s7 =	smul.u32 $0x500, s7  }
0x9: {  	s8 =	sshrl.u32 s8, $0x2;
	s5 =	sor.u32 s5, s9;
	s30 =	ssub.s32 s29, s10  }
0xa: {  	s9 =	simm.s32 $0x1;
	s10 =	simm.s32 $0x80;
	s31 =	sshrl.u32 s5, $0x3  }
0xb: {  	s7 =	sadd.s32 s7, s4;
	s4 =	sadd.s32 s8, s2;
	s6 =	sadd.s32 s6, s31  }
0xc: {  	v0 =	vimm.f32 $0.0e+00;
	v1 =	vimm.f32 $1.000000000e+00;
	s8 =	simm.s32 $0x2880;
	s5 =	sadd.s32 $0x2200, s7;
	s7 =	smax.u32 s30, $0x1  }
.LBB2_1:
0xd: {  	[tilespmem:$0x2880] =	vst v0  }
0xe: {  	[tilespmem:$0x2890] =	vst v0  }
0xf: {  	[tilespmem:$0x28A0] =	vst v0  }
0x10: {  	[tilespmem:$0x28B0] =	vst v0  }
0x11: {  	[tilespmem:$0x28C0] =	vst v0  }
0x12: {  	[tilespmem:$0x28D0] =	vst v0  }
0x13: {  	[tilespmem:$0x28E0] =	vst v0  }
0x14: {  	[tilespmem:$0x28F0] =	vst v0  }
0x15: {  	[tilespmem:$0x2900] =	vst v0  }
0x16: {  	[tilespmem:$0x2910] =	vst v0  }
0x17: {  	[tilespmem:$0x2920] =	vst v0  }
0x18: {  	[tilespmem:$0x2930] =	vst v0  }
0x19: {  	[tilespmem:$0x2940] =	vst v0  }
0x1a: {  	[tilespmem:$0x2950] =	vst v0  }
0x1b: {  	[tilespmem:$0x2960] =	vst v0  }
0x1c: {  	[tilespmem:$0x2970] =	vst v0  }
0x1d: {  	[tilespmem:$0x2980] =	vst v0  }
0x1e: {  	[tilespmem:$0x2990] =	vst v0  }
0x1f: {  	[tilespmem:$0x29A0] =	vst v0  }
0x20: {  	[tilespmem:$0x29B0] =	vst v0  }
0x21: {  	[tilespmem:$0x29C0] =	vst v0  }
0x22: {  	[tilespmem:$0x29D0] =	vst v0  }
0x23: {  	[tilespmem:$0x29E0] =	vst v0  }
0x24: {  	[tilespmem:$0x29F0] =	vst v0  }
0x25: {  	[tilespmem:$0x2A00] =	vst v0  }
0x26: {  	[tilespmem:$0x2A10] =	vst v0  }
0x27: {  	[tilespmem:$0x2A20] =	vst v0  }
0x28: {  	[tilespmem:$0x2A30] =	vst v0  }
0x29: {  	[tilespmem:$0x2A40] =	vst v0  }
0x2a: {  	[tilespmem:$0x2A50] =	vst v0  }
0x2b: {  	[tilespmem:$0x2A60] =	vst v0  }
0x2c: {  	[tilespmem:$0x2A70] =	vst v0  }
0x2d: {  	[tilespmem:$0x2A80] =	vst v0  }
0x2e: {  	[tilespmem:$0x2A90] =	vst v0  }
0x2f: {  	[tilespmem:$0x2AA0] =	vst v0  }
0x30: {  	[tilespmem:$0x2AB0] =	vst v0  }
0x31: {  	[tilespmem:$0x2AC0] =	vst v0  }
0x32: {  	[tilespmem:$0x2AD0] =	vst v0  }
0x33: {  	[tilespmem:$0x2AE0] =	vst v0  }
0x34: {  	[tilespmem:$0x2AF0] =	vst v0  }
0x35: {  	[tilespmem:$0x2800] =	vst v1  }
0x36: {  	[tilespmem:$0x2810] =	vst v1  }
0x37: {  	[tilespmem:$0x2820] =	vst v1  }
0x38: {  	[tilespmem:$0x2830] =	vst v1  }
0x39: {  	[tilespmem:$0x2840] =	vst v1  }
0x3a: {  	[tilespmem:$0x2850] =	vst v1  }
0x3b: {  	[tilespmem:$0x2860] =	vst v1  }
0x3c: {  	[tilespmem:$0x2870] =	vst v1  }
0x3d: {  	[spmem:s4] =	stream.linear.scatter [tilespmem:s8], [sflag:$0x1], $0x280, $0x38;
	[tilespmem:$0x2D80] =	vst v63  }
0x3e: {  	_ =	swait.ge [sflag:s9], $0x280  }
0x3f: {  	[sflag:s9] =	ssyncset.done $0x0  }
0x40: {  	[sflag:s9] =	ssyncadd.s32 $0xFFFFFD80  }
0x41: {  	[tilespmem:s3], [sflag:$0x1] =	stream.linear.gather [hbm4b:s5+s3], $0x2800, $0x38;
	[tilespmem:$0x2D80] =	vst v63  }
0x42: {  	_ =	swait.ge [sflag:s9], $0x2800  }
0x43: {  	[sflag:s9] =	ssyncset.done $0x0  }
0x44: {  	[sflag:s9] =	ssyncadd.s32 $0xFFFFD800  }
0x45: {  	s14 =	simm.s32 $0x0;
	[bflag:$0x0] =	sbarrier.arrive $0xFFFF  }
0x46: {  	[spmem:s2] =	stream.indirect.scatter.add.f32 [tilespmem:s11], [sflag:$0x1], $0x1, s14, s10, $0xb8;
	[tilespmem:$0x2D80] =	vst v63  }
0x47: {  	_ =	swait.ge [sflag:s9], $0x80  }
0x48: {  	s14 =	simm.s32 $0x200;
	[sflag:s9] =	ssyncset.done $0x0  }
.LBB2_2:
0x49: {  	s15 =	sshra.s32 s14, $0x2;
	[sflag:s9] =	ssyncadd.s32 $0xFFFFFF80;
	p0 =	sne.s32 s14, $0x9E00  }
0x4a: {  	[spmem:s2] =	stream.indirect.scatter.add.f32 [tilespmem:s11], [sflag:$0x1], $0x1, s15, s10, $0xb8;
	[tilespmem:$0x2D80] =	vst v63  }
.Ltmp0:
0x4b: {  	_ = 	snop;
	(pc) =	sbr.rel @p0 .LBB2_2-.Ltmp0, $4  }
0x4c: {  	_ = 	snop  }
0x4d: {  	s14 =	sadd.s32 $0x200, s14  }
0x4e: {  	_ =	swait.ge [sflag:s9], $0x80  }
0x4f: {  	[sflag:s9] =	ssyncset.done $0x0  }
0x50: {  	[sflag:s9] =	ssyncadd.s32 $0xFFFFFF80  }
0x51: {  	[bflag:$0x0] =	sbarrier.arrive $0xFFFF  }
0x52: {  	[tilespmem:s8], [sflag:$0x1] =	stream.linear.gather [spmem:s4], $0x280, $0x38;
	[tilespmem:$0x2D80] =	vst v63  }
0x53: {  	s13 =	sadd.s32 $0x1, s13;
	_ =	swait.ge [sflag:s9], $0x280  }
0x54: {  	p0 =	sne.s32 s13, s7;
	[sflag:s9] =	ssyncset.done $0x0  }
.Ltmp1:
0x55: {  	[sflag:s9] =	ssyncadd.s32 $0xFFFFFD80;
	(pc) =	sbr.rel @p0 .LBB2_1-.Ltmp1, $4  }
0x56: {  	[hbm4b:s6+s10] =	stream.strided.scatter [tilespmem:s8], [sflag:$0x1], $0x280, s12, s10, $0x38;
	[tilespmem:$0x2D80] =	vst v63  }
0x57: {  	_ =	swait.ge [sflag:s9], $0x280  }
0x58: {  	[sflag:s9] =	ssyncset.done $0x0  }
0x59: {  	[sflag:s9] =	ssyncadd.s32 $0xFFFFFD80  }
0x5a: {  	_ =	sfence.sel $0x180000  }
0x5b: {  	[bflag:$0x0] =	sbarrier.arrive $0xFFFF  }
0x5c: {  	p0 =	sne.s32 s0, $0x0;
	_ =	strace $0x90000047  }
0x5d: {  	s0 =	sadd.s32 @!p0 $0x100000, s1;
	[bflag:$0x2] =	sbarrier.arrive $0xFFFF  }
0x5e: {  	[sflag:s0] =	ssyncadd.tile.s32 @!p0 $0x1;
	_ =	shalt  }
.Lfunc_end2:
_tile_overlayer_lowered:
.L_overlay_start_2:
0x5f: {  	(tag) =	ssettag $0x2  }
0x60: {  	s0 =	rddreg [dreg:$0x0];
	s2 =	stileid.u32  }
0x61: {  	s1 =	rddreg [dreg:$0x1];
	p0 =	sne.s32 s2, $0x0  }
0x62: {  	s3 =	rddreg [dreg:$0x2];
	[bflag:$0x3] =	sbarrier.arrive $0xFFFF;
	s2 =	simm.s32 @!p0 $0x1C01  }
0x63: {  	[timem:s3], [sflag:s2] =	dma.local @!p0 [hbm:s0], s1  }
0x64: {  	s0 =	simm.s32 @!p0 $0x1  }
0x65: {  	_ =	swait.ge @!p0 [sflag:s0], s1  }
0x66: {  	s1 =	ssub.s32 @!p0 $0x0, s1;
	[sflag:s0] =	ssyncset.done @!p0 $0x0  }
0x67: {  	[sflag:s0] =	ssyncadd.s32 @!p0 s1  }
0x68: {  	[bflag:$0x3] =	sbarrier.arrive $0xFFFF  }
0x69: {  	_ =	shalt  }

</sc_bundles>
